<compile_context>
chip_gen: v7x
topology: tpu7x:2x2x1
jax: 0.10.2.dev20260603
libtpu: 0.0.44.dev20260713+nightly
codegen_flags: <defaults>
</compile_context>

<pallas_src>
import functools

import jax
import jax.numpy as jnp
from jax import lax
from jax.experimental import pallas as pl
from jax.experimental.pallas import tpu as pltpu
from jax.experimental.pallas import tpu_sc as plsc

LANES = 16
ROW_BLK = 1000
CHUNK = 80


def _sc_info():
    info = plsc.get_sparse_core_info()
    return info.num_cores, info.num_subcores


def _sc_degree(dst, zeros_n, n_nodes):
    nc, ns = _sc_info()
    e = dst.shape[0]
    epw = e // (nc * ns)
    nchunks = epw // CHUNK
    mesh = plsc.VectorSubcoreMesh(core_axis_name="c", subcore_axis_name="s")

    @functools.partial(
        pl.kernel,
        mesh=mesh,
        out_type=jax.ShapeDtypeStruct((nc, n_nodes), jnp.float32),
        scratch_types=[
            pltpu.VMEM((CHUNK,), jnp.int32),
            pltpu.VMEM((CHUNK,), jnp.float32),
            pltpu.VMEM_SHARED((n_nodes,), jnp.float32),
        ],
    )
    def k(dst_hbm, z_hbm, out_hbm, didx, ones_v, acc):
        c = lax.axis_index("c")
        s = lax.axis_index("s")
        one = jnp.ones((LANES,), jnp.float32)
        for j in range(CHUNK // LANES):
            ones_v[pl.ds(j * LANES, LANES)] = one

        @pl.when(s == 0)
        def _():
            pltpu.sync_copy(z_hbm, acc)

        plsc.subcore_barrier()
        base = (c * ns + s) * epw

        def body(i, carry):
            off = base + i * CHUNK
            pltpu.sync_copy(dst_hbm.at[pl.ds(off, CHUNK)], didx)
            pltpu.sync_copy(ones_v, acc.at[didx], add=True)
            return carry

        lax.fori_loop(0, nchunks, body, 0)
        plsc.subcore_barrier()

        @pl.when(s == 0)
        def _():
            pltpu.sync_copy(acc, out_hbm.at[c])

    return k(dst, zeros_n)


def _rows_per_tile(n, ns):
    return (-(-n // ns) + 7) // 8 * 8


def _sc_aggregate(g, edges4, zeros):
    nc, ns = _sc_info()
    n, d = g.shape
    nw, nchunks, _, chunk = edges4.shape
    rpt = _rows_per_tile(n, ns)
    n_pad = rpt * ns
    mesh = plsc.VectorSubcoreMesh(core_axis_name="c", subcore_axis_name="s")

    @functools.partial(
        pl.kernel,
        mesh=mesh,
        out_type=jax.ShapeDtypeStruct((nc, n_pad, d), jnp.float32),
        scratch_types=[
            pltpu.VMEM((2, 2, chunk), jnp.int32),
            pltpu.VMEM((2, chunk, d), jnp.float32),
            pltpu.VMEM_SHARED((n_pad, d), jnp.float32),
            pltpu.SemaphoreType.DMA((2,)),
            pltpu.SemaphoreType.DMA((2,)),
        ],
    )
    def k(g_hbm, e_hbm, z_hbm, out_hbm, idx, rows, acc, isem, gsem):
        c = lax.axis_index("c")
        s = lax.axis_index("s")
        w = c * ns + s
        pltpu.sync_copy(e_hbm.at[w, 0], idx.at[0])
        pltpu.async_copy(e_hbm.at[w, 1], idx.at[1], isem.at[1])
        pltpu.async_copy(g_hbm.at[idx.at[0, 0]], rows.at[0], gsem.at[0])
        pltpu.sync_copy(z_hbm.at[pl.ds(s * rpt, rpt)], acc.at[pl.ds(s * rpt, rpt)])
        plsc.subcore_barrier()

        def body(i, carry):
            b = lax.rem(i, 2)
            nb = lax.rem(i + 1, 2)

            @pl.when(i + 1 < nchunks)
            def _():
                pltpu.make_async_copy(e_hbm.at[w, 0], idx.at[nb], isem.at[nb]).wait()
                pltpu.async_copy(g_hbm.at[idx.at[nb, 0]], rows.at[nb], gsem.at[nb])

            pltpu.make_async_copy(g_hbm.at[idx.at[b, 0]], rows.at[b], gsem.at[b]).wait()
            pltpu.sync_copy(rows.at[b], acc.at[idx.at[b, 1]], add=True)

            @pl.when(i + 2 < nchunks)
            def _():
                pltpu.async_copy(e_hbm.at[w, i + 2], idx.at[b], isem.at[b])

            return carry

        lax.fori_loop(0, nchunks, body, 0)
        plsc.subcore_barrier()
        pltpu.sync_copy(acc.at[pl.ds(s * rpt, rpt)], out_hbm.at[c, pl.ds(s * rpt, rpt)])

    return k(g, edges4, zeros)


def _tc_dinv(deg_part, n):
    nw = deg_part.shape[0]

    def body(deg_ref, dinv_ref):
        ones = jnp.ones((nw, 1), jnp.float32)
        deg = lax.dot_general(
            deg_ref[...], ones, (((0,), (0,)), ((), ())),
            preferred_element_type=jnp.float32,
        )
        dinv_ref[...] = lax.rsqrt(deg + 1.0)

    return pl.pallas_call(
        body,
        out_shape=jax.ShapeDtypeStruct((n, 1), jnp.float32),
    )(deg_part)


def _tc_first(x, w1, dinv2):
    n, d = x.shape
    grid = n // ROW_BLK

    def body(x_ref, w_ref, dinv_ref, g_ref):
        g_ref[...] = (
            jnp.dot(x_ref[...], w_ref[...], preferred_element_type=jnp.float32)
            * dinv_ref[...]
        )

    return pl.pallas_call(
        body,
        grid=(grid,),
        in_specs=[
            pl.BlockSpec((ROW_BLK, d), lambda i: (i, 0)),
            pl.BlockSpec((d, d), lambda i: (0, 0)),
            pl.BlockSpec((ROW_BLK, 1), lambda i: (i, 0)),
        ],
        out_specs=pl.BlockSpec((ROW_BLK, d), lambda i: (i, 0)),
        out_shape=jax.ShapeDtypeStruct((n, d), jnp.float32),
    )(x, w1, dinv2)


def _tc_mid(p, g, dinv2, b_prev, w_next):
    n, d = g.shape
    nc, n_pad, _ = p.shape
    grid = n // ROW_BLK

    def body(p_ref, g_ref, dinv_ref, b_ref, w_ref, out_ref):
        dinv = dinv_ref[...]
        ps = jnp.sum(p_ref[...], axis=0)
        h = (ps + g_ref[...]) * dinv + b_ref[...]
        h = jnp.maximum(h, 0.0)
        out_ref[...] = (
            jnp.dot(h, w_ref[...], preferred_element_type=jnp.float32) * dinv
        )

    return pl.pallas_call(
        body,
        grid=(grid,),
        in_specs=[
            pl.BlockSpec((nc, ROW_BLK, d), lambda i: (0, i, 0)),
            pl.BlockSpec((ROW_BLK, d), lambda i: (i, 0)),
            pl.BlockSpec((ROW_BLK, 1), lambda i: (i, 0)),
            pl.BlockSpec((1, d), lambda i: (0, 0)),
            pl.BlockSpec((d, d), lambda i: (0, 0)),
        ],
        out_specs=pl.BlockSpec((ROW_BLK, d), lambda i: (i, 0)),
        out_shape=jax.ShapeDtypeStruct((n, d), jnp.float32),
    )(p, g, dinv2, b_prev, w_next)


def _tc_last(p, g, dinv2, b):
    n, d = g.shape
    nc, n_pad, _ = p.shape
    grid = n // ROW_BLK

    def body(p_ref, g_ref, dinv_ref, b_ref, out_ref):
        ps = jnp.sum(p_ref[...], axis=0)
        out_ref[...] = (ps + g_ref[...]) * dinv_ref[...] + b_ref[...]

    return pl.pallas_call(
        body,
        grid=(grid,),
        in_specs=[
            pl.BlockSpec((nc, ROW_BLK, d), lambda i: (0, i, 0)),
            pl.BlockSpec((ROW_BLK, d), lambda i: (i, 0)),
            pl.BlockSpec((ROW_BLK, 1), lambda i: (i, 0)),
            pl.BlockSpec((1, d), lambda i: (0, 0)),
        ],
        out_specs=pl.BlockSpec((ROW_BLK, d), lambda i: (i, 0)),
        out_shape=jax.ShapeDtypeStruct((n, d), jnp.float32),
    )(p, g, dinv2, b)


def kernel(x, edge_index, W1, b1, W2, b2, W3, b3, W4, b4):
    n, d = x.shape
    src = edge_index[0].astype(jnp.int32)
    dst = edge_index[1].astype(jnp.int32)
    nc, ns = _sc_info()
    nw = nc * ns
    e = src.shape[0]
    epw = e // nw
    edges4 = jnp.stack(
        [src.reshape(nw, epw // CHUNK, CHUNK), dst.reshape(nw, epw // CHUNK, CHUNK)],
        axis=2,
    )
    n_pad = _rows_per_tile(n, ns) * ns
    zeros = jnp.zeros((n_pad, d), jnp.float32)
    zeros_n = jnp.zeros((n,), jnp.float32)

    deg_part = _sc_degree(dst, zeros_n, n)
    dinv2 = _tc_dinv(deg_part, n)
    g = _tc_first(x, W1, dinv2)
    for b_prev, w_next in ((b1, W2), (b2, W3), (b3, W4)):
        p = _sc_aggregate(g, edges4, zeros)
        g = _tc_mid(p, g, dinv2, b_prev.reshape(1, d), w_next)
    p = _sc_aggregate(g, edges4, zeros)
    return _tc_last(p, g, dinv2, b4.reshape(1, d))

# --- scband reference (transcript-rebuilt; emitter-appended) ---
"""Pipeline reference for scband-drone-gnn-31387620999361 (READ-ONLY COPY).

The authoritative reference and input builder live on the scoring server;
editing this copy changes nothing except your own understanding.
"""

import jax, jax.numpy as jnp
import numpy as np

N_NODES = 10000
N_EDGES = 320000
D_IN = 128
D_HID = 128
D_OUT = 128


def _gcn_conv(x, src, dst, W, b, n_nodes):
    # x: [N, d_in], src/dst: [E2] (with self loops), W: [d_in, d_out], b: [d_out]
    h = x @ W
    ones = jnp.ones(src.shape[0], dtype=h.dtype)
    deg = jax.ops.segment_sum(ones, dst, num_segments=n_nodes)
    dinv = jnp.where(deg > 0, jax.lax.rsqrt(deg), 0.0)
    norm = dinv[src] * dinv[dst]
    msg = h[src] * norm[:, None]
    out = jax.ops.segment_sum(msg, dst, num_segments=n_nodes)
    return out + b


def setup_inputs(seed: int = 0) -> dict:
    key = jax.random.key(seed)
    ks = jax.random.split(key, 10)
    x = jax.random.normal(ks[0], (N_NODES, D_IN), dtype=jnp.float32)
    edge_index = jax.random.randint(ks[1], (2, N_EDGES), 0, N_NODES, dtype=jnp.int64)
    def glorot(k, fan_in, fan_out):
        s = jnp.sqrt(6.0 / (fan_in + fan_out))
        return jax.random.uniform(k, (fan_in, fan_out), jnp.float32, -s, s)
    W1 = glorot(ks[2], D_IN, D_HID)
    W2 = glorot(ks[3], D_HID, D_HID)
    W3 = glorot(ks[4], D_HID, D_HID)
    W4 = glorot(ks[5], D_HID, D_OUT)
    b1 = jnp.zeros((D_HID,), jnp.float32)
    b2 = jnp.zeros((D_HID,), jnp.float32)
    b3 = jnp.zeros((D_HID,), jnp.float32)
    b4 = jnp.zeros((D_OUT,), jnp.float32)
    return {"x": x, "edge_index": edge_index, "W1": W1, "b1": b1, "W2": W2, "b2": b2, "W3": W3, "b3": b3, "W4": W4, "b4": b4}


def reference(x, edge_index, W1, b1, W2, b2, W3, b3, W4, b4):
    n = x.shape[0]
    loops = jnp.arange(n, dtype=edge_index.dtype)
    src = jnp.concatenate([edge_index[0], loops])
    dst = jnp.concatenate([edge_index[1], loops])
    h = jax.nn.relu(_gcn_conv(x, src, dst, W1, b1, n))
    h = jax.nn.relu(_gcn_conv(h, src, dst, W2, b2, n))
    h = jax.nn.relu(_gcn_conv(h, src, dst, W3, b3, n))
    h = _gcn_conv(h, src, dst, W4, b4, n)
    return h

if __name__ == "__main__":
    import jax
    _d = setup_inputs()
    print(jax.jit(kernel)(*tuple(_d.values())))

</pallas_src>

<mosaic_0001>
#map = affine_map<(d0, d1) -> (0, 0)>
#map1 = affine_map<(d0, d1) -> (0, 0, 0, 0)>
#map2 = affine_map<(d0, d1) -> (0, 0, 0)>
module attributes {stable_mosaic.version = 14 : i64} {
  func.func @k(%arg0: i32, %arg1: i32, %arg2: memref<10000x128xf32, #tpu.memory_space<hbm>>, %arg3: memref<32x125x2x80xi32, #tpu.memory_space<hbm>>, %arg4: memref<10112x128xf32, #tpu.memory_space<hbm>>, %arg5: memref<2x10112x128xf32, #tpu.memory_space<hbm>>, %arg6: memref<2x2x80xi32, #tpu.memory_space<vmem>>, %arg7: memref<2x80x128xf32, #tpu.memory_space<vmem>>, %arg8: memref<10112x128xf32, #tpu.memory_space<vmem_shared>>, %arg9: memref<2x!tpu.dma_semaphore, #tpu.memory_space<semaphore_mem>>, %arg10: memref<2x!tpu.dma_semaphore, #tpu.memory_space<semaphore_mem>>) attributes {dimension_semantics = [#tpu.dimension_semantics<core_parallel>, #tpu.dimension_semantics<subcore_parallel>], iteration_bounds = array<i64: 2, 16>, scalar_prefetch = 0 : i64, scratch_operands = 5 : i64, tpu.core_type = #tpu.core_type<sc_vector_subcore>, window_params = [{transform_indices = #map}, {transform_indices = #map1}, {transform_indices = #map}, {transform_indices = #map2}]} {
    %mul3A = arith.constant 16 : i32
    %mul3A_0 = arith.muli %arg0, %mul3A : i32
    %add3A = arith.addi %mul3A_0, %arg1 : i32
    %run_scoped3A = arith.constant 0 : i32
    %run_scoped3A_1 = arith.constant 0 : i32
    "tpu.region"() ({
      %run_scoped3A_52 = tpu.sem_alloc : memref<!tpu.dma_semaphore, #tpu.memory_space<semaphore_mem>>
      %dma_start3A_53 = arith.constant 0 : i32
      %dma_start3A_54 = arith.constant 0 : i32
      %dma_start3A_55 = tpu.memref_slice %arg6[%run_scoped3A_1, %dma_start3A_53, %dma_start3A_54] : memref<2x2x80xi32, #tpu.memory_space<vmem>> -> memref<1x2x80xi32, #tpu.memory_space<vmem>>
      %dma_start3A_56 = tpu.memref_squeeze %dma_start3A_55 : memref<1x2x80xi32, #tpu.memory_space<vmem>> -> memref<2x80xi32, #tpu.memory_space<vmem>>
      %dma_start3A_57 = arith.constant 0 : i32
      %dma_start3A_58 = arith.constant 0 : i32
      %dma_start3A_59 = tpu.memref_slice %arg3[%add3A, %run_scoped3A, %dma_start3A_57, %dma_start3A_58] : memref<32x125x2x80xi32, #tpu.memory_space<hbm>> -> memref<1x1x2x80xi32, #tpu.memory_space<hbm>>
      %dma_start3A_60 = tpu.memref_squeeze %dma_start3A_59 : memref<1x1x2x80xi32, #tpu.memory_space<hbm>> -> memref<2x80xi32, #tpu.memory_space<hbm>>
      %dma_start3A_61 = arith.constant 0 : i32
      %dma_start3A_62 = arith.constant 0 : i32
      %dma_start3A_63 = tpu.memref_slice %arg6[%run_scoped3A_1, %dma_start3A_61, %dma_start3A_62] : memref<2x2x80xi32, #tpu.memory_space<vmem>> -> memref<1x2x80xi32, #tpu.memory_space<vmem>>
      %dma_start3A_64 = tpu.memref_squeeze %dma_start3A_63 : memref<1x2x80xi32, #tpu.memory_space<vmem>> -> memref<2x80xi32, #tpu.memory_space<vmem>>
      %dma_start3A_65 = arith.constant 0 : i32
      %dma_start3A_66 = arith.constant 0 : i32
      %dma_start3A_67 = tpu.memref_slice %arg3[%add3A, %run_scoped3A, %dma_start3A_65, %dma_start3A_66] : memref<32x125x2x80xi32, #tpu.memory_space<hbm>> -> memref<1x1x2x80xi32, #tpu.memory_space<hbm>>
      %dma_start3A_68 = tpu.memref_squeeze %dma_start3A_67 : memref<1x1x2x80xi32, #tpu.memory_space<hbm>> -> memref<2x80xi32, #tpu.memory_space<hbm>>
      tpu.enqueue_dma source(%dma_start3A_68 : memref<2x80xi32, #tpu.memory_space<hbm>>) target(%dma_start3A_64 : memref<2x80xi32, #tpu.memory_space<vmem>>) target_semaphore(%run_scoped3A_52 : memref<!tpu.dma_semaphore, #tpu.memory_space<semaphore_mem>>)
      %dma_wait3A = arith.constant 0 : i32
      %dma_wait3A_69 = arith.constant 0 : i32
      %dma_wait3A_70 = tpu.memref_slice %arg6[%run_scoped3A_1, %dma_wait3A, %dma_wait3A_69] : memref<2x2x80xi32, #tpu.memory_space<vmem>> -> memref<1x2x80xi32, #tpu.memory_space<vmem>>
      %dma_wait3A_71 = tpu.memref_squeeze %dma_wait3A_70 : memref<1x2x80xi32, #tpu.memory_space<vmem>> -> memref<2x80xi32, #tpu.memory_space<vmem>>
      %dma_wait3A_72 = arith.constant 0 : i32
      %dma_wait3A_73 = arith.constant 0 : i32
      %dma_wait3A_74 = tpu.memref_slice %arg3[%add3A, %run_scoped3A, %dma_wait3A_72, %dma_wait3A_73] : memref<32x125x2x80xi32, #tpu.memory_space<hbm>> -> memref<1x1x2x80xi32, #tpu.memory_space<hbm>>
      %dma_wait3A_75 = tpu.memref_squeeze %dma_wait3A_74 : memref<1x1x2x80xi32, #tpu.memory_space<hbm>> -> memref<2x80xi32, #tpu.memory_space<hbm>>
      %dma_wait3A_76 = arith.constant 0 : i32
      %dma_wait3A_77 = arith.constant 0 : i32
      %dma_wait3A_78 = tpu.memref_slice %arg6[%run_scoped3A_1, %dma_wait3A_76, %dma_wait3A_77] : memref<2x2x80xi32, #tpu.memory_space<vmem>> -> memref<1x2x80xi32, #tpu.memory_space<vmem>>
      %dma_wait3A_79 = tpu.memref_squeeze %dma_wait3A_78 : memref<1x2x80xi32, #tpu.memory_space<vmem>> -> memref<2x80xi32, #tpu.memory_space<vmem>>
      %dma_wait3A_80 = arith.constant 0 : i32
      %dma_wait3A_81 = arith.constant 0 : i32
      %dma_wait3A_82 = tpu.memref_slice %arg3[%add3A, %run_scoped3A, %dma_wait3A_80, %dma_wait3A_81] : memref<32x125x2x80xi32, #tpu.memory_space<hbm>> -> memref<1x1x2x80xi32, #tpu.memory_space<hbm>>
      %dma_wait3A_83 = tpu.memref_squeeze %dma_wait3A_82 : memref<1x1x2x80xi32, #tpu.memory_space<hbm>> -> memref<2x80xi32, #tpu.memory_space<hbm>>
      tpu.wait_dma2 semaphore(%run_scoped3A_52 : memref<!tpu.dma_semaphore, #tpu.memory_space<semaphore_mem>>) src(%dma_wait3A_83 : memref<2x80xi32, #tpu.memory_space<hbm>>) dst(%dma_wait3A_79 : memref<2x80xi32, #tpu.memory_space<vmem>>)
      tpu.yield
    }) : () -> ()
    %dma_start3A = arith.constant 1 : i32
    %dma_start3A_2 = arith.constant 1 : i32
    %dma_start3A_3 = arith.constant 1 : i32
    %dma_start3A_4 = arith.constant 0 : i32
    %dma_start3A_5 = arith.constant 0 : i32
    %dma_start3A_6 = tpu.memref_slice %arg6[%dma_start3A_2, %dma_start3A_4, %dma_start3A_5] : memref<2x2x80xi32, #tpu.memory_space<vmem>> -> memref<1x2x80xi32, #tpu.memory_space<vmem>>
    %dma_start3A_7 = tpu.memref_squeeze %dma_start3A_6 : memref<1x2x80xi32, #tpu.memory_space<vmem>> -> memref<2x80xi32, #tpu.memory_space<vmem>>
    %dma_start3A_8 = arith.constant 0 : i32
    %dma_start3A_9 = arith.constant 0 : i32
    %dma_start3A_10 = tpu.memref_slice %arg3[%add3A, %dma_start3A, %dma_start3A_8, %dma_start3A_9] : memref<32x125x2x80xi32, #tpu.memory_space<hbm>> -> memref<1x1x2x80xi32, #tpu.memory_space<hbm>>
    %dma_start3A_11 = tpu.memref_squeeze %dma_start3A_10 : memref<1x1x2x80xi32, #tpu.memory_space<hbm>> -> memref<2x80xi32, #tpu.memory_space<hbm>>
    %dma_start3A_12 = tpu.memref_slice %arg9[%dma_start3A_3] : memref<2x!tpu.dma_semaphore, #tpu.memory_space<semaphore_mem>> -> memref<1x!tpu.dma_semaphore, #tpu.memory_space<semaphore_mem>>
    %dma_start3A_13 = tpu.memref_squeeze %dma_start3A_12 : memref<1x!tpu.dma_semaphore, #tpu.memory_space<semaphore_mem>> -> memref<!tpu.dma_semaphore, #tpu.memory_space<semaphore_mem>>
    %dma_start3A_14 = arith.constant 0 : i32
    %dma_start3A_15 = arith.constant 0 : i32
    %dma_start3A_16 = tpu.memref_slice %arg6[%dma_start3A_2, %dma_start3A_14, %dma_start3A_15] : memref<2x2x80xi32, #tpu.memory_space<vmem>> -> memref<1x2x80xi32, #tpu.memory_space<vmem>>
    %dma_start3A_17 = tpu.memref_squeeze %dma_start3A_16 : memref<1x2x80xi32, #tpu.memory_space<vmem>> -> memref<2x80xi32, #tpu.memory_space<vmem>>
    %dma_start3A_18 = arith.constant 0 : i32
    %dma_start3A_19 = arith.constant 0 : i32
    %dma_start3A_20 = tpu.memref_slice %arg3[%add3A, %dma_start3A, %dma_start3A_18, %dma_start3A_19] : memref<32x125x2x80xi32, #tpu.memory_space<hbm>> -> memref<1x1x2x80xi32, #tpu.memory_space<hbm>>
    %dma_start3A_21 = tpu.memref_squeeze %dma_start3A_20 : memref<1x1x2x80xi32, #tpu.memory_space<hbm>> -> memref<2x80xi32, #tpu.memory_space<hbm>>
    tpu.enqueue_dma source(%dma_start3A_21 : memref<2x80xi32, #tpu.memory_space<hbm>>) target(%dma_start3A_17 : memref<2x80xi32, #tpu.memory_space<vmem>>) target_semaphore(%dma_start3A_13 : memref<!tpu.dma_semaphore, #tpu.memory_space<semaphore_mem>>)
    %dma_start3A_22 = arith.constant 0 : i32
    %dma_start3A_23 = arith.constant 0 : i32
    %dma_start3A_24 = arith.constant 0 : i32
    %dma_start3A_25 = arith.constant 0 : i32
    %dma_start3A_26 = arith.constant 0 : i32
    %dma_start3A_27 = arith.constant 0 : i32
    %dma_start3A_28 = tpu.memref_slice %arg7[%dma_start3A_24, %dma_start3A_26, %dma_start3A_27] : memref<2x80x128xf32, #tpu.memory_space<vmem>> -> memref<1x80x128xf32, #tpu.memory_space<vmem>>
    %dma_start3A_29 = tpu.memref_squeeze %dma_start3A_28 : memref<1x80x128xf32, #tpu.memory_space<vmem>> -> memref<80x128xf32, #tpu.memory_space<vmem>>
    %dma_start3A_30 = arith.constant 0 : i32
    %dma_start3A_31 = tpu.memref_slice %arg6[%dma_start3A_22, %dma_start3A_23, %dma_start3A_30] : memref<2x2x80xi32, #tpu.memory_space<vmem>> -> memref<1x1x80xi32, #tpu.memory_space<vmem>>
    %dma_start3A_32 = tpu.memref_squeeze %dma_start3A_31 : memref<1x1x80xi32, #tpu.memory_space<vmem>> -> memref<80xi32, #tpu.memory_space<vmem>>
    %dma_start3A_33 = arith.constant 0 : i32
    %dma_start3A_34 = arith.constant 0 : i32
    %dma_start3A_35 = tpu.memref_slice %arg2[%dma_start3A_33, %dma_start3A_34] : memref<10000x128xf32, #tpu.memory_space<hbm>> -> memref<10000x128xf32, #tpu.memory_space<hbm>>
    %dma_start3A_36 = tpu.memref_slice %arg10[%dma_start3A_25] : memref<2x!tpu.dma_semaphore, #tpu.memory_space<semaphore_mem>> -> memref<1x!tpu.dma_semaphore, #tpu.memory_space<semaphore_mem>>
    %dma_start3A_37 = tpu.memref_squeeze %dma_start3A_36 : memref<1x!tpu.dma_semaphore, #tpu.memory_space<semaphore_mem>> -> memref<!tpu.dma_semaphore, #tpu.memory_space<semaphore_mem>>
    tpu.enqueue_indirect_dma source(%dma_start3A_35 : memref<10000x128xf32, #tpu.memory_space<hbm>>) target(%dma_start3A_29 : memref<80x128xf32, #tpu.memory_space<vmem>>) offsets(%dma_start3A_32 : memref<80xi32, #tpu.memory_space<vmem>>) semaphore(%dma_start3A_37 : memref<!tpu.dma_semaphore, #tpu.memory_space<semaphore_mem>>)
    %mul3A_38 = arith.constant 632 : i32
    %mul3A_39 = arith.muli %arg1, %mul3A_38 : i32
    %mul3A_40 = arith.constant 632 : i32
    %mul3A_41 = arith.muli %arg1, %mul3A_40 : i32
    "tpu.region"() ({
      %run_scoped3A_52 = tpu.sem_alloc : memref<!tpu.dma_semaphore, #tpu.memory_space<semaphore_mem>>
      %dma_start3A_53 = arith.constant 0 : i32
      %dma_start3A_54 = tpu.memref_slice %arg8[%mul3A_41, %dma_start3A_53] : memref<10112x128xf32, #tpu.memory_space<vmem_shared>> -> memref<632x128xf32, #tpu.memory_space<vmem_shared>>
      %dma_start3A_55 = arith.constant 0 : i32
      %dma_start3A_56 = tpu.memref_slice %arg4[%mul3A_39, %dma_start3A_55] : memref<10112x128xf32, #tpu.memory_space<hbm>> -> memref<632x128xf32, #tpu.memory_space<hbm>>
      tpu.enqueue_dma source(%dma_start3A_56 : memref<632x128xf32, #tpu.memory_space<hbm>>) target(%dma_start3A_54 : memref<632x128xf32, #tpu.memory_space<vmem_shared>>) target_semaphore(%run_scoped3A_52 : memref<!tpu.dma_semaphore, #tpu.memory_space<semaphore_mem>>)
      %dma_wait3A = arith.constant 0 : i32
      %dma_wait3A_57 = tpu.memref_slice %arg8[%mul3A_41, %dma_wait3A] : memref<10112x128xf32, #tpu.memory_space<vmem_shared>> -> memref<632x128xf32, #tpu.memory_space<vmem_shared>>
      %dma_wait3A_58 = arith.constant 0 : i32
      %dma_wait3A_59 = tpu.memref_slice %arg4[%mul3A_39, %dma_wait3A_58] : memref<10112x128xf32, #tpu.memory_space<hbm>> -> memref<632x128xf32, #tpu.memory_space<hbm>>
      tpu.wait_dma2 semaphore(%run_scoped3A_52 : memref<!tpu.dma_semaphore, #tpu.memory_space<semaphore_mem>>) src(%dma_wait3A_59 : memref<632x128xf32, #tpu.memory_space<hbm>>) dst(%dma_wait3A_57 : memref<632x128xf32, #tpu.memory_space<vmem_shared>>)
      tpu.yield
    }) : () -> ()
    %barrier3A = arith.constant 0 : index
    tpu.barrier barrier_id(%barrier3A)
    %scan3A = arith.constant 0 : i32
    %scan3A_42 = arith.constant 0 : i32
    %scan3A_43 = arith.constant 125 : i32
    %scan3A_44 = arith.addi %scan3A_42, %scan3A_43 : i32
    %scan3A_45 = arith.constant 1 : i32
    scf.for %scan3A_52 = %scan3A_42 to %scan3A_44 step %scan3A_45  : i32 {
      %rem3A = arith.constant 2 : i32
      %rem3A_53 = arith.remsi %scan3A_52, %rem3A : i32
      %add3A_54 = arith.constant 1 : i32
      %add3A_55 = arith.addi %scan3A_52, %add3A_54 : i32
      %rem3A_56 = arith.constant 2 : i32
      %rem3A_57 = arith.remsi %add3A_55, %rem3A_56 : i32
      %add3A_58 = arith.constant 1 : i32
      %add3A_59 = arith.addi %scan3A_52, %add3A_58 : i32
      %lt3A = arith.constant 125 : i32
      %lt3A_60 = arith.cmpi slt, %add3A_59, %lt3A : i32
      %convert_element_type3A = arith.extui %lt3A_60 : i1 to i32
      %cond3A = arith.constant 0 : i32
      %cond3A_61 = arith.cmpi ne, %convert_element_type3A, %cond3A : i32
      scf.if %cond3A_61 {
        %dma_wait3A_82 = arith.constant 0 : i32
        %dma_wait3A_83 = arith.constant 0 : i32
        %dma_wait3A_84 = arith.constant 0 : i32
        %dma_wait3A_85 = tpu.memref_slice %arg6[%rem3A_57, %dma_wait3A_83, %dma_wait3A_84] : memref<2x2x80xi32, #tpu.memory_space<vmem>> -> memref<1x2x80xi32, #tpu.memory_space<vmem>>
        %dma_wait3A_86 = tpu.memref_squeeze %dma_wait3A_85 : memref<1x2x80xi32, #tpu.memory_space<vmem>> -> memref<2x80xi32, #tpu.memory_space<vmem>>
        %dma_wait3A_87 = arith.constant 0 : i32
        %dma_wait3A_88 = arith.constant 0 : i32
        %dma_wait3A_89 = tpu.memref_slice %arg3[%add3A, %dma_wait3A_82, %dma_wait3A_87, %dma_wait3A_88] : memref<32x125x2x80xi32, #tpu.memory_space<hbm>> -> memref<1x1x2x80xi32, #tpu.memory_space<hbm>>
        %dma_wait3A_90 = tpu.memref_squeeze %dma_wait3A_89 : memref<1x1x2x80xi32, #tpu.memory_space<hbm>> -> memref<2x80xi32, #tpu.memory_space<hbm>>
        %dma_wait3A_91 = tpu.memref_slice %arg9[%rem3A_57] : memref<2x!tpu.dma_semaphore, #tpu.memory_space<semaphore_mem>> -> memref<1x!tpu.dma_semaphore, #tpu.memory_space<semaphore_mem>>
        %dma_wait3A_92 = tpu.memref_squeeze %dma_wait3A_91 : memref<1x!tpu.dma_semaphore, #tpu.memory_space<semaphore_mem>> -> memref<!tpu.dma_semaphore, #tpu.memory_space<semaphore_mem>>
        %dma_wait3A_93 = arith.constant 0 : i32
        %dma_wait3A_94 = arith.constant 0 : i32
        %dma_wait3A_95 = tpu.memref_slice %arg6[%rem3A_57, %dma_wait3A_93, %dma_wait3A_94] : memref<2x2x80xi32, #tpu.memory_space<vmem>> -> memref<1x2x80xi32, #tpu.memory_space<vmem>>
        %dma_wait3A_96 = tpu.memref_squeeze %dma_wait3A_95 : memref<1x2x80xi32, #tpu.memory_space<vmem>> -> memref<2x80xi32, #tpu.memory_space<vmem>>
        %dma_wait3A_97 = arith.constant 0 : i32
        %dma_wait3A_98 = arith.constant 0 : i32
        %dma_wait3A_99 = tpu.memref_slice %arg3[%add3A, %dma_wait3A_82, %dma_wait3A_97, %dma_wait3A_98] : memref<32x125x2x80xi32, #tpu.memory_space<hbm>> -> memref<1x1x2x80xi32, #tpu.memory_space<hbm>>
        %dma_wait3A_100 = tpu.memref_squeeze %dma_wait3A_99 : memref<1x1x2x80xi32, #tpu.memory_space<hbm>> -> memref<2x80xi32, #tpu.memory_space<hbm>>
        tpu.wait_dma2 semaphore(%dma_wait3A_92 : memref<!tpu.dma_semaphore, #tpu.memory_space<semaphore_mem>>) src(%dma_wait3A_100 : memref<2x80xi32, #tpu.memory_space<hbm>>) dst(%dma_wait3A_96 : memref<2x80xi32, #tpu.memory_space<vmem>>)
        %dma_start3A_101 = arith.constant 0 : i32
        %dma_start3A_102 = arith.constant 0 : i32
        %dma_start3A_103 = arith.constant 0 : i32
        %dma_start3A_104 = tpu.memref_slice %arg7[%rem3A_57, %dma_start3A_102, %dma_start3A_103] : memref<2x80x128xf32, #tpu.memory_space<vmem>> -> memref<1x80x128xf32, #tpu.memory_space<vmem>>
        %dma_start3A_105 = tpu.memref_squeeze %dma_start3A_104 : memref<1x80x128xf32, #tpu.memory_space<vmem>> -> memref<80x128xf32, #tpu.memory_space<vmem>>
        %dma_start3A_106 = arith.constant 0 : i32
        %dma_start3A_107 = tpu.memref_slice %arg6[%rem3A_57, %dma_start3A_101, %dma_start3A_106] : memref<2x2x80xi32, #tpu.memory_space<vmem>> -> memref<1x1x80xi32, #tpu.memory_space<vmem>>
        %dma_start3A_108 = tpu.memref_squeeze %dma_start3A_107 : memref<1x1x80xi32, #tpu.memory_space<vmem>> -> memref<80xi32, #tpu.memory_space<vmem>>
        %dma_start3A_109 = arith.constant 0 : i32
        %dma_start3A_110 = arith.constant 0 : i32
        %dma_start3A_111 = tpu.memref_slice %arg2[%dma_start3A_109, %dma_start3A_110] : memref<10000x128xf32, #tpu.memory_space<hbm>> -> memref<10000x128xf32, #tpu.memory_space<hbm>>
        %dma_start3A_112 = tpu.memref_slice %arg10[%rem3A_57] : memref<2x!tpu.dma_semaphore, #tpu.memory_space<semaphore_mem>> -> memref<1x!tpu.dma_semaphore, #tpu.memory_space<semaphore_mem>>
        %dma_start3A_113 = tpu.memref_squeeze %dma_start3A_112 : memref<1x!tpu.dma_semaphore, #tpu.memory_space<semaphore_mem>> -> memref<!tpu.dma_semaphore, #tpu.memory_space<semaphore_mem>>
        tpu.enqueue_indirect_dma source(%dma_start3A_111 : memref<10000x128xf32, #tpu.memory_space<hbm>>) target(%dma_start3A_105 : memref<80x128xf32, #tpu.memory_space<vmem>>) offsets(%dma_start3A_108 : memref<80xi32, #tpu.memory_space<vmem>>) semaphore(%dma_start3A_113 : memref<!tpu.dma_semaphore, #tpu.memory_space<semaphore_mem>>)
      } else {
      }
      %dma_wait3A = arith.constant 0 : i32
      %dma_wait3A_62 = arith.constant 0 : i32
      %dma_wait3A_63 = arith.constant 0 : i32
      %dma_wait3A_64 = tpu.memref_slice %arg7[%rem3A_53, %dma_wait3A_62, %dma_wait3A_63] : memref<2x80x128xf32, #tpu.memory_space<vmem>> -> memref<1x80x128xf32, #tpu.memory_space<vmem>>
      %dma_wait3A_65 = tpu.memref_squeeze %dma_wait3A_64 : memref<1x80x128xf32, #tpu.memory_space<vmem>> -> memref<80x128xf32, #tpu.memory_space<vmem>>
      %dma_wait3A_66 = arith.constant 0 : i32
      %dma_wait3A_67 = tpu.memref_slice %arg6[%rem3A_53, %dma_wait3A, %dma_wait3A_66] : memref<2x2x80xi32, #tpu.memory_space<vmem>> -> memref<1x1x80xi32, #tpu.memory_space<vmem>>
      %dma_wait3A_68 = tpu.memref_squeeze %dma_wait3A_67 : memref<1x1x80xi32, #tpu.memory_space<vmem>> -> memref<80xi32, #tpu.memory_space<vmem>>
      %dma_wait3A_69 = arith.constant 0 : i32
      %dma_wait3A_70 = arith.constant 0 : i32
      %dma_wait3A_71 = tpu.memref_slice %arg2[%dma_wait3A_69, %dma_wait3A_70] : memref<10000x128xf32, #tpu.memory_space<hbm>> -> memref<10000x128xf32, #tpu.memory_space<hbm>>
      %dma_wait3A_72 = tpu.memref_slice %arg10[%rem3A_53] : memref<2x!tpu.dma_semaphore, #tpu.memory_space<semaphore_mem>> -> memref<1x!tpu.dma_semaphore, #tpu.memory_space<semaphore_mem>>
      %dma_wait3A_73 = tpu.memref_squeeze %dma_wait3A_72 : memref<1x!tpu.dma_semaphore, #tpu.memory_space<semaphore_mem>> -> memref<!tpu.dma_semaphore, #tpu.memory_space<semaphore_mem>>
      tpu.wait_indirect_dma semaphore(%dma_wait3A_73 : memref<!tpu.dma_semaphore, #tpu.memory_space<semaphore_mem>>) src(%dma_wait3A_71 : memref<10000x128xf32, #tpu.memory_space<hbm>>) dst(%dma_wait3A_65 : memref<80x128xf32, #tpu.memory_space<vmem>>)
      %run_scoped3A_74 = arith.constant 1 : i32
      "tpu.region"() ({
        %run_scoped3A_82 = tpu.sem_alloc : memref<!tpu.dma_semaphore, #tpu.memory_space<semaphore_mem>>
        %dma_start3A_83 = arith.constant 0 : i32
        %dma_start3A_84 = arith.constant 0 : i32
        %dma_start3A_85 = tpu.memref_slice %arg7[%rem3A_53, %dma_start3A_83, %dma_start3A_84] : memref<2x80x128xf32, #tpu.memory_space<vmem>> -> memref<1x80x128xf32, #tpu.memory_space<vmem>>
        %dma_start3A_86 = tpu.memref_squeeze %dma_start3A_85 : memref<1x80x128xf32, #tpu.memory_space<vmem>> -> memref<80x128xf32, #tpu.memory_space<vmem>>
        %dma_start3A_87 = arith.constant 0 : i32
        %dma_start3A_88 = tpu.memref_slice %arg6[%rem3A_53, %run_scoped3A_74, %dma_start3A_87] : memref<2x2x80xi32, #tpu.memory_space<vmem>> -> memref<1x1x80xi32, #tpu.memory_space<vmem>>
        %dma_start3A_89 = tpu.memref_squeeze %dma_start3A_88 : memref<1x1x80xi32, #tpu.memory_space<vmem>> -> memref<80xi32, #tpu.memory_space<vmem>>
        %dma_start3A_90 = arith.constant 0 : i32
        %dma_start3A_91 = arith.constant 0 : i32
        %dma_start3A_92 = tpu.memref_slice %arg8[%dma_start3A_90, %dma_start3A_91] : memref<10112x128xf32, #tpu.memory_space<vmem_shared>> -> memref<10112x128xf32, #tpu.memory_space<vmem_shared>>
        tpu.enqueue_indirect_dma source(%dma_start3A_86 : memref<80x128xf32, #tpu.memory_space<vmem>>) target(%dma_start3A_92 : memref<10112x128xf32, #tpu.memory_space<vmem_shared>>) offsets(%dma_start3A_89 : memref<80xi32, #tpu.memory_space<vmem>>) semaphore(%run_scoped3A_82 : memref<!tpu.dma_semaphore, #tpu.memory_space<semaphore_mem>>) {add = true}
        %dma_wait3A_93 = arith.constant 0 : i32
        %dma_wait3A_94 = arith.constant 0 : i32
        %dma_wait3A_95 = tpu.memref_slice %arg7[%rem3A_53, %dma_wait3A_93, %dma_wait3A_94] : memref<2x80x128xf32, #tpu.memory_space<vmem>> -> memref<1x80x128xf32, #tpu.memory_space<vmem>>
        %dma_wait3A_96 = tpu.memref_squeeze %dma_wait3A_95 : memref<1x80x128xf32, #tpu.memory_space<vmem>> -> memref<80x128xf32, #tpu.memory_space<vmem>>
        %dma_wait3A_97 = arith.constant 0 : i32
        %dma_wait3A_98 = tpu.memref_slice %arg6[%rem3A_53, %run_scoped3A_74, %dma_wait3A_97] : memref<2x2x80xi32, #tpu.memory_space<vmem>> -> memref<1x1x80xi32, #tpu.memory_space<vmem>>
        %dma_wait3A_99 = tpu.memref_squeeze %dma_wait3A_98 : memref<1x1x80xi32, #tpu.memory_space<vmem>> -> memref<80xi32, #tpu.memory_space<vmem>>
        %dma_wait3A_100 = arith.constant 0 : i32
        %dma_wait3A_101 = arith.constant 0 : i32
        %dma_wait3A_102 = tpu.memref_slice %arg8[%dma_wait3A_100, %dma_wait3A_101] : memref<10112x128xf32, #tpu.memory_space<vmem_shared>> -> memref<10112x128xf32, #tpu.memory_space<vmem_shared>>
        tpu.wait_indirect_dma semaphore(%run_scoped3A_82 : memref<!tpu.dma_semaphore, #tpu.memory_space<semaphore_mem>>) src(%dma_wait3A_96 : memref<80x128xf32, #tpu.memory_space<vmem>>) dst(%dma_wait3A_102 : memref<10112x128xf32, #tpu.memory_space<vmem_shared>>)
        tpu.yield
      }) : () -> ()
      %add3A_75 = arith.constant 2 : i32
      %add3A_76 = arith.addi %scan3A_52, %add3A_75 : i32
      %lt3A_77 = arith.constant 125 : i32
      %lt3A_78 = arith.cmpi slt, %add3A_76, %lt3A_77 : i32
      %convert_element_type3A_79 = arith.extui %lt3A_78 : i1 to i32
      %cond3A_80 = arith.constant 0 : i32
      %cond3A_81 = arith.cmpi ne, %convert_element_type3A_79, %cond3A_80 : i32
      scf.if %cond3A_81 {
        %add3A_82 = arith.constant 2 : i32
        %add3A_83 = arith.addi %scan3A_52, %add3A_82 : i32
        %dma_start3A_84 = arith.constant 0 : i32
        %dma_start3A_85 = arith.constant 0 : i32
        %dma_start3A_86 = tpu.memref_slice %arg6[%rem3A_53, %dma_start3A_84, %dma_start3A_85] : memref<2x2x80xi32, #tpu.memory_space<vmem>> -> memref<1x2x80xi32, #tpu.memory_space<vmem>>
        %dma_start3A_87 = tpu.memref_squeeze %dma_start3A_86 : memref<1x2x80xi32, #tpu.memory_space<vmem>> -> memref<2x80xi32, #tpu.memory_space<vmem>>
        %dma_start3A_88 = arith.constant 0 : i32
        %dma_start3A_89 = arith.constant 0 : i32
        %dma_start3A_90 = tpu.memref_slice %arg3[%add3A, %add3A_83, %dma_start3A_88, %dma_start3A_89] : memref<32x125x2x80xi32, #tpu.memory_space<hbm>> -> memref<1x1x2x80xi32, #tpu.memory_space<hbm>>
        %dma_start3A_91 = tpu.memref_squeeze %dma_start3A_90 : memref<1x1x2x80xi32, #tpu.memory_space<hbm>> -> memref<2x80xi32, #tpu.memory_space<hbm>>
        %dma_start3A_92 = tpu.memref_slice %arg9[%rem3A_53] : memref<2x!tpu.dma_semaphore, #tpu.memory_space<semaphore_mem>> -> memref<1x!tpu.dma_semaphore, #tpu.memory_space<semaphore_mem>>
        %dma_start3A_93 = tpu.memref_squeeze %dma_start3A_92 : memref<1x!tpu.dma_semaphore, #tpu.memory_space<semaphore_mem>> -> memref<!tpu.dma_semaphore, #tpu.memory_space<semaphore_mem>>
        %dma_start3A_94 = arith.constant 0 : i32
        %dma_start3A_95 = arith.constant 0 : i32
        %dma_start3A_96 = tpu.memref_slice %arg6[%rem3A_53, %dma_start3A_94, %dma_start3A_95] : memref<2x2x80xi32, #tpu.memory_space<vmem>> -> memref<1x2x80xi32, #tpu.memory_space<vmem>>
        %dma_start3A_97 = tpu.memref_squeeze %dma_start3A_96 : memref<1x2x80xi32, #tpu.memory_space<vmem>> -> memref<2x80xi32, #tpu.memory_space<vmem>>
        %dma_start3A_98 = arith.constant 0 : i32
        %dma_start3A_99 = arith.constant 0 : i32
        %dma_start3A_100 = tpu.memref_slice %arg3[%add3A, %add3A_83, %dma_start3A_98, %dma_start3A_99] : memref<32x125x2x80xi32, #tpu.memory_space<hbm>> -> memref<1x1x2x80xi32, #tpu.memory_space<hbm>>
        %dma_start3A_101 = tpu.memref_squeeze %dma_start3A_100 : memref<1x1x2x80xi32, #tpu.memory_space<hbm>> -> memref<2x80xi32, #tpu.memory_space<hbm>>
        tpu.enqueue_dma source(%dma_start3A_101 : memref<2x80xi32, #tpu.memory_space<hbm>>) target(%dma_start3A_97 : memref<2x80xi32, #tpu.memory_space<vmem>>) target_semaphore(%dma_start3A_93 : memref<!tpu.dma_semaphore, #tpu.memory_space<semaphore_mem>>)
      } else {
      }
    }
    %scan3A_46 = arith.constant 125 : i32
    %barrier3A_47 = arith.constant 0 : index
    tpu.barrier barrier_id(%barrier3A_47)
    %mul3A_48 = arith.constant 632 : i32
    %mul3A_49 = arith.muli %arg1, %mul3A_48 : i32
    %mul3A_50 = arith.constant 632 : i32
    %mul3A_51 = arith.muli %arg1, %mul3A_50 : i32
    "tpu.region"() ({
      %run_scoped3A_52 = tpu.sem_alloc : memref<!tpu.dma_semaphore, #tpu.memory_space<semaphore_mem>>
      %dma_start3A_53 = arith.constant 0 : i32
      %dma_start3A_54 = tpu.memref_slice %arg5[%arg0, %mul3A_51, %dma_start3A_53] : memref<2x10112x128xf32, #tpu.memory_space<hbm>> -> memref<1x632x128xf32, #tpu.memory_space<hbm>>
      %dma_start3A_55 = tpu.memref_squeeze %dma_start3A_54 : memref<1x632x128xf32, #tpu.memory_space<hbm>> -> memref<632x128xf32, #tpu.memory_space<hbm>>
      %dma_start3A_56 = arith.constant 0 : i32
      %dma_start3A_57 = tpu.memref_slice %arg8[%mul3A_49, %dma_start3A_56] : memref<10112x128xf32, #tpu.memory_space<vmem_shared>> -> memref<632x128xf32, #tpu.memory_space<vmem_shared>>
      tpu.enqueue_dma source(%dma_start3A_57 : memref<632x128xf32, #tpu.memory_space<vmem_shared>>) target(%dma_start3A_55 : memref<632x128xf32, #tpu.memory_space<hbm>>) target_semaphore(%run_scoped3A_52 : memref<!tpu.dma_semaphore, #tpu.memory_space<semaphore_mem>>)
      %dma_wait3A = arith.constant 0 : i32
      %dma_wait3A_58 = tpu.memref_slice %arg5[%arg0, %mul3A_51, %dma_wait3A] : memref<2x10112x128xf32, #tpu.memory_space<hbm>> -> memref<1x632x128xf32, #tpu.memory_space<hbm>>
      %dma_wait3A_59 = tpu.memref_squeeze %dma_wait3A_58 : memref<1x632x128xf32, #tpu.memory_space<hbm>> -> memref<632x128xf32, #tpu.memory_space<hbm>>
      %dma_wait3A_60 = arith.constant 0 : i32
      %dma_wait3A_61 = tpu.memref_slice %arg8[%mul3A_49, %dma_wait3A_60] : memref<10112x128xf32, #tpu.memory_space<vmem_shared>> -> memref<632x128xf32, #tpu.memory_space<vmem_shared>>
      tpu.wait_dma2 semaphore(%run_scoped3A_52 : memref<!tpu.dma_semaphore, #tpu.memory_space<semaphore_mem>>) src(%dma_wait3A_61 : memref<632x128xf32, #tpu.memory_space<vmem_shared>>) dst(%dma_wait3A_59 : memref<632x128xf32, #tpu.memory_space<hbm>>)
      tpu.yield
    }) : () -> ()
    return
  }
}

#map = affine_map<(d0, d1) -> (0)>
#map1 = affine_map<(d0, d1) -> (0, 0)>
module attributes {stable_mosaic.version = 14 : i64} {
  func.func @k(%arg0: i32, %arg1: i32, %arg2: memref<320000xi32, #tpu.memory_space<hbm>>, %arg3: memref<10000xf32, #tpu.memory_space<hbm>>, %arg4: memref<2x10000xf32, #tpu.memory_space<hbm>>, %arg5: memref<80xi32, #tpu.memory_space<vmem>>, %arg6: memref<80xf32, #tpu.memory_space<vmem>>, %arg7: memref<10000xf32, #tpu.memory_space<vmem_shared>>) attributes {dimension_semantics = [#tpu.dimension_semantics<core_parallel>, #tpu.dimension_semantics<subcore_parallel>], iteration_bounds = array<i64: 2, 16>, scalar_prefetch = 0 : i64, scratch_operands = 3 : i64, tpu.core_type = #tpu.core_type<sc_vector_subcore>, window_params = [{transform_indices = #map}, {transform_indices = #map}, {transform_indices = #map1}]} {
    %broadcast_in_dim3A = arith.constant 1.000000e+00 : f32
    %broadcast_in_dim3A_0 = vector.broadcast %broadcast_in_dim3A : f32 to vector<16xf32>
    %swap3A = arith.constant 0 : index
    %swap3A_1 = tpu.vector_load %arg6[%swap3A] {strides = array<i32>} : memref<80xf32, #tpu.memory_space<vmem>>, vector<16xf32>,
    %swap3A_2 = vector.shape_cast %swap3A_1 : vector<16xf32> to vector<16xf32>
    %swap3A_3 = vector.shape_cast %broadcast_in_dim3A_0 : vector<16xf32> to vector<16xf32>
    tpu.vector_store %arg6[%swap3A], %swap3A_3 {strides = array<i32>} : memref<80xf32, #tpu.memory_space<vmem>>, vector<16xf32>,
    %swap3A_4 = arith.constant 16 : index
    %swap3A_5 = tpu.vector_load %arg6[%swap3A_4] {strides = array<i32>} : memref<80xf32, #tpu.memory_space<vmem>>, vector<16xf32>,
    %swap3A_6 = vector.shape_cast %swap3A_5 : vector<16xf32> to vector<16xf32>
    %swap3A_7 = vector.shape_cast %broadcast_in_dim3A_0 : vector<16xf32> to vector<16xf32>
    tpu.vector_store %arg6[%swap3A_4], %swap3A_7 {strides = array<i32>} : memref<80xf32, #tpu.memory_space<vmem>>, vector<16xf32>,
    %swap3A_8 = arith.constant 32 : index
    %swap3A_9 = tpu.vector_load %arg6[%swap3A_8] {strides = array<i32>} : memref<80xf32, #tpu.memory_space<vmem>>, vector<16xf32>,
    %swap3A_10 = vector.shape_cast %swap3A_9 : vector<16xf32> to vector<16xf32>
    %swap3A_11 = vector.shape_cast %broadcast_in_dim3A_0 : vector<16xf32> to vector<16xf32>
    tpu.vector_store %arg6[%swap3A_8], %swap3A_11 {strides = array<i32>} : memref<80xf32, #tpu.memory_space<vmem>>, vector<16xf32>,
    %swap3A_12 = arith.constant 48 : index
    %swap3A_13 = tpu.vector_load %arg6[%swap3A_12] {strides = array<i32>} : memref<80xf32, #tpu.memory_space<vmem>>, vector<16xf32>,
    %swap3A_14 = vector.shape_cast %swap3A_13 : vector<16xf32> to vector<16xf32>
    %swap3A_15 = vector.shape_cast %broadcast_in_dim3A_0 : vector<16xf32> to vector<16xf32>
    tpu.vector_store %arg6[%swap3A_12], %swap3A_15 {strides = array<i32>} : memref<80xf32, #tpu.memory_space<vmem>>, vector<16xf32>,
    %swap3A_16 = arith.constant 64 : index
    %swap3A_17 = tpu.vector_load %arg6[%swap3A_16] {strides = array<i32>} : memref<80xf32, #tpu.memory_space<vmem>>, vector<16xf32>,
    %swap3A_18 = vector.shape_cast %swap3A_17 : vector<16xf32> to vector<16xf32>
    %swap3A_19 = vector.shape_cast %broadcast_in_dim3A_0 : vector<16xf32> to vector<16xf32>
    tpu.vector_store %arg6[%swap3A_16], %swap3A_19 {strides = array<i32>} : memref<80xf32, #tpu.memory_space<vmem>>, vector<16xf32>,
    %eq3A = arith.constant 0 : i32
    %eq3A_20 = arith.cmpi eq, %arg1, %eq3A : i32
    %convert_element_type3A = arith.extui %eq3A_20 : i1 to i32
    %cond3A = arith.constant 0 : i32
    %cond3A_21 = arith.cmpi ne, %convert_element_type3A, %cond3A : i32
    scf.if %cond3A_21 {
      "tpu.region"() ({
        %run_scoped3A = tpu.sem_alloc : memref<!tpu.dma_semaphore, #tpu.memory_space<semaphore_mem>>
        tpu.enqueue_dma source(%arg3 : memref<10000xf32, #tpu.memory_space<hbm>>) target(%arg7 : memref<10000xf32, #tpu.memory_space<vmem_shared>>) target_semaphore(%run_scoped3A : memref<!tpu.dma_semaphore, #tpu.memory_space<semaphore_mem>>)
        tpu.wait_dma2 semaphore(%run_scoped3A : memref<!tpu.dma_semaphore, #tpu.memory_space<semaphore_mem>>) src(%arg3 : memref<10000xf32, #tpu.memory_space<hbm>>) dst(%arg7 : memref<10000xf32, #tpu.memory_space<vmem_shared>>)
        tpu.yield
      }) : () -> ()
    } else {
    }
    %barrier3A = arith.constant 0 : index
    tpu.barrier barrier_id(%barrier3A)
    %mul3A = arith.constant 16 : i32
    %mul3A_22 = arith.muli %arg0, %mul3A : i32
    %add3A = arith.addi %mul3A_22, %arg1 : i32
    %mul3A_23 = arith.constant 10000 : i32
    %mul3A_24 = arith.muli %add3A, %mul3A_23 : i32
    %scan3A = arith.constant 0 : i32
    %scan3A_25 = arith.constant 0 : i32
    %scan3A_26 = arith.constant 125 : i32
    %scan3A_27 = arith.addi %scan3A_25, %scan3A_26 : i32
    %scan3A_28 = arith.constant 1 : i32
    scf.for %scan3A_36 = %scan3A_25 to %scan3A_27 step %scan3A_28  : i32 {
      %mul3A_37 = arith.constant 80 : i32
      %mul3A_38 = arith.muli %scan3A_36, %mul3A_37 : i32
      %add3A_39 = arith.addi %mul3A_24, %mul3A_38 : i32
      "tpu.region"() ({
        %run_scoped3A = tpu.sem_alloc : memref<!tpu.dma_semaphore, #tpu.memory_space<semaphore_mem>>
        %dma_start3A = tpu.memref_slice %arg2[%add3A_39] : memref<320000xi32, #tpu.memory_space<hbm>> -> memref<80xi32, #tpu.memory_space<hbm>>
        %dma_start3A_40 = tpu.memref_slice %arg2[%add3A_39] : memref<320000xi32, #tpu.memory_space<hbm>> -> memref<80xi32, #tpu.memory_space<hbm>>
        tpu.enqueue_dma source(%dma_start3A_40 : memref<80xi32, #tpu.memory_space<hbm>>) target(%arg5 : memref<80xi32, #tpu.memory_space<vmem>>) target_semaphore(%run_scoped3A : memref<!tpu.dma_semaphore, #tpu.memory_space<semaphore_mem>>)
        %dma_wait3A = tpu.memref_slice %arg2[%add3A_39] : memref<320000xi32, #tpu.memory_space<hbm>> -> memref<80xi32, #tpu.memory_space<hbm>>
        %dma_wait3A_41 = tpu.memref_slice %arg2[%add3A_39] : memref<320000xi32, #tpu.memory_space<hbm>> -> memref<80xi32, #tpu.memory_space<hbm>>
        tpu.wait_dma2 semaphore(%run_scoped3A : memref<!tpu.dma_semaphore, #tpu.memory_space<semaphore_mem>>) src(%dma_wait3A_41 : memref<80xi32, #tpu.memory_space<hbm>>) dst(%arg5 : memref<80xi32, #tpu.memory_space<vmem>>)
        tpu.yield
      }) : () -> ()
      "tpu.region"() ({
        %run_scoped3A = tpu.sem_alloc : memref<!tpu.dma_semaphore, #tpu.memory_space<semaphore_mem>>
        %dma_start3A = arith.constant 0 : i32
        %dma_start3A_40 = tpu.memref_slice %arg7[%dma_start3A] : memref<10000xf32, #tpu.memory_space<vmem_shared>> -> memref<10000xf32, #tpu.memory_space<vmem_shared>>
        tpu.enqueue_indirect_dma source(%arg6 : memref<80xf32, #tpu.memory_space<vmem>>) target(%dma_start3A_40 : memref<10000xf32, #tpu.memory_space<vmem_shared>>) offsets(%arg5 : memref<80xi32, #tpu.memory_space<vmem>>) semaphore(%run_scoped3A : memref<!tpu.dma_semaphore, #tpu.memory_space<semaphore_mem>>) {add = true}
        %dma_wait3A = arith.constant 0 : i32
        %dma_wait3A_41 = tpu.memref_slice %arg7[%dma_wait3A] : memref<10000xf32, #tpu.memory_space<vmem_shared>> -> memref<10000xf32, #tpu.memory_space<vmem_shared>>
        tpu.wait_indirect_dma semaphore(%run_scoped3A : memref<!tpu.dma_semaphore, #tpu.memory_space<semaphore_mem>>) src(%arg6 : memref<80xf32, #tpu.memory_space<vmem>>) dst(%dma_wait3A_41 : memref<10000xf32, #tpu.memory_space<vmem_shared>>)
        tpu.yield
      }) : () -> ()
    }
    %scan3A_29 = arith.constant 125 : i32
    %barrier3A_30 = arith.constant 0 : index
    tpu.barrier barrier_id(%barrier3A_30)
    %eq3A_31 = arith.constant 0 : i32
    %eq3A_32 = arith.cmpi eq, %arg1, %eq3A_31 : i32
    %convert_element_type3A_33 = arith.extui %eq3A_32 : i1 to i32
    %cond3A_34 = arith.constant 0 : i32
    %cond3A_35 = arith.cmpi ne, %convert_element_type3A_33, %cond3A_34 : i32
    scf.if %cond3A_35 {
      "tpu.region"() ({
        %run_scoped3A = tpu.sem_alloc : memref<!tpu.dma_semaphore, #tpu.memory_space<semaphore_mem>>
        %dma_start3A = arith.constant 0 : i32
        %dma_start3A_36 = tpu.memref_slice %arg4[%arg0, %dma_start3A] : memref<2x10000xf32, #tpu.memory_space<hbm>> -> memref<1x10000xf32, #tpu.memory_space<hbm>>
        %dma_start3A_37 = tpu.memref_squeeze %dma_start3A_36 : memref<1x10000xf32, #tpu.memory_space<hbm>> -> memref<10000xf32, #tpu.memory_space<hbm>>
        tpu.enqueue_dma source(%arg7 : memref<10000xf32, #tpu.memory_space<vmem_shared>>) target(%dma_start3A_37 : memref<10000xf32, #tpu.memory_space<hbm>>) target_semaphore(%run_scoped3A : memref<!tpu.dma_semaphore, #tpu.memory_space<semaphore_mem>>)
        %dma_wait3A = arith.constant 0 : i32
        %dma_wait3A_38 = tpu.memref_slice %arg4[%arg0, %dma_wait3A] : memref<2x10000xf32, #tpu.memory_space<hbm>> -> memref<1x10000xf32, #tpu.memory_space<hbm>>
        %dma_wait3A_39 = tpu.memref_squeeze %dma_wait3A_38 : memref<1x10000xf32, #tpu.memory_space<hbm>> -> memref<10000xf32, #tpu.memory_space<hbm>>
        tpu.wait_dma2 semaphore(%run_scoped3A : memref<!tpu.dma_semaphore, #tpu.memory_space<semaphore_mem>>) src(%arg7 : memref<10000xf32, #tpu.memory_space<vmem_shared>>) dst(%dma_wait3A_39 : memref<10000xf32, #tpu.memory_space<hbm>>)
        tpu.yield
      }) : () -> ()
    } else {
    }
    return
  }
}

#map = affine_map<(d0, d1) -> (0, 0)>
#map1 = affine_map<(d0, d1) -> (0, 0, 0, 0)>
#map2 = affine_map<(d0, d1) -> (0, 0, 0)>
module attributes {stable_mosaic.version = 14 : i64} {
  func.func @k(%arg0: i32, %arg1: i32, %arg2: memref<10000x128xf32, #tpu.memory_space<hbm>>, %arg3: memref<32x125x2x80xi32, #tpu.memory_space<hbm>>, %arg4: memref<10112x128xf32, #tpu.memory_space<hbm>>, %arg5: memref<2x10112x128xf32, #tpu.memory_space<hbm>>, %arg6: memref<2x2x80xi32, #tpu.memory_space<vmem>>, %arg7: memref<2x80x128xf32, #tpu.memory_space<vmem>>, %arg8: memref<10112x128xf32, #tpu.memory_space<vmem_shared>>, %arg9: memref<2x!tpu.dma_semaphore, #tpu.memory_space<semaphore_mem>>, %arg10: memref<2x!tpu.dma_semaphore, #tpu.memory_space<semaphore_mem>>) attributes {dimension_semantics = [#tpu.dimension_semantics<core_parallel>, #tpu.dimension_semantics<subcore_parallel>], iteration_bounds = array<i64: 2, 16>, scalar_prefetch = 0 : i64, scratch_operands = 5 : i64, tpu.core_type = #tpu.core_type<sc_vector_subcore>, window_params = [{transform_indices = #map}, {transform_indices = #map1}, {transform_indices = #map}, {transform_indices = #map2}]} {
    %mul3A = arith.constant 16 : i32
    %mul3A_0 = arith.muli %arg0, %mul3A : i32
    %add3A = arith.addi %mul3A_0, %arg1 : i32
    %run_scoped3A = arith.constant 0 : i32
    %run_scoped3A_1 = arith.constant 0 : i32
    "tpu.region"() ({
      %run_scoped3A_52 = tpu.sem_alloc : memref<!tpu.dma_semaphore, #tpu.memory_space<semaphore_mem>>
      %dma_start3A_53 = arith.constant 0 : i32
      %dma_start3A_54 = arith.constant 0 : i32
      %dma_start3A_55 = tpu.memref_slice %arg6[%run_scoped3A_1, %dma_start3A_53, %dma_start3A_54] : memref<2x2x80xi32, #tpu.memory_space<vmem>> -> memref<1x2x80xi32, #tpu.memory_space<vmem>>
      %dma_start3A_56 = tpu.memref_squeeze %dma_start3A_55 : memref<1x2x80xi32, #tpu.memory_space<vmem>> -> memref<2x80xi32, #tpu.memory_space<vmem>>
      %dma_start3A_57 = arith.constant 0 : i32
      %dma_start3A_58 = arith.constant 0 : i32
      %dma_start3A_59 = tpu.memref_slice %arg3[%add3A, %run_scoped3A, %dma_start3A_57, %dma_start3A_58] : memref<32x125x2x80xi32, #tpu.memory_space<hbm>> -> memref<1x1x2x80xi32, #tpu.memory_space<hbm>>
      %dma_start3A_60 = tpu.memref_squeeze %dma_start3A_59 : memref<1x1x2x80xi32, #tpu.memory_space<hbm>> -> memref<2x80xi32, #tpu.memory_space<hbm>>
      %dma_start3A_61 = arith.constant 0 : i32
      %dma_start3A_62 = arith.constant 0 : i32
      %dma_start3A_63 = tpu.memref_slice %arg6[%run_scoped3A_1, %dma_start3A_61, %dma_start3A_62] : memref<2x2x80xi32, #tpu.memory_space<vmem>> -> memref<1x2x80xi32, #tpu.memory_space<vmem>>
      %dma_start3A_64 = tpu.memref_squeeze %dma_start3A_63 : memref<1x2x80xi32, #tpu.memory_space<vmem>> -> memref<2x80xi32, #tpu.memory_space<vmem>>
      %dma_start3A_65 = arith.constant 0 : i32
      %dma_start3A_66 = arith.constant 0 : i32
      %dma_start3A_67 = tpu.memref_slice %arg3[%add3A, %run_scoped3A, %dma_start3A_65, %dma_start3A_66] : memref<32x125x2x80xi32, #tpu.memory_space<hbm>> -> memref<1x1x2x80xi32, #tpu.memory_space<hbm>>
      %dma_start3A_68 = tpu.memref_squeeze %dma_start3A_67 : memref<1x1x2x80xi32, #tpu.memory_space<hbm>> -> memref<2x80xi32, #tpu.memory_space<hbm>>
      tpu.enqueue_dma source(%dma_start3A_68 : memref<2x80xi32, #tpu.memory_space<hbm>>) target(%dma_start3A_64 : memref<2x80xi32, #tpu.memory_space<vmem>>) target_semaphore(%run_scoped3A_52 : memref<!tpu.dma_semaphore, #tpu.memory_space<semaphore_mem>>)
      %dma_wait3A = arith.constant 0 : i32
      %dma_wait3A_69 = arith.constant 0 : i32
      %dma_wait3A_70 = tpu.memref_slice %arg6[%run_scoped3A_1, %dma_wait3A, %dma_wait3A_69] : memref<2x2x80xi32, #tpu.memory_space<vmem>> -> memref<1x2x80xi32, #tpu.memory_space<vmem>>
      %dma_wait3A_71 = tpu.memref_squeeze %dma_wait3A_70 : memref<1x2x80xi32, #tpu.memory_space<vmem>> -> memref<2x80xi32, #tpu.memory_space<vmem>>
      %dma_wait3A_72 = arith.constant 0 : i32
      %dma_wait3A_73 = arith.constant 0 : i32
      %dma_wait3A_74 = tpu.memref_slice %arg3[%add3A, %run_scoped3A, %dma_wait3A_72, %dma_wait3A_73] : memref<32x125x2x80xi32, #tpu.memory_space<hbm>> -> memref<1x1x2x80xi32, #tpu.memory_space<hbm>>
      %dma_wait3A_75 = tpu.memref_squeeze %dma_wait3A_74 : memref<1x1x2x80xi32, #tpu.memory_space<hbm>> -> memref<2x80xi32, #tpu.memory_space<hbm>>
      %dma_wait3A_76 = arith.constant 0 : i32
      %dma_wait3A_77 = arith.constant 0 : i32
      %dma_wait3A_78 = tpu.memref_slice %arg6[%run_scoped3A_1, %dma_wait3A_76, %dma_wait3A_77] : memref<2x2x80xi32, #tpu.memory_space<vmem>> -> memref<1x2x80xi32, #tpu.memory_space<vmem>>
      %dma_wait3A_79 = tpu.memref_squeeze %dma_wait3A_78 : memref<1x2x80xi32, #tpu.memory_space<vmem>> -> memref<2x80xi32, #tpu.memory_space<vmem>>
      %dma_wait3A_80 = arith.constant 0 : i32
      %dma_wait3A_81 = arith.constant 0 : i32
      %dma_wait3A_82 = tpu.memref_slice %arg3[%add3A, %run_scoped3A, %dma_wait3A_80, %dma_wait3A_81] : memref<32x125x2x80xi32, #tpu.memory_space<hbm>> -> memref<1x1x2x80xi32, #tpu.memory_space<hbm>>
      %dma_wait3A_83 = tpu.memref_squeeze %dma_wait3A_82 : memref<1x1x2x80xi32, #tpu.memory_space<hbm>> -> memref<2x80xi32, #tpu.memory_space<hbm>>
      tpu.wait_dma2 semaphore(%run_scoped3A_52 : memref<!tpu.dma_semaphore, #tpu.memory_space<semaphore_mem>>) src(%dma_wait3A_83 : memref<2x80xi32, #tpu.memory_space<hbm>>) dst(%dma_wait3A_79 : memref<2x80xi32, #tpu.memory_space<vmem>>)
      tpu.yield
    }) : () -> ()
    %dma_start3A = arith.constant 1 : i32
    %dma_start3A_2 = arith.constant 1 : i32
    %dma_start3A_3 = arith.constant 1 : i32
    %dma_start3A_4 = arith.constant 0 : i32
    %dma_start3A_5 = arith.constant 0 : i32
    %dma_start3A_6 = tpu.memref_slice %arg6[%dma_start3A_2, %dma_start3A_4, %dma_start3A_5] : memref<2x2x80xi32, #tpu.memory_space<vmem>> -> memref<1x2x80xi32, #tpu.memory_space<vmem>>
    %dma_start3A_7 = tpu.memref_squeeze %dma_start3A_6 : memref<1x2x80xi32, #tpu.memory_space<vmem>> -> memref<2x80xi32, #tpu.memory_space<vmem>>
    %dma_start3A_8 = arith.constant 0 : i32
    %dma_start3A_9 = arith.constant 0 : i32
    %dma_start3A_10 = tpu.memref_slice %arg3[%add3A, %dma_start3A, %dma_start3A_8, %dma_start3A_9] : memref<32x125x2x80xi32, #tpu.memory_space<hbm>> -> memref<1x1x2x80xi32, #tpu.memory_space<hbm>>
    %dma_start3A_11 = tpu.memref_squeeze %dma_start3A_10 : memref<1x1x2x80xi32, #tpu.memory_space<hbm>> -> memref<2x80xi32, #tpu.memory_space<hbm>>
    %dma_start3A_12 = tpu.memref_slice %arg9[%dma_start3A_3] : memref<2x!tpu.dma_semaphore, #tpu.memory_space<semaphore_mem>> -> memref<1x!tpu.dma_semaphore, #tpu.memory_space<semaphore_mem>>
    %dma_start3A_13 = tpu.memref_squeeze %dma_start3A_12 : memref<1x!tpu.dma_semaphore, #tpu.memory_space<semaphore_mem>> -> memref<!tpu.dma_semaphore, #tpu.memory_space<semaphore_mem>>
    %dma_start3A_14 = arith.constant 0 : i32
    %dma_start3A_15 = arith.constant 0 : i32
    %dma_start3A_16 = tpu.memref_slice %arg6[%dma_start3A_2, %dma_start3A_14, %dma_start3A_15] : memref<2x2x80xi32, #tpu.memory_space<vmem>> -> memref<1x2x80xi32, #tpu.memory_space<vmem>>
    %dma_start3A_17 = tpu.memref_squeeze %dma_start3A_16 : memref<1x2x80xi32, #tpu.memory_space<vmem>> -> memref<2x80xi32, #tpu.memory_space<vmem>>
    %dma_start3A_18 = arith.constant 0 : i32
    %dma_start3A_19 = arith.constant 0 : i32
    %dma_start3A_20 = tpu.memref_slice %arg3[%add3A, %dma_start3A, %dma_start3A_18, %dma_start3A_19] : memref<32x125x2x80xi32, #tpu.memory_space<hbm>> -> memref<1x1x2x80xi32, #tpu.memory_space<hbm>>
    %dma_start3A_21 = tpu.memref_squeeze %dma_start3A_20 : memref<1x1x2x80xi32, #tpu.memory_space<hbm>> -> memref<2x80xi32, #tpu.memory_space<hbm>>
    tpu.enqueue_dma source(%dma_start3A_21 : memref<2x80xi32, #tpu.memory_space<hbm>>) target(%dma_start3A_17 : memref<2x80xi32, #tpu.memory_space<vmem>>) target_semaphore(%dma_start3A_13 : memref<!tpu.dma_semaphore, #tpu.memory_space<semaphore_mem>>)
    %dma_start3A_22 = arith.constant 0 : i32
    %dma_start3A_23 = arith.constant 0 : i32
    %dma_start3A_24 = arith.constant 0 : i32
    %dma_start3A_25 = arith.constant 0 : i32
    %dma_start3A_26 = arith.constant 0 : i32
    %dma_start3A_27 = arith.constant 0 : i32
    %dma_start3A_28 = tpu.memref_slice %arg7[%dma_start3A_24, %dma_start3A_26, %dma_start3A_27] : memref<2x80x128xf32, #tpu.memory_space<vmem>> -> memref<1x80x128xf32, #tpu.memory_space<vmem>>
    %dma_start3A_29 = tpu.memref_squeeze %dma_start3A_28 : memref<1x80x128xf32, #tpu.memory_space<vmem>> -> memref<80x128xf32, #tpu.memory_space<vmem>>
    %dma_start3A_30 = arith.constant 0 : i32
    %dma_start3A_31 = tpu.memref_slice %arg6[%dma_start3A_22, %dma_start3A_23, %dma_start3A_30] : memref<2x2x80xi32, #tpu.memory_space<vmem>> -> memref<1x1x80xi32, #tpu.memory_space<vmem>>
    %dma_start3A_32 = tpu.memref_squeeze %dma_start3A_31 : memref<1x1x80xi32, #tpu.memory_space<vmem>> -> memref<80xi32, #tpu.memory_space<vmem>>
    %dma_start3A_33 = arith.constant 0 : i32
    %dma_start3A_34 = arith.constant 0 : i32
    %dma_start3A_35 = tpu.memref_slice %arg2[%dma_start3A_33, %dma_start3A_34] : memref<10000x128xf32, #tpu.memory_space<hbm>> -> memref<10000x128xf32, #tpu.memory_space<hbm>>
    %dma_start3A_36 = tpu.memref_slice %arg10[%dma_start3A_25] : memref<2x!tpu.dma_semaphore, #tpu.memory_space<semaphore_mem>> -> memref<1x!tpu.dma_semaphore, #tpu.memory_space<semaphore_mem>>
    %dma_start3A_37 = tpu.memref_squeeze %dma_start3A_36 : memref<1x!tpu.dma_semaphore, #tpu.memory_space<semaphore_mem>> -> memref<!tpu.dma_semaphore, #tpu.memory_space<semaphore_mem>>
    tpu.enqueue_indirect_dma source(%dma_start3A_35 : memref<10000x128xf32, #tpu.memory_space<hbm>>) target(%dma_start3A_29 : memref<80x128xf32, #tpu.memory_space<vmem>>) offsets(%dma_start3A_32 : memref<80xi32, #tpu.memory_space<vmem>>) semaphore(%dma_start3A_37 : memref<!tpu.dma_semaphore, #tpu.memory_space<semaphore_mem>>)
    %mul3A_38 = arith.constant 632 : i32
    %mul3A_39 = arith.muli %arg1, %mul3A_38 : i32
    %mul3A_40 = arith.constant 632 : i32
    %mul3A_41 = arith.muli %arg1, %mul3A_40 : i32
    "tpu.region"() ({
      %run_scoped3A_52 = tpu.sem_alloc : memref<!tpu.dma_semaphore, #tpu.memory_space<semaphore_mem>>
      %dma_start3A_53 = arith.constant 0 : i32
      %dma_start3A_54 = tpu.memref_slice %arg8[%mul3A_41, %dma_start3A_53] : memref<10112x128xf32, #tpu.memory_space<vmem_shared>> -> memref<632x128xf32, #tpu.memory_space<vmem_shared>>
      %dma_start3A_55 = arith.constant 0 : i32
      %dma_start3A_56 = tpu.memref_slice %arg4[%mul3A_39, %dma_start3A_55] : memref<10112x128xf32, #tpu.memory_space<hbm>> -> memref<632x128xf32, #tpu.memory_space<hbm>>
      tpu.enqueue_dma source(%dma_start3A_56 : memref<632x128xf32, #tpu.memory_space<hbm>>) target(%dma_start3A_54 : memref<632x128xf32, #tpu.memory_space<vmem_shared>>) target_semaphore(%run_scoped3A_52 : memref<!tpu.dma_semaphore, #tpu.memory_space<semaphore_mem>>)
      %dma_wait3A = arith.constant 0 : i32
      %dma_wait3A_57 = tpu.memref_slice %arg8[%mul3A_41, %dma_wait3A] : memref<10112x128xf32, #tpu.memory_space<vmem_shared>> -> memref<632x128xf32, #tpu.memory_space<vmem_shared>>
      %dma_wait3A_58 = arith.constant 0 : i32
      %dma_wait3A_59 = tpu.memref_slice %arg4[%mul3A_39, %dma_wait3A_58] : memref<10112x128xf32, #tpu.memory_space<hbm>> -> memref<632x128xf32, #tpu.memory_space<hbm>>
      tpu.wait_dma2 semaphore(%run_scoped3A_52 : memref<!tpu.dma_semaphore, #tpu.memory_space<semaphore_mem>>) src(%dma_wait3A_59 : memref<632x128xf32, #tpu.memory_space<hbm>>) dst(%dma_wait3A_57 : memref<632x128xf32, #tpu.memory_space<vmem_shared>>)
      tpu.yield
    }) : () -> ()
    %barrier3A = arith.constant 0 : index
    tpu.barrier barrier_id(%barrier3A)
    %scan3A = arith.constant 0 : i32
    %scan3A_42 = arith.constant 0 : i32
    %scan3A_43 = arith.constant 125 : i32
    %scan3A_44 = arith.addi %scan3A_42, %scan3A_43 : i32
    %scan3A_45 = arith.constant 1 : i32
    scf.for %scan3A_52 = %scan3A_42 to %scan3A_44 step %scan3A_45  : i32 {
      %rem3A = arith.constant 2 : i32
      %rem3A_53 = arith.remsi %scan3A_52, %rem3A : i32
      %add3A_54 = arith.constant 1 : i32
      %add3A_55 = arith.addi %scan3A_52, %add3A_54 : i32
      %rem3A_56 = arith.constant 2 : i32
      %rem3A_57 = arith.remsi %add3A_55, %rem3A_56 : i32
      %add3A_58 = arith.constant 1 : i32
      %add3A_59 = arith.addi %scan3A_52, %add3A_58 : i32
      %lt3A = arith.constant 125 : i32
      %lt3A_60 = arith.cmpi slt, %add3A_59, %lt3A : i32
      %convert_element_type3A = arith.extui %lt3A_60 : i1 to i32
      %cond3A = arith.constant 0 : i32
      %cond3A_61 = arith.cmpi ne, %convert_element_type3A, %cond3A : i32
      scf.if %cond3A_61 {
        %dma_wait3A_82 = arith.constant 0 : i32
        %dma_wait3A_83 = arith.constant 0 : i32
        %dma_wait3A_84 = arith.constant 0 : i32
        %dma_wait3A_85 = tpu.memref_slice %arg6[%rem3A_57, %dma_wait3A_83, %dma_wait3A_84] : memref<2x2x80xi32, #tpu.memory_space<vmem>> -> memref<1x2x80xi32, #tpu.memory_space<vmem>>
        %dma_wait3A_86 = tpu.memref_squeeze %dma_wait3A_85 : memref<1x2x80xi32, #tpu.memory_space<vmem>> -> memref<2x80xi32, #tpu.memory_space<vmem>>
        %dma_wait3A_87 = arith.constant 0 : i32
        %dma_wait3A_88 = arith.constant 0 : i32
        %dma_wait3A_89 = tpu.memref_slice %arg3[%add3A, %dma_wait3A_82, %dma_wait3A_87, %dma_wait3A_88] : memref<32x125x2x80xi32, #tpu.memory_space<hbm>> -> memref<1x1x2x80xi32, #tpu.memory_space<hbm>>
        %dma_wait3A_90 = tpu.memref_squeeze %dma_wait3A_89 : memref<1x1x2x80xi32, #tpu.memory_space<hbm>> -> memref<2x80xi32, #tpu.memory_space<hbm>>
        %dma_wait3A_91 = tpu.memref_slice %arg9[%rem3A_57] : memref<2x!tpu.dma_semaphore, #tpu.memory_space<semaphore_mem>> -> memref<1x!tpu.dma_semaphore, #tpu.memory_space<semaphore_mem>>
        %dma_wait3A_92 = tpu.memref_squeeze %dma_wait3A_91 : memref<1x!tpu.dma_semaphore, #tpu.memory_space<semaphore_mem>> -> memref<!tpu.dma_semaphore, #tpu.memory_space<semaphore_mem>>
        %dma_wait3A_93 = arith.constant 0 : i32
        %dma_wait3A_94 = arith.constant 0 : i32
        %dma_wait3A_95 = tpu.memref_slice %arg6[%rem3A_57, %dma_wait3A_93, %dma_wait3A_94] : memref<2x2x80xi32, #tpu.memory_space<vmem>> -> memref<1x2x80xi32, #tpu.memory_space<vmem>>
        %dma_wait3A_96 = tpu.memref_squeeze %dma_wait3A_95 : memref<1x2x80xi32, #tpu.memory_space<vmem>> -> memref<2x80xi32, #tpu.memory_space<vmem>>
        %dma_wait3A_97 = arith.constant 0 : i32
        %dma_wait3A_98 = arith.constant 0 : i32
        %dma_wait3A_99 = tpu.memref_slice %arg3[%add3A, %dma_wait3A_82, %dma_wait3A_97, %dma_wait3A_98] : memref<32x125x2x80xi32, #tpu.memory_space<hbm>> -> memref<1x1x2x80xi32, #tpu.memory_space<hbm>>
        %dma_wait3A_100 = tpu.memref_squeeze %dma_wait3A_99 : memref<1x1x2x80xi32, #tpu.memory_space<hbm>> -> memref<2x80xi32, #tpu.memory_space<hbm>>
        tpu.wait_dma2 semaphore(%dma_wait3A_92 : memref<!tpu.dma_semaphore, #tpu.memory_space<semaphore_mem>>) src(%dma_wait3A_100 : memref<2x80xi32, #tpu.memory_space<hbm>>) dst(%dma_wait3A_96 : memref<2x80xi32, #tpu.memory_space<vmem>>)
        %dma_start3A_101 = arith.constant 0 : i32
        %dma_start3A_102 = arith.constant 0 : i32
        %dma_start3A_103 = arith.constant 0 : i32
        %dma_start3A_104 = tpu.memref_slice %arg7[%rem3A_57, %dma_start3A_102, %dma_start3A_103] : memref<2x80x128xf32, #tpu.memory_space<vmem>> -> memref<1x80x128xf32, #tpu.memory_space<vmem>>
        %dma_start3A_105 = tpu.memref_squeeze %dma_start3A_104 : memref<1x80x128xf32, #tpu.memory_space<vmem>> -> memref<80x128xf32, #tpu.memory_space<vmem>>
        %dma_start3A_106 = arith.constant 0 : i32
        %dma_start3A_107 = tpu.memref_slice %arg6[%rem3A_57, %dma_start3A_101, %dma_start3A_106] : memref<2x2x80xi32, #tpu.memory_space<vmem>> -> memref<1x1x80xi32, #tpu.memory_space<vmem>>
        %dma_start3A_108 = tpu.memref_squeeze %dma_start3A_107 : memref<1x1x80xi32, #tpu.memory_space<vmem>> -> memref<80xi32, #tpu.memory_space<vmem>>
        %dma_start3A_109 = arith.constant 0 : i32
        %dma_start3A_110 = arith.constant 0 : i32
        %dma_start3A_111 = tpu.memref_slice %arg2[%dma_start3A_109, %dma_start3A_110] : memref<10000x128xf32, #tpu.memory_space<hbm>> -> memref<10000x128xf32, #tpu.memory_space<hbm>>
        %dma_start3A_112 = tpu.memref_slice %arg10[%rem3A_57] : memref<2x!tpu.dma_semaphore, #tpu.memory_space<semaphore_mem>> -> memref<1x!tpu.dma_semaphore, #tpu.memory_space<semaphore_mem>>
        %dma_start3A_113 = tpu.memref_squeeze %dma_start3A_112 : memref<1x!tpu.dma_semaphore, #tpu.memory_space<semaphore_mem>> -> memref<!tpu.dma_semaphore, #tpu.memory_space<semaphore_mem>>
        tpu.enqueue_indirect_dma source(%dma_start3A_111 : memref<10000x128xf32, #tpu.memory_space<hbm>>) target(%dma_start3A_105 : memref<80x128xf32, #tpu.memory_space<vmem>>) offsets(%dma_start3A_108 : memref<80xi32, #tpu.memory_space<vmem>>) semaphore(%dma_start3A_113 : memref<!tpu.dma_semaphore, #tpu.memory_space<semaphore_mem>>)
      } else {
      }
      %dma_wait3A = arith.constant 0 : i32
      %dma_wait3A_62 = arith.constant 0 : i32
      %dma_wait3A_63 = arith.constant 0 : i32
      %dma_wait3A_64 = tpu.memref_slice %arg7[%rem3A_53, %dma_wait3A_62, %dma_wait3A_63] : memref<2x80x128xf32, #tpu.memory_space<vmem>> -> memref<1x80x128xf32, #tpu.memory_space<vmem>>
      %dma_wait3A_65 = tpu.memref_squeeze %dma_wait3A_64 : memref<1x80x128xf32, #tpu.memory_space<vmem>> -> memref<80x128xf32, #tpu.memory_space<vmem>>
      %dma_wait3A_66 = arith.constant 0 : i32
      %dma_wait3A_67 = tpu.memref_slice %arg6[%rem3A_53, %dma_wait3A, %dma_wait3A_66] : memref<2x2x80xi32, #tpu.memory_space<vmem>> -> memref<1x1x80xi32, #tpu.memory_space<vmem>>
      %dma_wait3A_68 = tpu.memref_squeeze %dma_wait3A_67 : memref<1x1x80xi32, #tpu.memory_space<vmem>> -> memref<80xi32, #tpu.memory_space<vmem>>
      %dma_wait3A_69 = arith.constant 0 : i32
      %dma_wait3A_70 = arith.constant 0 : i32
      %dma_wait3A_71 = tpu.memref_slice %arg2[%dma_wait3A_69, %dma_wait3A_70] : memref<10000x128xf32, #tpu.memory_space<hbm>> -> memref<10000x128xf32, #tpu.memory_space<hbm>>
      %dma_wait3A_72 = tpu.memref_slice %arg10[%rem3A_53] : memref<2x!tpu.dma_semaphore, #tpu.memory_space<semaphore_mem>> -> memref<1x!tpu.dma_semaphore, #tpu.memory_space<semaphore_mem>>
      %dma_wait3A_73 = tpu.memref_squeeze %dma_wait3A_72 : memref<1x!tpu.dma_semaphore, #tpu.memory_space<semaphore_mem>> -> memref<!tpu.dma_semaphore, #tpu.memory_space<semaphore_mem>>
      tpu.wait_indirect_dma semaphore(%dma_wait3A_73 : memref<!tpu.dma_semaphore, #tpu.memory_space<semaphore_mem>>) src(%dma_wait3A_71 : memref<10000x128xf32, #tpu.memory_space<hbm>>) dst(%dma_wait3A_65 : memref<80x128xf32, #tpu.memory_space<vmem>>)
      %run_scoped3A_74 = arith.constant 1 : i32
      "tpu.region"() ({
        %run_scoped3A_82 = tpu.sem_alloc : memref<!tpu.dma_semaphore, #tpu.memory_space<semaphore_mem>>
        %dma_start3A_83 = arith.constant 0 : i32
        %dma_start3A_84 = arith.constant 0 : i32
        %dma_start3A_85 = tpu.memref_slice %arg7[%rem3A_53, %dma_start3A_83, %dma_start3A_84] : memref<2x80x128xf32, #tpu.memory_space<vmem>> -> memref<1x80x128xf32, #tpu.memory_space<vmem>>
        %dma_start3A_86 = tpu.memref_squeeze %dma_start3A_85 : memref<1x80x128xf32, #tpu.memory_space<vmem>> -> memref<80x128xf32, #tpu.memory_space<vmem>>
        %dma_start3A_87 = arith.constant 0 : i32
        %dma_start3A_88 = tpu.memref_slice %arg6[%rem3A_53, %run_scoped3A_74, %dma_start3A_87] : memref<2x2x80xi32, #tpu.memory_space<vmem>> -> memref<1x1x80xi32, #tpu.memory_space<vmem>>
        %dma_start3A_89 = tpu.memref_squeeze %dma_start3A_88 : memref<1x1x80xi32, #tpu.memory_space<vmem>> -> memref<80xi32, #tpu.memory_space<vmem>>
        %dma_start3A_90 = arith.constant 0 : i32
        %dma_start3A_91 = arith.constant 0 : i32
        %dma_start3A_92 = tpu.memref_slice %arg8[%dma_start3A_90, %dma_start3A_91] : memref<10112x128xf32, #tpu.memory_space<vmem_shared>> -> memref<10112x128xf32, #tpu.memory_space<vmem_shared>>
        tpu.enqueue_indirect_dma source(%dma_start3A_86 : memref<80x128xf32, #tpu.memory_space<vmem>>) target(%dma_start3A_92 : memref<10112x128xf32, #tpu.memory_space<vmem_shared>>) offsets(%dma_start3A_89 : memref<80xi32, #tpu.memory_space<vmem>>) semaphore(%run_scoped3A_82 : memref<!tpu.dma_semaphore, #tpu.memory_space<semaphore_mem>>) {add = true}
        %dma_wait3A_93 = arith.constant 0 : i32
        %dma_wait3A_94 = arith.constant 0 : i32
        %dma_wait3A_95 = tpu.memref_slice %arg7[%rem3A_53, %dma_wait3A_93, %dma_wait3A_94] : memref<2x80x128xf32, #tpu.memory_space<vmem>> -> memref<1x80x128xf32, #tpu.memory_space<vmem>>
        %dma_wait3A_96 = tpu.memref_squeeze %dma_wait3A_95 : memref<1x80x128xf32, #tpu.memory_space<vmem>> -> memref<80x128xf32, #tpu.memory_space<vmem>>
        %dma_wait3A_97 = arith.constant 0 : i32
        %dma_wait3A_98 = tpu.memref_slice %arg6[%rem3A_53, %run_scoped3A_74, %dma_wait3A_97] : memref<2x2x80xi32, #tpu.memory_space<vmem>> -> memref<1x1x80xi32, #tpu.memory_space<vmem>>
        %dma_wait3A_99 = tpu.memref_squeeze %dma_wait3A_98 : memref<1x1x80xi32, #tpu.memory_space<vmem>> -> memref<80xi32, #tpu.memory_space<vmem>>
        %dma_wait3A_100 = arith.constant 0 : i32
        %dma_wait3A_101 = arith.constant 0 : i32
        %dma_wait3A_102 = tpu.memref_slice %arg8[%dma_wait3A_100, %dma_wait3A_101] : memref<10112x128xf32, #tpu.memory_space<vmem_shared>> -> memref<10112x128xf32, #tpu.memory_space<vmem_shared>>
        tpu.wait_indirect_dma semaphore(%run_scoped3A_82 : memref<!tpu.dma_semaphore, #tpu.memory_space<semaphore_mem>>) src(%dma_wait3A_96 : memref<80x128xf32, #tpu.memory_space<vmem>>) dst(%dma_wait3A_102 : memref<10112x128xf32, #tpu.memory_space<vmem_shared>>)
        tpu.yield
      }) : () -> ()
      %add3A_75 = arith.constant 2 : i32
      %add3A_76 = arith.addi %scan3A_52, %add3A_75 : i32
      %lt3A_77 = arith.constant 125 : i32
      %lt3A_78 = arith.cmpi slt, %add3A_76, %lt3A_77 : i32
      %convert_element_type3A_79 = arith.extui %lt3A_78 : i1 to i32
      %cond3A_80 = arith.constant 0 : i32
      %cond3A_81 = arith.cmpi ne, %convert_element_type3A_79, %cond3A_80 : i32
      scf.if %cond3A_81 {
        %add3A_82 = arith.constant 2 : i32
        %add3A_83 = arith.addi %scan3A_52, %add3A_82 : i32
        %dma_start3A_84 = arith.constant 0 : i32
        %dma_start3A_85 = arith.constant 0 : i32
        %dma_start3A_86 = tpu.memref_slice %arg6[%rem3A_53, %dma_start3A_84, %dma_start3A_85] : memref<2x2x80xi32, #tpu.memory_space<vmem>> -> memref<1x2x80xi32, #tpu.memory_space<vmem>>
        %dma_start3A_87 = tpu.memref_squeeze %dma_start3A_86 : memref<1x2x80xi32, #tpu.memory_space<vmem>> -> memref<2x80xi32, #tpu.memory_space<vmem>>
        %dma_start3A_88 = arith.constant 0 : i32
        %dma_start3A_89 = arith.constant 0 : i32
        %dma_start3A_90 = tpu.memref_slice %arg3[%add3A, %add3A_83, %dma_start3A_88, %dma_start3A_89] : memref<32x125x2x80xi32, #tpu.memory_space<hbm>> -> memref<1x1x2x80xi32, #tpu.memory_space<hbm>>
        %dma_start3A_91 = tpu.memref_squeeze %dma_start3A_90 : memref<1x1x2x80xi32, #tpu.memory_space<hbm>> -> memref<2x80xi32, #tpu.memory_space<hbm>>
        %dma_start3A_92 = tpu.memref_slice %arg9[%rem3A_53] : memref<2x!tpu.dma_semaphore, #tpu.memory_space<semaphore_mem>> -> memref<1x!tpu.dma_semaphore, #tpu.memory_space<semaphore_mem>>
        %dma_start3A_93 = tpu.memref_squeeze %dma_start3A_92 : memref<1x!tpu.dma_semaphore, #tpu.memory_space<semaphore_mem>> -> memref<!tpu.dma_semaphore, #tpu.memory_space<semaphore_mem>>
        %dma_start3A_94 = arith.constant 0 : i32
        %dma_start3A_95 = arith.constant 0 : i32
        %dma_start3A_96 = tpu.memref_slice %arg6[%rem3A_53, %dma_start3A_94, %dma_start3A_95] : memref<2x2x80xi32, #tpu.memory_space<vmem>> -> memref<1x2x80xi32, #tpu.memory_space<vmem>>
        %dma_start3A_97 = tpu.memref_squeeze %dma_start3A_96 : memref<1x2x80xi32, #tpu.memory_space<vmem>> -> memref<2x80xi32, #tpu.memory_space<vmem>>
        %dma_start3A_98 = arith.constant 0 : i32
        %dma_start3A_99 = arith.constant 0 : i32
        %dma_start3A_100 = tpu.memref_slice %arg3[%add3A, %add3A_83, %dma_start3A_98, %dma_start3A_99] : memref<32x125x2x80xi32, #tpu.memory_space<hbm>> -> memref<1x1x2x80xi32, #tpu.memory_space<hbm>>
        %dma_start3A_101 = tpu.memref_squeeze %dma_start3A_100 : memref<1x1x2x80xi32, #tpu.memory_space<hbm>> -> memref<2x80xi32, #tpu.memory_space<hbm>>
        tpu.enqueue_dma source(%dma_start3A_101 : memref<2x80xi32, #tpu.memory_space<hbm>>) target(%dma_start3A_97 : memref<2x80xi32, #tpu.memory_space<vmem>>) target_semaphore(%dma_start3A_93 : memref<!tpu.dma_semaphore, #tpu.memory_space<semaphore_mem>>)
      } else {
      }
    }
    %scan3A_46 = arith.constant 125 : i32
    %barrier3A_47 = arith.constant 0 : index
    tpu.barrier barrier_id(%barrier3A_47)
    %mul3A_48 = arith.constant 632 : i32
    %mul3A_49 = arith.muli %arg1, %mul3A_48 : i32
    %mul3A_50 = arith.constant 632 : i32
    %mul3A_51 = arith.muli %arg1, %mul3A_50 : i32
    "tpu.region"() ({
      %run_scoped3A_52 = tpu.sem_alloc : memref<!tpu.dma_semaphore, #tpu.memory_space<semaphore_mem>>
      %dma_start3A_53 = arith.constant 0 : i32
      %dma_start3A_54 = tpu.memref_slice %arg5[%arg0, %mul3A_51, %dma_start3A_53] : memref<2x10112x128xf32, #tpu.memory_space<hbm>> -> memref<1x632x128xf32, #tpu.memory_space<hbm>>
      %dma_start3A_55 = tpu.memref_squeeze %dma_start3A_54 : memref<1x632x128xf32, #tpu.memory_space<hbm>> -> memref<632x128xf32, #tpu.memory_space<hbm>>
      %dma_start3A_56 = arith.constant 0 : i32
      %dma_start3A_57 = tpu.memref_slice %arg8[%mul3A_49, %dma_start3A_56] : memref<10112x128xf32, #tpu.memory_space<vmem_shared>> -> memref<632x128xf32, #tpu.memory_space<vmem_shared>>
      tpu.enqueue_dma source(%dma_start3A_57 : memref<632x128xf32, #tpu.memory_space<vmem_shared>>) target(%dma_start3A_55 : memref<632x128xf32, #tpu.memory_space<hbm>>) target_semaphore(%run_scoped3A_52 : memref<!tpu.dma_semaphore, #tpu.memory_space<semaphore_mem>>)
      %dma_wait3A = arith.constant 0 : i32
      %dma_wait3A_58 = tpu.memref_slice %arg5[%arg0, %mul3A_51, %dma_wait3A] : memref<2x10112x128xf32, #tpu.memory_space<hbm>> -> memref<1x632x128xf32, #tpu.memory_space<hbm>>
      %dma_wait3A_59 = tpu.memref_squeeze %dma_wait3A_58 : memref<1x632x128xf32, #tpu.memory_space<hbm>> -> memref<632x128xf32, #tpu.memory_space<hbm>>
      %dma_wait3A_60 = arith.constant 0 : i32
      %dma_wait3A_61 = tpu.memref_slice %arg8[%mul3A_49, %dma_wait3A_60] : memref<10112x128xf32, #tpu.memory_space<vmem_shared>> -> memref<632x128xf32, #tpu.memory_space<vmem_shared>>
      tpu.wait_dma2 semaphore(%run_scoped3A_52 : memref<!tpu.dma_semaphore, #tpu.memory_space<semaphore_mem>>) src(%dma_wait3A_61 : memref<632x128xf32, #tpu.memory_space<vmem_shared>>) dst(%dma_wait3A_59 : memref<632x128xf32, #tpu.memory_space<hbm>>)
      tpu.yield
    }) : () -> ()
    return
  }
}

#map = affine_map<(d0, d1) -> (0, 0)>
#map1 = affine_map<(d0, d1) -> (0, 0, 0, 0)>
#map2 = affine_map<(d0, d1) -> (0, 0, 0)>
module attributes {stable_mosaic.version = 14 : i64} {
  func.func @k(%arg0: i32, %arg1: i32, %arg2: memref<10000x128xf32, #tpu.memory_space<hbm>>, %arg3: memref<32x125x2x80xi32, #tpu.memory_space<hbm>>, %arg4: memref<10112x128xf32, #tpu.memory_space<hbm>>, %arg5: memref<2x10112x128xf32, #tpu.memory_space<hbm>>, %arg6: memref<2x2x80xi32, #tpu.memory_space<vmem>>, %arg7: memref<2x80x128xf32, #tpu.memory_space<vmem>>, %arg8: memref<10112x128xf32, #tpu.memory_space<vmem_shared>>, %arg9: memref<2x!tpu.dma_semaphore, #tpu.memory_space<semaphore_mem>>, %arg10: memref<2x!tpu.dma_semaphore, #tpu.memory_space<semaphore_mem>>) attributes {dimension_semantics = [#tpu.dimension_semantics<core_parallel>, #tpu.dimension_semantics<subcore_parallel>], iteration_bounds = array<i64: 2, 16>, scalar_prefetch = 0 : i64, scratch_operands = 5 : i64, tpu.core_type = #tpu.core_type<sc_vector_subcore>, window_params = [{transform_indices = #map}, {transform_indices = #map1}, {transform_indices = #map}, {transform_indices = #map2}]} {
    %mul3A = arith.constant 16 : i32
    %mul3A_0 = arith.muli %arg0, %mul3A : i32
    %add3A = arith.addi %mul3A_0, %arg1 : i32
    %run_scoped3A = arith.constant 0 : i32
    %run_scoped3A_1 = arith.constant 0 : i32
    "tpu.region"() ({
      %run_scoped3A_52 = tpu.sem_alloc : memref<!tpu.dma_semaphore, #tpu.memory_space<semaphore_mem>>
      %dma_start3A_53 = arith.constant 0 : i32
      %dma_start3A_54 = arith.constant 0 : i32
      %dma_start3A_55 = tpu.memref_slice %arg6[%run_scoped3A_1, %dma_start3A_53, %dma_start3A_54] : memref<2x2x80xi32, #tpu.memory_space<vmem>> -> memref<1x2x80xi32, #tpu.memory_space<vmem>>
      %dma_start3A_56 = tpu.memref_squeeze %dma_start3A_55 : memref<1x2x80xi32, #tpu.memory_space<vmem>> -> memref<2x80xi32, #tpu.memory_space<vmem>>
      %dma_start3A_57 = arith.constant 0 : i32
      %dma_start3A_58 = arith.constant 0 : i32
      %dma_start3A_59 = tpu.memref_slice %arg3[%add3A, %run_scoped3A, %dma_start3A_57, %dma_start3A_58] : memref<32x125x2x80xi32, #tpu.memory_space<hbm>> -> memref<1x1x2x80xi32, #tpu.memory_space<hbm>>
      %dma_start3A_60 = tpu.memref_squeeze %dma_start3A_59 : memref<1x1x2x80xi32, #tpu.memory_space<hbm>> -> memref<2x80xi32, #tpu.memory_space<hbm>>
      %dma_start3A_61 = arith.constant 0 : i32
      %dma_start3A_62 = arith.constant 0 : i32
      %dma_start3A_63 = tpu.memref_slice %arg6[%run_scoped3A_1, %dma_start3A_61, %dma_start3A_62] : memref<2x2x80xi32, #tpu.memory_space<vmem>> -> memref<1x2x80xi32, #tpu.memory_space<vmem>>
      %dma_start3A_64 = tpu.memref_squeeze %dma_start3A_63 : memref<1x2x80xi32, #tpu.memory_space<vmem>> -> memref<2x80xi32, #tpu.memory_space<vmem>>
      %dma_start3A_65 = arith.constant 0 : i32
      %dma_start3A_66 = arith.constant 0 : i32
      %dma_start3A_67 = tpu.memref_slice %arg3[%add3A, %run_scoped3A, %dma_start3A_65, %dma_start3A_66] : memref<32x125x2x80xi32, #tpu.memory_space<hbm>> -> memref<1x1x2x80xi32, #tpu.memory_space<hbm>>
      %dma_start3A_68 = tpu.memref_squeeze %dma_start3A_67 : memref<1x1x2x80xi32, #tpu.memory_space<hbm>> -> memref<2x80xi32, #tpu.memory_space<hbm>>
      tpu.enqueue_dma source(%dma_start3A_68 : memref<2x80xi32, #tpu.memory_space<hbm>>) target(%dma_start3A_64 : memref<2x80xi32, #tpu.memory_space<vmem>>) target_semaphore(%run_scoped3A_52 : memref<!tpu.dma_semaphore, #tpu.memory_space<semaphore_mem>>)
      %dma_wait3A = arith.constant 0 : i32
      %dma_wait3A_69 = arith.constant 0 : i32
      %dma_wait3A_70 = tpu.memref_slice %arg6[%run_scoped3A_1, %dma_wait3A, %dma_wait3A_69] : memref<2x2x80xi32, #tpu.memory_space<vmem>> -> memref<1x2x80xi32, #tpu.memory_space<vmem>>
      %dma_wait3A_71 = tpu.memref_squeeze %dma_wait3A_70 : memref<1x2x80xi32, #tpu.memory_space<vmem>> -> memref<2x80xi32, #tpu.memory_space<vmem>>
      %dma_wait3A_72 = arith.constant 0 : i32
      %dma_wait3A_73 = arith.constant 0 : i32
      %dma_wait3A_74 = tpu.memref_slice %arg3[%add3A, %run_scoped3A, %dma_wait3A_72, %dma_wait3A_73] : memref<32x125x2x80xi32, #tpu.memory_space<hbm>> -> memref<1x1x2x80xi32, #tpu.memory_space<hbm>>
      %dma_wait3A_75 = tpu.memref_squeeze %dma_wait3A_74 : memref<1x1x2x80xi32, #tpu.memory_space<hbm>> -> memref<2x80xi32, #tpu.memory_space<hbm>>
      %dma_wait3A_76 = arith.constant 0 : i32
      %dma_wait3A_77 = arith.constant 0 : i32
      %dma_wait3A_78 = tpu.memref_slice %arg6[%run_scoped3A_1, %dma_wait3A_76, %dma_wait3A_77] : memref<2x2x80xi32, #tpu.memory_space<vmem>> -> memref<1x2x80xi32, #tpu.memory_space<vmem>>
      %dma_wait3A_79 = tpu.memref_squeeze %dma_wait3A_78 : memref<1x2x80xi32, #tpu.memory_space<vmem>> -> memref<2x80xi32, #tpu.memory_space<vmem>>
      %dma_wait3A_80 = arith.constant 0 : i32
      %dma_wait3A_81 = arith.constant 0 : i32
      %dma_wait3A_82 = tpu.memref_slice %arg3[%add3A, %run_scoped3A, %dma_wait3A_80, %dma_wait3A_81] : memref<32x125x2x80xi32, #tpu.memory_space<hbm>> -> memref<1x1x2x80xi32, #tpu.memory_space<hbm>>
      %dma_wait3A_83 = tpu.memref_squeeze %dma_wait3A_82 : memref<1x1x2x80xi32, #tpu.memory_space<hbm>> -> memref<2x80xi32, #tpu.memory_space<hbm>>
      tpu.wait_dma2 semaphore(%run_scoped3A_52 : memref<!tpu.dma_semaphore, #tpu.memory_space<semaphore_mem>>) src(%dma_wait3A_83 : memref<2x80xi32, #tpu.memory_space<hbm>>) dst(%dma_wait3A_79 : memref<2x80xi32, #tpu.memory_space<vmem>>)
      tpu.yield
    }) : () -> ()
    %dma_start3A = arith.constant 1 : i32
    %dma_start3A_2 = arith.constant 1 : i32
    %dma_start3A_3 = arith.constant 1 : i32
    %dma_start3A_4 = arith.constant 0 : i32
    %dma_start3A_5 = arith.constant 0 : i32
    %dma_start3A_6 = tpu.memref_slice %arg6[%dma_start3A_2, %dma_start3A_4, %dma_start3A_5] : memref<2x2x80xi32, #tpu.memory_space<vmem>> -> memref<1x2x80xi32, #tpu.memory_space<vmem>>
    %dma_start3A_7 = tpu.memref_squeeze %dma_start3A_6 : memref<1x2x80xi32, #tpu.memory_space<vmem>> -> memref<2x80xi32, #tpu.memory_space<vmem>>
    %dma_start3A_8 = arith.constant 0 : i32
    %dma_start3A_9 = arith.constant 0 : i32
    %dma_start3A_10 = tpu.memref_slice %arg3[%add3A, %dma_start3A, %dma_start3A_8, %dma_start3A_9] : memref<32x125x2x80xi32, #tpu.memory_space<hbm>> -> memref<1x1x2x80xi32, #tpu.memory_space<hbm>>
    %dma_start3A_11 = tpu.memref_squeeze %dma_start3A_10 : memref<1x1x2x80xi32, #tpu.memory_space<hbm>> -> memref<2x80xi32, #tpu.memory_space<hbm>>
    %dma_start3A_12 = tpu.memref_slice %arg9[%dma_start3A_3] : memref<2x!tpu.dma_semaphore, #tpu.memory_space<semaphore_mem>> -> memref<1x!tpu.dma_semaphore, #tpu.memory_space<semaphore_mem>>
    %dma_start3A_13 = tpu.memref_squeeze %dma_start3A_12 : memref<1x!tpu.dma_semaphore, #tpu.memory_space<semaphore_mem>> -> memref<!tpu.dma_semaphore, #tpu.memory_space<semaphore_mem>>
    %dma_start3A_14 = arith.constant 0 : i32
    %dma_start3A_15 = arith.constant 0 : i32
    %dma_start3A_16 = tpu.memref_slice %arg6[%dma_start3A_2, %dma_start3A_14, %dma_start3A_15] : memref<2x2x80xi32, #tpu.memory_space<vmem>> -> memref<1x2x80xi32, #tpu.memory_space<vmem>>
    %dma_start3A_17 = tpu.memref_squeeze %dma_start3A_16 : memref<1x2x80xi32, #tpu.memory_space<vmem>> -> memref<2x80xi32, #tpu.memory_space<vmem>>
    %dma_start3A_18 = arith.constant 0 : i32
    %dma_start3A_19 = arith.constant 0 : i32
    %dma_start3A_20 = tpu.memref_slice %arg3[%add3A, %dma_start3A, %dma_start3A_18, %dma_start3A_19] : memref<32x125x2x80xi32, #tpu.memory_space<hbm>> -> memref<1x1x2x80xi32, #tpu.memory_space<hbm>>
    %dma_start3A_21 = tpu.memref_squeeze %dma_start3A_20 : memref<1x1x2x80xi32, #tpu.memory_space<hbm>> -> memref<2x80xi32, #tpu.memory_space<hbm>>
    tpu.enqueue_dma source(%dma_start3A_21 : memref<2x80xi32, #tpu.memory_space<hbm>>) target(%dma_start3A_17 : memref<2x80xi32, #tpu.memory_space<vmem>>) target_semaphore(%dma_start3A_13 : memref<!tpu.dma_semaphore, #tpu.memory_space<semaphore_mem>>)
    %dma_start3A_22 = arith.constant 0 : i32
    %dma_start3A_23 = arith.constant 0 : i32
    %dma_start3A_24 = arith.constant 0 : i32
    %dma_start3A_25 = arith.constant 0 : i32
    %dma_start3A_26 = arith.constant 0 : i32
    %dma_start3A_27 = arith.constant 0 : i32
    %dma_start3A_28 = tpu.memref_slice %arg7[%dma_start3A_24, %dma_start3A_26, %dma_start3A_27] : memref<2x80x128xf32, #tpu.memory_space<vmem>> -> memref<1x80x128xf32, #tpu.memory_space<vmem>>
    %dma_start3A_29 = tpu.memref_squeeze %dma_start3A_28 : memref<1x80x128xf32, #tpu.memory_space<vmem>> -> memref<80x128xf32, #tpu.memory_space<vmem>>
    %dma_start3A_30 = arith.constant 0 : i32
    %dma_start3A_31 = tpu.memref_slice %arg6[%dma_start3A_22, %dma_start3A_23, %dma_start3A_30] : memref<2x2x80xi32, #tpu.memory_space<vmem>> -> memref<1x1x80xi32, #tpu.memory_space<vmem>>
    %dma_start3A_32 = tpu.memref_squeeze %dma_start3A_31 : memref<1x1x80xi32, #tpu.memory_space<vmem>> -> memref<80xi32, #tpu.memory_space<vmem>>
    %dma_start3A_33 = arith.constant 0 : i32
    %dma_start3A_34 = arith.constant 0 : i32
    %dma_start3A_35 = tpu.memref_slice %arg2[%dma_start3A_33, %dma_start3A_34] : memref<10000x128xf32, #tpu.memory_space<hbm>> -> memref<10000x128xf32, #tpu.memory_space<hbm>>
    %dma_start3A_36 = tpu.memref_slice %arg10[%dma_start3A_25] : memref<2x!tpu.dma_semaphore, #tpu.memory_space<semaphore_mem>> -> memref<1x!tpu.dma_semaphore, #tpu.memory_space<semaphore_mem>>
    %dma_start3A_37 = tpu.memref_squeeze %dma_start3A_36 : memref<1x!tpu.dma_semaphore, #tpu.memory_space<semaphore_mem>> -> memref<!tpu.dma_semaphore, #tpu.memory_space<semaphore_mem>>
    tpu.enqueue_indirect_dma source(%dma_start3A_35 : memref<10000x128xf32, #tpu.memory_space<hbm>>) target(%dma_start3A_29 : memref<80x128xf32, #tpu.memory_space<vmem>>) offsets(%dma_start3A_32 : memref<80xi32, #tpu.memory_space<vmem>>) semaphore(%dma_start3A_37 : memref<!tpu.dma_semaphore, #tpu.memory_space<semaphore_mem>>)
    %mul3A_38 = arith.constant 632 : i32
    %mul3A_39 = arith.muli %arg1, %mul3A_38 : i32
    %mul3A_40 = arith.constant 632 : i32
    %mul3A_41 = arith.muli %arg1, %mul3A_40 : i32
    "tpu.region"() ({
      %run_scoped3A_52 = tpu.sem_alloc : memref<!tpu.dma_semaphore, #tpu.memory_space<semaphore_mem>>
      %dma_start3A_53 = arith.constant 0 : i32
      %dma_start3A_54 = tpu.memref_slice %arg8[%mul3A_41, %dma_start3A_53] : memref<10112x128xf32, #tpu.memory_space<vmem_shared>> -> memref<632x128xf32, #tpu.memory_space<vmem_shared>>
      %dma_start3A_55 = arith.constant 0 : i32
      %dma_start3A_56 = tpu.memref_slice %arg4[%mul3A_39, %dma_start3A_55] : memref<10112x128xf32, #tpu.memory_space<hbm>> -> memref<632x128xf32, #tpu.memory_space<hbm>>
      tpu.enqueue_dma source(%dma_start3A_56 : memref<632x128xf32, #tpu.memory_space<hbm>>) target(%dma_start3A_54 : memref<632x128xf32, #tpu.memory_space<vmem_shared>>) target_semaphore(%run_scoped3A_52 : memref<!tpu.dma_semaphore, #tpu.memory_space<semaphore_mem>>)
      %dma_wait3A = arith.constant 0 : i32
      %dma_wait3A_57 = tpu.memref_slice %arg8[%mul3A_41, %dma_wait3A] : memref<10112x128xf32, #tpu.memory_space<vmem_shared>> -> memref<632x128xf32, #tpu.memory_space<vmem_shared>>
      %dma_wait3A_58 = arith.constant 0 : i32
      %dma_wait3A_59 = tpu.memref_slice %arg4[%mul3A_39, %dma_wait3A_58] : memref<10112x128xf32, #tpu.memory_space<hbm>> -> memref<632x128xf32, #tpu.memory_space<hbm>>
      tpu.wait_dma2 semaphore(%run_scoped3A_52 : memref<!tpu.dma_semaphore, #tpu.memory_space<semaphore_mem>>) src(%dma_wait3A_59 : memref<632x128xf32, #tpu.memory_space<hbm>>) dst(%dma_wait3A_57 : memref<632x128xf32, #tpu.memory_space<vmem_shared>>)
      tpu.yield
    }) : () -> ()
    %barrier3A = arith.constant 0 : index
    tpu.barrier barrier_id(%barrier3A)
    %scan3A = arith.constant 0 : i32
    %scan3A_42 = arith.constant 0 : i32
    %scan3A_43 = arith.constant 125 : i32
    %scan3A_44 = arith.addi %scan3A_42, %scan3A_43 : i32
    %scan3A_45 = arith.constant 1 : i32
    scf.for %scan3A_52 = %scan3A_42 to %scan3A_44 step %scan3A_45  : i32 {
      %rem3A = arith.constant 2 : i32
      %rem3A_53 = arith.remsi %scan3A_52, %rem3A : i32
      %add3A_54 = arith.constant 1 : i32
      %add3A_55 = arith.addi %scan3A_52, %add3A_54 : i32
      %rem3A_56 = arith.constant 2 : i32
      %rem3A_57 = arith.remsi %add3A_55, %rem3A_56 : i32
      %add3A_58 = arith.constant 1 : i32
      %add3A_59 = arith.addi %scan3A_52, %add3A_58 : i32
      %lt3A = arith.constant 125 : i32
      %lt3A_60 = arith.cmpi slt, %add3A_59, %lt3A : i32
      %convert_element_type3A = arith.extui %lt3A_60 : i1 to i32
      %cond3A = arith.constant 0 : i32
      %cond3A_61 = arith.cmpi ne, %convert_element_type3A, %cond3A : i32
      scf.if %cond3A_61 {
        %dma_wait3A_82 = arith.constant 0 : i32
        %dma_wait3A_83 = arith.constant 0 : i32
        %dma_wait3A_84 = arith.constant 0 : i32
        %dma_wait3A_85 = tpu.memref_slice %arg6[%rem3A_57, %dma_wait3A_83, %dma_wait3A_84] : memref<2x2x80xi32, #tpu.memory_space<vmem>> -> memref<1x2x80xi32, #tpu.memory_space<vmem>>
        %dma_wait3A_86 = tpu.memref_squeeze %dma_wait3A_85 : memref<1x2x80xi32, #tpu.memory_space<vmem>> -> memref<2x80xi32, #tpu.memory_space<vmem>>
        %dma_wait3A_87 = arith.constant 0 : i32
        %dma_wait3A_88 = arith.constant 0 : i32
        %dma_wait3A_89 = tpu.memref_slice %arg3[%add3A, %dma_wait3A_82, %dma_wait3A_87, %dma_wait3A_88] : memref<32x125x2x80xi32, #tpu.memory_space<hbm>> -> memref<1x1x2x80xi32, #tpu.memory_space<hbm>>
        %dma_wait3A_90 = tpu.memref_squeeze %dma_wait3A_89 : memref<1x1x2x80xi32, #tpu.memory_space<hbm>> -> memref<2x80xi32, #tpu.memory_space<hbm>>
        %dma_wait3A_91 = tpu.memref_slice %arg9[%rem3A_57] : memref<2x!tpu.dma_semaphore, #tpu.memory_space<semaphore_mem>> -> memref<1x!tpu.dma_semaphore, #tpu.memory_space<semaphore_mem>>
        %dma_wait3A_92 = tpu.memref_squeeze %dma_wait3A_91 : memref<1x!tpu.dma_semaphore, #tpu.memory_space<semaphore_mem>> -> memref<!tpu.dma_semaphore, #tpu.memory_space<semaphore_mem>>
        %dma_wait3A_93 = arith.constant 0 : i32
        %dma_wait3A_94 = arith.constant 0 : i32
        %dma_wait3A_95 = tpu.memref_slice %arg6[%rem3A_57, %dma_wait3A_93, %dma_wait3A_94] : memref<2x2x80xi32, #tpu.memory_space<vmem>> -> memref<1x2x80xi32, #tpu.memory_space<vmem>>
        %dma_wait3A_96 = tpu.memref_squeeze %dma_wait3A_95 : memref<1x2x80xi32, #tpu.memory_space<vmem>> -> memref<2x80xi32, #tpu.memory_space<vmem>>
        %dma_wait3A_97 = arith.constant 0 : i32
        %dma_wait3A_98 = arith.constant 0 : i32
        %dma_wait3A_99 = tpu.memref_slice %arg3[%add3A, %dma_wait3A_82, %dma_wait3A_97, %dma_wait3A_98] : memref<32x125x2x80xi32, #tpu.memory_space<hbm>> -> memref<1x1x2x80xi32, #tpu.memory_space<hbm>>
        %dma_wait3A_100 = tpu.memref_squeeze %dma_wait3A_99 : memref<1x1x2x80xi32, #tpu.memory_space<hbm>> -> memref<2x80xi32, #tpu.memory_space<hbm>>
        tpu.wait_dma2 semaphore(%dma_wait3A_92 : memref<!tpu.dma_semaphore, #tpu.memory_space<semaphore_mem>>) src(%dma_wait3A_100 : memref<2x80xi32, #tpu.memory_space<hbm>>) dst(%dma_wait3A_96 : memref<2x80xi32, #tpu.memory_space<vmem>>)
        %dma_start3A_101 = arith.constant 0 : i32
        %dma_start3A_102 = arith.constant 0 : i32
        %dma_start3A_103 = arith.constant 0 : i32
        %dma_start3A_104 = tpu.memref_slice %arg7[%rem3A_57, %dma_start3A_102, %dma_start3A_103] : memref<2x80x128xf32, #tpu.memory_space<vmem>> -> memref<1x80x128xf32, #tpu.memory_space<vmem>>
        %dma_start3A_105 = tpu.memref_squeeze %dma_start3A_104 : memref<1x80x128xf32, #tpu.memory_space<vmem>> -> memref<80x128xf32, #tpu.memory_space<vmem>>
        %dma_start3A_106 = arith.constant 0 : i32
        %dma_start3A_107 = tpu.memref_slice %arg6[%rem3A_57, %dma_start3A_101, %dma_start3A_106] : memref<2x2x80xi32, #tpu.memory_space<vmem>> -> memref<1x1x80xi32, #tpu.memory_space<vmem>>
        %dma_start3A_108 = tpu.memref_squeeze %dma_start3A_107 : memref<1x1x80xi32, #tpu.memory_space<vmem>> -> memref<80xi32, #tpu.memory_space<vmem>>
        %dma_start3A_109 = arith.constant 0 : i32
        %dma_start3A_110 = arith.constant 0 : i32
        %dma_start3A_111 = tpu.memref_slice %arg2[%dma_start3A_109, %dma_start3A_110] : memref<10000x128xf32, #tpu.memory_space<hbm>> -> memref<10000x128xf32, #tpu.memory_space<hbm>>
        %dma_start3A_112 = tpu.memref_slice %arg10[%rem3A_57] : memref<2x!tpu.dma_semaphore, #tpu.memory_space<semaphore_mem>> -> memref<1x!tpu.dma_semaphore, #tpu.memory_space<semaphore_mem>>
        %dma_start3A_113 = tpu.memref_squeeze %dma_start3A_112 : memref<1x!tpu.dma_semaphore, #tpu.memory_space<semaphore_mem>> -> memref<!tpu.dma_semaphore, #tpu.memory_space<semaphore_mem>>
        tpu.enqueue_indirect_dma source(%dma_start3A_111 : memref<10000x128xf32, #tpu.memory_space<hbm>>) target(%dma_start3A_105 : memref<80x128xf32, #tpu.memory_space<vmem>>) offsets(%dma_start3A_108 : memref<80xi32, #tpu.memory_space<vmem>>) semaphore(%dma_start3A_113 : memref<!tpu.dma_semaphore, #tpu.memory_space<semaphore_mem>>)
      } else {
      }
      %dma_wait3A = arith.constant 0 : i32
      %dma_wait3A_62 = arith.constant 0 : i32
      %dma_wait3A_63 = arith.constant 0 : i32
      %dma_wait3A_64 = tpu.memref_slice %arg7[%rem3A_53, %dma_wait3A_62, %dma_wait3A_63] : memref<2x80x128xf32, #tpu.memory_space<vmem>> -> memref<1x80x128xf32, #tpu.memory_space<vmem>>
      %dma_wait3A_65 = tpu.memref_squeeze %dma_wait3A_64 : memref<1x80x128xf32, #tpu.memory_space<vmem>> -> memref<80x128xf32, #tpu.memory_space<vmem>>
      %dma_wait3A_66 = arith.constant 0 : i32
      %dma_wait3A_67 = tpu.memref_slice %arg6[%rem3A_53, %dma_wait3A, %dma_wait3A_66] : memref<2x2x80xi32, #tpu.memory_space<vmem>> -> memref<1x1x80xi32, #tpu.memory_space<vmem>>
      %dma_wait3A_68 = tpu.memref_squeeze %dma_wait3A_67 : memref<1x1x80xi32, #tpu.memory_space<vmem>> -> memref<80xi32, #tpu.memory_space<vmem>>
      %dma_wait3A_69 = arith.constant 0 : i32
      %dma_wait3A_70 = arith.constant 0 : i32
      %dma_wait3A_71 = tpu.memref_slice %arg2[%dma_wait3A_69, %dma_wait3A_70] : memref<10000x128xf32, #tpu.memory_space<hbm>> -> memref<10000x128xf32, #tpu.memory_space<hbm>>
      %dma_wait3A_72 = tpu.memref_slice %arg10[%rem3A_53] : memref<2x!tpu.dma_semaphore, #tpu.memory_space<semaphore_mem>> -> memref<1x!tpu.dma_semaphore, #tpu.memory_space<semaphore_mem>>
      %dma_wait3A_73 = tpu.memref_squeeze %dma_wait3A_72 : memref<1x!tpu.dma_semaphore, #tpu.memory_space<semaphore_mem>> -> memref<!tpu.dma_semaphore, #tpu.memory_space<semaphore_mem>>
      tpu.wait_indirect_dma semaphore(%dma_wait3A_73 : memref<!tpu.dma_semaphore, #tpu.memory_space<semaphore_mem>>) src(%dma_wait3A_71 : memref<10000x128xf32, #tpu.memory_space<hbm>>) dst(%dma_wait3A_65 : memref<80x128xf32, #tpu.memory_space<vmem>>)
      %run_scoped3A_74 = arith.constant 1 : i32
      "tpu.region"() ({
        %run_scoped3A_82 = tpu.sem_alloc : memref<!tpu.dma_semaphore, #tpu.memory_space<semaphore_mem>>
        %dma_start3A_83 = arith.constant 0 : i32
        %dma_start3A_84 = arith.constant 0 : i32
        %dma_start3A_85 = tpu.memref_slice %arg7[%rem3A_53, %dma_start3A_83, %dma_start3A_84] : memref<2x80x128xf32, #tpu.memory_space<vmem>> -> memref<1x80x128xf32, #tpu.memory_space<vmem>>
        %dma_start3A_86 = tpu.memref_squeeze %dma_start3A_85 : memref<1x80x128xf32, #tpu.memory_space<vmem>> -> memref<80x128xf32, #tpu.memory_space<vmem>>
        %dma_start3A_87 = arith.constant 0 : i32
        %dma_start3A_88 = tpu.memref_slice %arg6[%rem3A_53, %run_scoped3A_74, %dma_start3A_87] : memref<2x2x80xi32, #tpu.memory_space<vmem>> -> memref<1x1x80xi32, #tpu.memory_space<vmem>>
        %dma_start3A_89 = tpu.memref_squeeze %dma_start3A_88 : memref<1x1x80xi32, #tpu.memory_space<vmem>> -> memref<80xi32, #tpu.memory_space<vmem>>
        %dma_start3A_90 = arith.constant 0 : i32
        %dma_start3A_91 = arith.constant 0 : i32
        %dma_start3A_92 = tpu.memref_slice %arg8[%dma_start3A_90, %dma_start3A_91] : memref<10112x128xf32, #tpu.memory_space<vmem_shared>> -> memref<10112x128xf32, #tpu.memory_space<vmem_shared>>
        tpu.enqueue_indirect_dma source(%dma_start3A_86 : memref<80x128xf32, #tpu.memory_space<vmem>>) target(%dma_start3A_92 : memref<10112x128xf32, #tpu.memory_space<vmem_shared>>) offsets(%dma_start3A_89 : memref<80xi32, #tpu.memory_space<vmem>>) semaphore(%run_scoped3A_82 : memref<!tpu.dma_semaphore, #tpu.memory_space<semaphore_mem>>) {add = true}
        %dma_wait3A_93 = arith.constant 0 : i32
        %dma_wait3A_94 = arith.constant 0 : i32
        %dma_wait3A_95 = tpu.memref_slice %arg7[%rem3A_53, %dma_wait3A_93, %dma_wait3A_94] : memref<2x80x128xf32, #tpu.memory_space<vmem>> -> memref<1x80x128xf32, #tpu.memory_space<vmem>>
        %dma_wait3A_96 = tpu.memref_squeeze %dma_wait3A_95 : memref<1x80x128xf32, #tpu.memory_space<vmem>> -> memref<80x128xf32, #tpu.memory_space<vmem>>
        %dma_wait3A_97 = arith.constant 0 : i32
        %dma_wait3A_98 = tpu.memref_slice %arg6[%rem3A_53, %run_scoped3A_74, %dma_wait3A_97] : memref<2x2x80xi32, #tpu.memory_space<vmem>> -> memref<1x1x80xi32, #tpu.memory_space<vmem>>
        %dma_wait3A_99 = tpu.memref_squeeze %dma_wait3A_98 : memref<1x1x80xi32, #tpu.memory_space<vmem>> -> memref<80xi32, #tpu.memory_space<vmem>>
        %dma_wait3A_100 = arith.constant 0 : i32
        %dma_wait3A_101 = arith.constant 0 : i32
        %dma_wait3A_102 = tpu.memref_slice %arg8[%dma_wait3A_100, %dma_wait3A_101] : memref<10112x128xf32, #tpu.memory_space<vmem_shared>> -> memref<10112x128xf32, #tpu.memory_space<vmem_shared>>
        tpu.wait_indirect_dma semaphore(%run_scoped3A_82 : memref<!tpu.dma_semaphore, #tpu.memory_space<semaphore_mem>>) src(%dma_wait3A_96 : memref<80x128xf32, #tpu.memory_space<vmem>>) dst(%dma_wait3A_102 : memref<10112x128xf32, #tpu.memory_space<vmem_shared>>)
        tpu.yield
      }) : () -> ()
      %add3A_75 = arith.constant 2 : i32
      %add3A_76 = arith.addi %scan3A_52, %add3A_75 : i32
      %lt3A_77 = arith.constant 125 : i32
      %lt3A_78 = arith.cmpi slt, %add3A_76, %lt3A_77 : i32
      %convert_element_type3A_79 = arith.extui %lt3A_78 : i1 to i32
      %cond3A_80 = arith.constant 0 : i32
      %cond3A_81 = arith.cmpi ne, %convert_element_type3A_79, %cond3A_80 : i32
      scf.if %cond3A_81 {
        %add3A_82 = arith.constant 2 : i32
        %add3A_83 = arith.addi %scan3A_52, %add3A_82 : i32
        %dma_start3A_84 = arith.constant 0 : i32
        %dma_start3A_85 = arith.constant 0 : i32
        %dma_start3A_86 = tpu.memref_slice %arg6[%rem3A_53, %dma_start3A_84, %dma_start3A_85] : memref<2x2x80xi32, #tpu.memory_space<vmem>> -> memref<1x2x80xi32, #tpu.memory_space<vmem>>
        %dma_start3A_87 = tpu.memref_squeeze %dma_start3A_86 : memref<1x2x80xi32, #tpu.memory_space<vmem>> -> memref<2x80xi32, #tpu.memory_space<vmem>>
        %dma_start3A_88 = arith.constant 0 : i32
        %dma_start3A_89 = arith.constant 0 : i32
        %dma_start3A_90 = tpu.memref_slice %arg3[%add3A, %add3A_83, %dma_start3A_88, %dma_start3A_89] : memref<32x125x2x80xi32, #tpu.memory_space<hbm>> -> memref<1x1x2x80xi32, #tpu.memory_space<hbm>>
        %dma_start3A_91 = tpu.memref_squeeze %dma_start3A_90 : memref<1x1x2x80xi32, #tpu.memory_space<hbm>> -> memref<2x80xi32, #tpu.memory_space<hbm>>
        %dma_start3A_92 = tpu.memref_slice %arg9[%rem3A_53] : memref<2x!tpu.dma_semaphore, #tpu.memory_space<semaphore_mem>> -> memref<1x!tpu.dma_semaphore, #tpu.memory_space<semaphore_mem>>
        %dma_start3A_93 = tpu.memref_squeeze %dma_start3A_92 : memref<1x!tpu.dma_semaphore, #tpu.memory_space<semaphore_mem>> -> memref<!tpu.dma_semaphore, #tpu.memory_space<semaphore_mem>>
        %dma_start3A_94 = arith.constant 0 : i32
        %dma_start3A_95 = arith.constant 0 : i32
        %dma_start3A_96 = tpu.memref_slice %arg6[%rem3A_53, %dma_start3A_94, %dma_start3A_95] : memref<2x2x80xi32, #tpu.memory_space<vmem>> -> memref<1x2x80xi32, #tpu.memory_space<vmem>>
        %dma_start3A_97 = tpu.memref_squeeze %dma_start3A_96 : memref<1x2x80xi32, #tpu.memory_space<vmem>> -> memref<2x80xi32, #tpu.memory_space<vmem>>
        %dma_start3A_98 = arith.constant 0 : i32
        %dma_start3A_99 = arith.constant 0 : i32
        %dma_start3A_100 = tpu.memref_slice %arg3[%add3A, %add3A_83, %dma_start3A_98, %dma_start3A_99] : memref<32x125x2x80xi32, #tpu.memory_space<hbm>> -> memref<1x1x2x80xi32, #tpu.memory_space<hbm>>
        %dma_start3A_101 = tpu.memref_squeeze %dma_start3A_100 : memref<1x1x2x80xi32, #tpu.memory_space<hbm>> -> memref<2x80xi32, #tpu.memory_space<hbm>>
        tpu.enqueue_dma source(%dma_start3A_101 : memref<2x80xi32, #tpu.memory_space<hbm>>) target(%dma_start3A_97 : memref<2x80xi32, #tpu.memory_space<vmem>>) target_semaphore(%dma_start3A_93 : memref<!tpu.dma_semaphore, #tpu.memory_space<semaphore_mem>>)
      } else {
      }
    }
    %scan3A_46 = arith.constant 125 : i32
    %barrier3A_47 = arith.constant 0 : index
    tpu.barrier barrier_id(%barrier3A_47)
    %mul3A_48 = arith.constant 632 : i32
    %mul3A_49 = arith.muli %arg1, %mul3A_48 : i32
    %mul3A_50 = arith.constant 632 : i32
    %mul3A_51 = arith.muli %arg1, %mul3A_50 : i32
    "tpu.region"() ({
      %run_scoped3A_52 = tpu.sem_alloc : memref<!tpu.dma_semaphore, #tpu.memory_space<semaphore_mem>>
      %dma_start3A_53 = arith.constant 0 : i32
      %dma_start3A_54 = tpu.memref_slice %arg5[%arg0, %mul3A_51, %dma_start3A_53] : memref<2x10112x128xf32, #tpu.memory_space<hbm>> -> memref<1x632x128xf32, #tpu.memory_space<hbm>>
      %dma_start3A_55 = tpu.memref_squeeze %dma_start3A_54 : memref<1x632x128xf32, #tpu.memory_space<hbm>> -> memref<632x128xf32, #tpu.memory_space<hbm>>
      %dma_start3A_56 = arith.constant 0 : i32
      %dma_start3A_57 = tpu.memref_slice %arg8[%mul3A_49, %dma_start3A_56] : memref<10112x128xf32, #tpu.memory_space<vmem_shared>> -> memref<632x128xf32, #tpu.memory_space<vmem_shared>>
      tpu.enqueue_dma source(%dma_start3A_57 : memref<632x128xf32, #tpu.memory_space<vmem_shared>>) target(%dma_start3A_55 : memref<632x128xf32, #tpu.memory_space<hbm>>) target_semaphore(%run_scoped3A_52 : memref<!tpu.dma_semaphore, #tpu.memory_space<semaphore_mem>>)
      %dma_wait3A = arith.constant 0 : i32
      %dma_wait3A_58 = tpu.memref_slice %arg5[%arg0, %mul3A_51, %dma_wait3A] : memref<2x10112x128xf32, #tpu.memory_space<hbm>> -> memref<1x632x128xf32, #tpu.memory_space<hbm>>
      %dma_wait3A_59 = tpu.memref_squeeze %dma_wait3A_58 : memref<1x632x128xf32, #tpu.memory_space<hbm>> -> memref<632x128xf32, #tpu.memory_space<hbm>>
      %dma_wait3A_60 = arith.constant 0 : i32
      %dma_wait3A_61 = tpu.memref_slice %arg8[%mul3A_49, %dma_wait3A_60] : memref<10112x128xf32, #tpu.memory_space<vmem_shared>> -> memref<632x128xf32, #tpu.memory_space<vmem_shared>>
      tpu.wait_dma2 semaphore(%run_scoped3A_52 : memref<!tpu.dma_semaphore, #tpu.memory_space<semaphore_mem>>) src(%dma_wait3A_61 : memref<632x128xf32, #tpu.memory_space<vmem_shared>>) dst(%dma_wait3A_59 : memref<632x128xf32, #tpu.memory_space<hbm>>)
      tpu.yield
    }) : () -> ()
    return
  }
}

#map = affine_map<(d0, d1) -> (0, 0)>
#map1 = affine_map<(d0, d1) -> (0, 0, 0, 0)>
#map2 = affine_map<(d0, d1) -> (0, 0, 0)>
module attributes {stable_mosaic.version = 14 : i64} {
  func.func @k(%arg0: i32, %arg1: i32, %arg2: memref<10000x128xf32, #tpu.memory_space<hbm>>, %arg3: memref<32x125x2x80xi32, #tpu.memory_space<hbm>>, %arg4: memref<10112x128xf32, #tpu.memory_space<hbm>>, %arg5: memref<2x10112x128xf32, #tpu.memory_space<hbm>>, %arg6: memref<2x2x80xi32, #tpu.memory_space<vmem>>, %arg7: memref<2x80x128xf32, #tpu.memory_space<vmem>>, %arg8: memref<10112x128xf32, #tpu.memory_space<vmem_shared>>, %arg9: memref<2x!tpu.dma_semaphore, #tpu.memory_space<semaphore_mem>>, %arg10: memref<2x!tpu.dma_semaphore, #tpu.memory_space<semaphore_mem>>) attributes {dimension_semantics = [#tpu.dimension_semantics<core_parallel>, #tpu.dimension_semantics<subcore_parallel>], iteration_bounds = array<i64: 2, 16>, scalar_prefetch = 0 : i64, scratch_operands = 5 : i64, tpu.core_type = #tpu.core_type<sc_vector_subcore>, window_params = [{transform_indices = #map}, {transform_indices = #map1}, {transform_indices = #map}, {transform_indices = #map2}]} {
    %mul3A = arith.constant 16 : i32
    %mul3A_0 = arith.muli %arg0, %mul3A : i32
    %add3A = arith.addi %mul3A_0, %arg1 : i32
    %run_scoped3A = arith.constant 0 : i32
    %run_scoped3A_1 = arith.constant 0 : i32
    "tpu.region"() ({
      %run_scoped3A_52 = tpu.sem_alloc : memref<!tpu.dma_semaphore, #tpu.memory_space<semaphore_mem>>
      %dma_start3A_53 = arith.constant 0 : i32
      %dma_start3A_54 = arith.constant 0 : i32
      %dma_start3A_55 = tpu.memref_slice %arg6[%run_scoped3A_1, %dma_start3A_53, %dma_start3A_54] : memref<2x2x80xi32, #tpu.memory_space<vmem>> -> memref<1x2x80xi32, #tpu.memory_space<vmem>>
      %dma_start3A_56 = tpu.memref_squeeze %dma_start3A_55 : memref<1x2x80xi32, #tpu.memory_space<vmem>> -> memref<2x80xi32, #tpu.memory_space<vmem>>
      %dma_start3A_57 = arith.constant 0 : i32
      %dma_start3A_58 = arith.constant 0 : i32
      %dma_start3A_59 = tpu.memref_slice %arg3[%add3A, %run_scoped3A, %dma_start3A_57, %dma_start3A_58] : memref<32x125x2x80xi32, #tpu.memory_space<hbm>> -> memref<1x1x2x80xi32, #tpu.memory_space<hbm>>
      %dma_start3A_60 = tpu.memref_squeeze %dma_start3A_59 : memref<1x1x2x80xi32, #tpu.memory_space<hbm>> -> memref<2x80xi32, #tpu.memory_space<hbm>>
      %dma_start3A_61 = arith.constant 0 : i32
      %dma_start3A_62 = arith.constant 0 : i32
      %dma_start3A_63 = tpu.memref_slice %arg6[%run_scoped3A_1, %dma_start3A_61, %dma_start3A_62] : memref<2x2x80xi32, #tpu.memory_space<vmem>> -> memref<1x2x80xi32, #tpu.memory_space<vmem>>
      %dma_start3A_64 = tpu.memref_squeeze %dma_start3A_63 : memref<1x2x80xi32, #tpu.memory_space<vmem>> -> memref<2x80xi32, #tpu.memory_space<vmem>>
      %dma_start3A_65 = arith.constant 0 : i32
      %dma_start3A_66 = arith.constant 0 : i32
      %dma_start3A_67 = tpu.memref_slice %arg3[%add3A, %run_scoped3A, %dma_start3A_65, %dma_start3A_66] : memref<32x125x2x80xi32, #tpu.memory_space<hbm>> -> memref<1x1x2x80xi32, #tpu.memory_space<hbm>>
      %dma_start3A_68 = tpu.memref_squeeze %dma_start3A_67 : memref<1x1x2x80xi32, #tpu.memory_space<hbm>> -> memref<2x80xi32, #tpu.memory_space<hbm>>
      tpu.enqueue_dma source(%dma_start3A_68 : memref<2x80xi32, #tpu.memory_space<hbm>>) target(%dma_start3A_64 : memref<2x80xi32, #tpu.memory_space<vmem>>) target_semaphore(%run_scoped3A_52 : memref<!tpu.dma_semaphore, #tpu.memory_space<semaphore_mem>>)
      %dma_wait3A = arith.constant 0 : i32
      %dma_wait3A_69 = arith.constant 0 : i32
      %dma_wait3A_70 = tpu.memref_slice %arg6[%run_scoped3A_1, %dma_wait3A, %dma_wait3A_69] : memref<2x2x80xi32, #tpu.memory_space<vmem>> -> memref<1x2x80xi32, #tpu.memory_space<vmem>>
      %dma_wait3A_71 = tpu.memref_squeeze %dma_wait3A_70 : memref<1x2x80xi32, #tpu.memory_space<vmem>> -> memref<2x80xi32, #tpu.memory_space<vmem>>
      %dma_wait3A_72 = arith.constant 0 : i32
      %dma_wait3A_73 = arith.constant 0 : i32
      %dma_wait3A_74 = tpu.memref_slice %arg3[%add3A, %run_scoped3A, %dma_wait3A_72, %dma_wait3A_73] : memref<32x125x2x80xi32, #tpu.memory_space<hbm>> -> memref<1x1x2x80xi32, #tpu.memory_space<hbm>>
      %dma_wait3A_75 = tpu.memref_squeeze %dma_wait3A_74 : memref<1x1x2x80xi32, #tpu.memory_space<hbm>> -> memref<2x80xi32, #tpu.memory_space<hbm>>
      %dma_wait3A_76 = arith.constant 0 : i32
      %dma_wait3A_77 = arith.constant 0 : i32
      %dma_wait3A_78 = tpu.memref_slice %arg6[%run_scoped3A_1, %dma_wait3A_76, %dma_wait3A_77] : memref<2x2x80xi32, #tpu.memory_space<vmem>> -> memref<1x2x80xi32, #tpu.memory_space<vmem>>
      %dma_wait3A_79 = tpu.memref_squeeze %dma_wait3A_78 : memref<1x2x80xi32, #tpu.memory_space<vmem>> -> memref<2x80xi32, #tpu.memory_space<vmem>>
      %dma_wait3A_80 = arith.constant 0 : i32
      %dma_wait3A_81 = arith.constant 0 : i32
      %dma_wait3A_82 = tpu.memref_slice %arg3[%add3A, %run_scoped3A, %dma_wait3A_80, %dma_wait3A_81] : memref<32x125x2x80xi32, #tpu.memory_space<hbm>> -> memref<1x1x2x80xi32, #tpu.memory_space<hbm>>
      %dma_wait3A_83 = tpu.memref_squeeze %dma_wait3A_82 : memref<1x1x2x80xi32, #tpu.memory_space<hbm>> -> memref<2x80xi32, #tpu.memory_space<hbm>>
      tpu.wait_dma2 semaphore(%run_scoped3A_52 : memref<!tpu.dma_semaphore, #tpu.memory_space<semaphore_mem>>) src(%dma_wait3A_83 : memref<2x80xi32, #tpu.memory_space<hbm>>) dst(%dma_wait3A_79 : memref<2x80xi32, #tpu.memory_space<vmem>>)
      tpu.yield
    }) : () -> ()
    %dma_start3A = arith.constant 1 : i32
    %dma_start3A_2 = arith.constant 1 : i32
    %dma_start3A_3 = arith.constant 1 : i32
    %dma_start3A_4 = arith.constant 0 : i32
    %dma_start3A_5 = arith.constant 0 : i32
    %dma_start3A_6 = tpu.memref_slice %arg6[%dma_start3A_2, %dma_start3A_4, %dma_start3A_5] : memref<2x2x80xi32, #tpu.memory_space<vmem>> -> memref<1x2x80xi32, #tpu.memory_space<vmem>>
    %dma_start3A_7 = tpu.memref_squeeze %dma_start3A_6 : memref<1x2x80xi32, #tpu.memory_space<vmem>> -> memref<2x80xi32, #tpu.memory_space<vmem>>
    %dma_start3A_8 = arith.constant 0 : i32
    %dma_start3A_9 = arith.constant 0 : i32
    %dma_start3A_10 = tpu.memref_slice %arg3[%add3A, %dma_start3A, %dma_start3A_8, %dma_start3A_9] : memref<32x125x2x80xi32, #tpu.memory_space<hbm>> -> memref<1x1x2x80xi32, #tpu.memory_space<hbm>>
    %dma_start3A_11 = tpu.memref_squeeze %dma_start3A_10 : memref<1x1x2x80xi32, #tpu.memory_space<hbm>> -> memref<2x80xi32, #tpu.memory_space<hbm>>
    %dma_start3A_12 = tpu.memref_slice %arg9[%dma_start3A_3] : memref<2x!tpu.dma_semaphore, #tpu.memory_space<semaphore_mem>> -> memref<1x!tpu.dma_semaphore, #tpu.memory_space<semaphore_mem>>
    %dma_start3A_13 = tpu.memref_squeeze %dma_start3A_12 : memref<1x!tpu.dma_semaphore, #tpu.memory_space<semaphore_mem>> -> memref<!tpu.dma_semaphore, #tpu.memory_space<semaphore_mem>>
    %dma_start3A_14 = arith.constant 0 : i32
    %dma_start3A_15 = arith.constant 0 : i32
    %dma_start3A_16 = tpu.memref_slice %arg6[%dma_start3A_2, %dma_start3A_14, %dma_start3A_15] : memref<2x2x80xi32, #tpu.memory_space<vmem>> -> memref<1x2x80xi32, #tpu.memory_space<vmem>>
    %dma_start3A_17 = tpu.memref_squeeze %dma_start3A_16 : memref<1x2x80xi32, #tpu.memory_space<vmem>> -> memref<2x80xi32, #tpu.memory_space<vmem>>
    %dma_start3A_18 = arith.constant 0 : i32
    %dma_start3A_19 = arith.constant 0 : i32
    %dma_start3A_20 = tpu.memref_slice %arg3[%add3A, %dma_start3A, %dma_start3A_18, %dma_start3A_19] : memref<32x125x2x80xi32, #tpu.memory_space<hbm>> -> memref<1x1x2x80xi32, #tpu.memory_space<hbm>>
    %dma_start3A_21 = tpu.memref_squeeze %dma_start3A_20 : memref<1x1x2x80xi32, #tpu.memory_space<hbm>> -> memref<2x80xi32, #tpu.memory_space<hbm>>
    tpu.enqueue_dma source(%dma_start3A_21 : memref<2x80xi32, #tpu.memory_space<hbm>>) target(%dma_start3A_17 : memref<2x80xi32, #tpu.memory_space<vmem>>) target_semaphore(%dma_start3A_13 : memref<!tpu.dma_semaphore, #tpu.memory_space<semaphore_mem>>)
    %dma_start3A_22 = arith.constant 0 : i32
    %dma_start3A_23 = arith.constant 0 : i32
    %dma_start3A_24 = arith.constant 0 : i32
    %dma_start3A_25 = arith.constant 0 : i32
    %dma_start3A_26 = arith.constant 0 : i32
    %dma_start3A_27 = arith.constant 0 : i32
    %dma_start3A_28 = tpu.memref_slice %arg7[%dma_start3A_24, %dma_start3A_26, %dma_start3A_27] : memref<2x80x128xf32, #tpu.memory_space<vmem>> -> memref<1x80x128xf32, #tpu.memory_space<vmem>>
    %dma_start3A_29 = tpu.memref_squeeze %dma_start3A_28 : memref<1x80x128xf32, #tpu.memory_space<vmem>> -> memref<80x128xf32, #tpu.memory_space<vmem>>
    %dma_start3A_30 = arith.constant 0 : i32
    %dma_start3A_31 = tpu.memref_slice %arg6[%dma_start3A_22, %dma_start3A_23, %dma_start3A_30] : memref<2x2x80xi32, #tpu.memory_space<vmem>> -> memref<1x1x80xi32, #tpu.memory_space<vmem>>
    %dma_start3A_32 = tpu.memref_squeeze %dma_start3A_31 : memref<1x1x80xi32, #tpu.memory_space<vmem>> -> memref<80xi32, #tpu.memory_space<vmem>>
    %dma_start3A_33 = arith.constant 0 : i32
    %dma_start3A_34 = arith.constant 0 : i32
    %dma_start3A_35 = tpu.memref_slice %arg2[%dma_start3A_33, %dma_start3A_34] : memref<10000x128xf32, #tpu.memory_space<hbm>> -> memref<10000x128xf32, #tpu.memory_space<hbm>>
    %dma_start3A_36 = tpu.memref_slice %arg10[%dma_start3A_25] : memref<2x!tpu.dma_semaphore, #tpu.memory_space<semaphore_mem>> -> memref<1x!tpu.dma_semaphore, #tpu.memory_space<semaphore_mem>>
    %dma_start3A_37 = tpu.memref_squeeze %dma_start3A_36 : memref<1x!tpu.dma_semaphore, #tpu.memory_space<semaphore_mem>> -> memref<!tpu.dma_semaphore, #tpu.memory_space<semaphore_mem>>
    tpu.enqueue_indirect_dma source(%dma_start3A_35 : memref<10000x128xf32, #tpu.memory_space<hbm>>) target(%dma_start3A_29 : memref<80x128xf32, #tpu.memory_space<vmem>>) offsets(%dma_start3A_32 : memref<80xi32, #tpu.memory_space<vmem>>) semaphore(%dma_start3A_37 : memref<!tpu.dma_semaphore, #tpu.memory_space<semaphore_mem>>)
    %mul3A_38 = arith.constant 632 : i32
    %mul3A_39 = arith.muli %arg1, %mul3A_38 : i32
    %mul3A_40 = arith.constant 632 : i32
    %mul3A_41 = arith.muli %arg1, %mul3A_40 : i32
    "tpu.region"() ({
      %run_scoped3A_52 = tpu.sem_alloc : memref<!tpu.dma_semaphore, #tpu.memory_space<semaphore_mem>>
      %dma_start3A_53 = arith.constant 0 : i32
      %dma_start3A_54 = tpu.memref_slice %arg8[%mul3A_41, %dma_start3A_53] : memref<10112x128xf32, #tpu.memory_space<vmem_shared>> -> memref<632x128xf32, #tpu.memory_space<vmem_shared>>
      %dma_start3A_55 = arith.constant 0 : i32
      %dma_start3A_56 = tpu.memref_slice %arg4[%mul3A_39, %dma_start3A_55] : memref<10112x128xf32, #tpu.memory_space<hbm>> -> memref<632x128xf32, #tpu.memory_space<hbm>>
      tpu.enqueue_dma source(%dma_start3A_56 : memref<632x128xf32, #tpu.memory_space<hbm>>) target(%dma_start3A_54 : memref<632x128xf32, #tpu.memory_space<vmem_shared>>) target_semaphore(%run_scoped3A_52 : memref<!tpu.dma_semaphore, #tpu.memory_space<semaphore_mem>>)
      %dma_wait3A = arith.constant 0 : i32
      %dma_wait3A_57 = tpu.memref_slice %arg8[%mul3A_41, %dma_wait3A] : memref<10112x128xf32, #tpu.memory_space<vmem_shared>> -> memref<632x128xf32, #tpu.memory_space<vmem_shared>>
      %dma_wait3A_58 = arith.constant 0 : i32
      %dma_wait3A_59 = tpu.memref_slice %arg4[%mul3A_39, %dma_wait3A_58] : memref<10112x128xf32, #tpu.memory_space<hbm>> -> memref<632x128xf32, #tpu.memory_space<hbm>>
      tpu.wait_dma2 semaphore(%run_scoped3A_52 : memref<!tpu.dma_semaphore, #tpu.memory_space<semaphore_mem>>) src(%dma_wait3A_59 : memref<632x128xf32, #tpu.memory_space<hbm>>) dst(%dma_wait3A_57 : memref<632x128xf32, #tpu.memory_space<vmem_shared>>)
      tpu.yield
    }) : () -> ()
    %barrier3A = arith.constant 0 : index
    tpu.barrier barrier_id(%barrier3A)
    %scan3A = arith.constant 0 : i32
    %scan3A_42 = arith.constant 0 : i32
    %scan3A_43 = arith.constant 125 : i32
    %scan3A_44 = arith.addi %scan3A_42, %scan3A_43 : i32
    %scan3A_45 = arith.constant 1 : i32
    scf.for %scan3A_52 = %scan3A_42 to %scan3A_44 step %scan3A_45  : i32 {
      %rem3A = arith.constant 2 : i32
      %rem3A_53 = arith.remsi %scan3A_52, %rem3A : i32
      %add3A_54 = arith.constant 1 : i32
      %add3A_55 = arith.addi %scan3A_52, %add3A_54 : i32
      %rem3A_56 = arith.constant 2 : i32
      %rem3A_57 = arith.remsi %add3A_55, %rem3A_56 : i32
      %add3A_58 = arith.constant 1 : i32
      %add3A_59 = arith.addi %scan3A_52, %add3A_58 : i32
      %lt3A = arith.constant 125 : i32
      %lt3A_60 = arith.cmpi slt, %add3A_59, %lt3A : i32
      %convert_element_type3A = arith.extui %lt3A_60 : i1 to i32
      %cond3A = arith.constant 0 : i32
      %cond3A_61 = arith.cmpi ne, %convert_element_type3A, %cond3A : i32
      scf.if %cond3A_61 {
        %dma_wait3A_82 = arith.constant 0 : i32
        %dma_wait3A_83 = arith.constant 0 : i32
        %dma_wait3A_84 = arith.constant 0 : i32
        %dma_wait3A_85 = tpu.memref_slice %arg6[%rem3A_57, %dma_wait3A_83, %dma_wait3A_84] : memref<2x2x80xi32, #tpu.memory_space<vmem>> -> memref<1x2x80xi32, #tpu.memory_space<vmem>>
        %dma_wait3A_86 = tpu.memref_squeeze %dma_wait3A_85 : memref<1x2x80xi32, #tpu.memory_space<vmem>> -> memref<2x80xi32, #tpu.memory_space<vmem>>
        %dma_wait3A_87 = arith.constant 0 : i32
        %dma_wait3A_88 = arith.constant 0 : i32
        %dma_wait3A_89 = tpu.memref_slice %arg3[%add3A, %dma_wait3A_82, %dma_wait3A_87, %dma_wait3A_88] : memref<32x125x2x80xi32, #tpu.memory_space<hbm>> -> memref<1x1x2x80xi32, #tpu.memory_space<hbm>>
        %dma_wait3A_90 = tpu.memref_squeeze %dma_wait3A_89 : memref<1x1x2x80xi32, #tpu.memory_space<hbm>> -> memref<2x80xi32, #tpu.memory_space<hbm>>
        %dma_wait3A_91 = tpu.memref_slice %arg9[%rem3A_57] : memref<2x!tpu.dma_semaphore, #tpu.memory_space<semaphore_mem>> -> memref<1x!tpu.dma_semaphore, #tpu.memory_space<semaphore_mem>>
        %dma_wait3A_92 = tpu.memref_squeeze %dma_wait3A_91 : memref<1x!tpu.dma_semaphore, #tpu.memory_space<semaphore_mem>> -> memref<!tpu.dma_semaphore, #tpu.memory_space<semaphore_mem>>
        %dma_wait3A_93 = arith.constant 0 : i32
        %dma_wait3A_94 = arith.constant 0 : i32
        %dma_wait3A_95 = tpu.memref_slice %arg6[%rem3A_57, %dma_wait3A_93, %dma_wait3A_94] : memref<2x2x80xi32, #tpu.memory_space<vmem>> -> memref<1x2x80xi32, #tpu.memory_space<vmem>>
        %dma_wait3A_96 = tpu.memref_squeeze %dma_wait3A_95 : memref<1x2x80xi32, #tpu.memory_space<vmem>> -> memref<2x80xi32, #tpu.memory_space<vmem>>
        %dma_wait3A_97 = arith.constant 0 : i32
        %dma_wait3A_98 = arith.constant 0 : i32
        %dma_wait3A_99 = tpu.memref_slice %arg3[%add3A, %dma_wait3A_82, %dma_wait3A_97, %dma_wait3A_98] : memref<32x125x2x80xi32, #tpu.memory_space<hbm>> -> memref<1x1x2x80xi32, #tpu.memory_space<hbm>>
        %dma_wait3A_100 = tpu.memref_squeeze %dma_wait3A_99 : memref<1x1x2x80xi32, #tpu.memory_space<hbm>> -> memref<2x80xi32, #tpu.memory_space<hbm>>
        tpu.wait_dma2 semaphore(%dma_wait3A_92 : memref<!tpu.dma_semaphore, #tpu.memory_space<semaphore_mem>>) src(%dma_wait3A_100 : memref<2x80xi32, #tpu.memory_space<hbm>>) dst(%dma_wait3A_96 : memref<2x80xi32, #tpu.memory_space<vmem>>)
        %dma_start3A_101 = arith.constant 0 : i32
        %dma_start3A_102 = arith.constant 0 : i32
        %dma_start3A_103 = arith.constant 0 : i32
        %dma_start3A_104 = tpu.memref_slice %arg7[%rem3A_57, %dma_start3A_102, %dma_start3A_103] : memref<2x80x128xf32, #tpu.memory_space<vmem>> -> memref<1x80x128xf32, #tpu.memory_space<vmem>>
        %dma_start3A_105 = tpu.memref_squeeze %dma_start3A_104 : memref<1x80x128xf32, #tpu.memory_space<vmem>> -> memref<80x128xf32, #tpu.memory_space<vmem>>
        %dma_start3A_106 = arith.constant 0 : i32
        %dma_start3A_107 = tpu.memref_slice %arg6[%rem3A_57, %dma_start3A_101, %dma_start3A_106] : memref<2x2x80xi32, #tpu.memory_space<vmem>> -> memref<1x1x80xi32, #tpu.memory_space<vmem>>
        %dma_start3A_108 = tpu.memref_squeeze %dma_start3A_107 : memref<1x1x80xi32, #tpu.memory_space<vmem>> -> memref<80xi32, #tpu.memory_space<vmem>>
        %dma_start3A_109 = arith.constant 0 : i32
        %dma_start3A_110 = arith.constant 0 : i32
        %dma_start3A_111 = tpu.memref_slice %arg2[%dma_start3A_109, %dma_start3A_110] : memref<10000x128xf32, #tpu.memory_space<hbm>> -> memref<10000x128xf32, #tpu.memory_space<hbm>>
        %dma_start3A_112 = tpu.memref_slice %arg10[%rem3A_57] : memref<2x!tpu.dma_semaphore, #tpu.memory_space<semaphore_mem>> -> memref<1x!tpu.dma_semaphore, #tpu.memory_space<semaphore_mem>>
        %dma_start3A_113 = tpu.memref_squeeze %dma_start3A_112 : memref<1x!tpu.dma_semaphore, #tpu.memory_space<semaphore_mem>> -> memref<!tpu.dma_semaphore, #tpu.memory_space<semaphore_mem>>
        tpu.enqueue_indirect_dma source(%dma_start3A_111 : memref<10000x128xf32, #tpu.memory_space<hbm>>) target(%dma_start3A_105 : memref<80x128xf32, #tpu.memory_space<vmem>>) offsets(%dma_start3A_108 : memref<80xi32, #tpu.memory_space<vmem>>) semaphore(%dma_start3A_113 : memref<!tpu.dma_semaphore, #tpu.memory_space<semaphore_mem>>)
      } else {
      }
      %dma_wait3A = arith.constant 0 : i32
      %dma_wait3A_62 = arith.constant 0 : i32
      %dma_wait3A_63 = arith.constant 0 : i32
      %dma_wait3A_64 = tpu.memref_slice %arg7[%rem3A_53, %dma_wait3A_62, %dma_wait3A_63] : memref<2x80x128xf32, #tpu.memory_space<vmem>> -> memref<1x80x128xf32, #tpu.memory_space<vmem>>
      %dma_wait3A_65 = tpu.memref_squeeze %dma_wait3A_64 : memref<1x80x128xf32, #tpu.memory_space<vmem>> -> memref<80x128xf32, #tpu.memory_space<vmem>>
      %dma_wait3A_66 = arith.constant 0 : i32
      %dma_wait3A_67 = tpu.memref_slice %arg6[%rem3A_53, %dma_wait3A, %dma_wait3A_66] : memref<2x2x80xi32, #tpu.memory_space<vmem>> -> memref<1x1x80xi32, #tpu.memory_space<vmem>>
      %dma_wait3A_68 = tpu.memref_squeeze %dma_wait3A_67 : memref<1x1x80xi32, #tpu.memory_space<vmem>> -> memref<80xi32, #tpu.memory_space<vmem>>
      %dma_wait3A_69 = arith.constant 0 : i32
      %dma_wait3A_70 = arith.constant 0 : i32
      %dma_wait3A_71 = tpu.memref_slice %arg2[%dma_wait3A_69, %dma_wait3A_70] : memref<10000x128xf32, #tpu.memory_space<hbm>> -> memref<10000x128xf32, #tpu.memory_space<hbm>>
      %dma_wait3A_72 = tpu.memref_slice %arg10[%rem3A_53] : memref<2x!tpu.dma_semaphore, #tpu.memory_space<semaphore_mem>> -> memref<1x!tpu.dma_semaphore, #tpu.memory_space<semaphore_mem>>
      %dma_wait3A_73 = tpu.memref_squeeze %dma_wait3A_72 : memref<1x!tpu.dma_semaphore, #tpu.memory_space<semaphore_mem>> -> memref<!tpu.dma_semaphore, #tpu.memory_space<semaphore_mem>>
      tpu.wait_indirect_dma semaphore(%dma_wait3A_73 : memref<!tpu.dma_semaphore, #tpu.memory_space<semaphore_mem>>) src(%dma_wait3A_71 : memref<10000x128xf32, #tpu.memory_space<hbm>>) dst(%dma_wait3A_65 : memref<80x128xf32, #tpu.memory_space<vmem>>)
      %run_scoped3A_74 = arith.constant 1 : i32
      "tpu.region"() ({
        %run_scoped3A_82 = tpu.sem_alloc : memref<!tpu.dma_semaphore, #tpu.memory_space<semaphore_mem>>
        %dma_start3A_83 = arith.constant 0 : i32
        %dma_start3A_84 = arith.constant 0 : i32
        %dma_start3A_85 = tpu.memref_slice %arg7[%rem3A_53, %dma_start3A_83, %dma_start3A_84] : memref<2x80x128xf32, #tpu.memory_space<vmem>> -> memref<1x80x128xf32, #tpu.memory_space<vmem>>
        %dma_start3A_86 = tpu.memref_squeeze %dma_start3A_85 : memref<1x80x128xf32, #tpu.memory_space<vmem>> -> memref<80x128xf32, #tpu.memory_space<vmem>>
        %dma_start3A_87 = arith.constant 0 : i32
        %dma_start3A_88 = tpu.memref_slice %arg6[%rem3A_53, %run_scoped3A_74, %dma_start3A_87] : memref<2x2x80xi32, #tpu.memory_space<vmem>> -> memref<1x1x80xi32, #tpu.memory_space<vmem>>
        %dma_start3A_89 = tpu.memref_squeeze %dma_start3A_88 : memref<1x1x80xi32, #tpu.memory_space<vmem>> -> memref<80xi32, #tpu.memory_space<vmem>>
        %dma_start3A_90 = arith.constant 0 : i32
        %dma_start3A_91 = arith.constant 0 : i32
        %dma_start3A_92 = tpu.memref_slice %arg8[%dma_start3A_90, %dma_start3A_91] : memref<10112x128xf32, #tpu.memory_space<vmem_shared>> -> memref<10112x128xf32, #tpu.memory_space<vmem_shared>>
        tpu.enqueue_indirect_dma source(%dma_start3A_86 : memref<80x128xf32, #tpu.memory_space<vmem>>) target(%dma_start3A_92 : memref<10112x128xf32, #tpu.memory_space<vmem_shared>>) offsets(%dma_start3A_89 : memref<80xi32, #tpu.memory_space<vmem>>) semaphore(%run_scoped3A_82 : memref<!tpu.dma_semaphore, #tpu.memory_space<semaphore_mem>>) {add = true}
        %dma_wait3A_93 = arith.constant 0 : i32
        %dma_wait3A_94 = arith.constant 0 : i32
        %dma_wait3A_95 = tpu.memref_slice %arg7[%rem3A_53, %dma_wait3A_93, %dma_wait3A_94] : memref<2x80x128xf32, #tpu.memory_space<vmem>> -> memref<1x80x128xf32, #tpu.memory_space<vmem>>
        %dma_wait3A_96 = tpu.memref_squeeze %dma_wait3A_95 : memref<1x80x128xf32, #tpu.memory_space<vmem>> -> memref<80x128xf32, #tpu.memory_space<vmem>>
        %dma_wait3A_97 = arith.constant 0 : i32
        %dma_wait3A_98 = tpu.memref_slice %arg6[%rem3A_53, %run_scoped3A_74, %dma_wait3A_97] : memref<2x2x80xi32, #tpu.memory_space<vmem>> -> memref<1x1x80xi32, #tpu.memory_space<vmem>>
        %dma_wait3A_99 = tpu.memref_squeeze %dma_wait3A_98 : memref<1x1x80xi32, #tpu.memory_space<vmem>> -> memref<80xi32, #tpu.memory_space<vmem>>
        %dma_wait3A_100 = arith.constant 0 : i32
        %dma_wait3A_101 = arith.constant 0 : i32
        %dma_wait3A_102 = tpu.memref_slice %arg8[%dma_wait3A_100, %dma_wait3A_101] : memref<10112x128xf32, #tpu.memory_space<vmem_shared>> -> memref<10112x128xf32, #tpu.memory_space<vmem_shared>>
        tpu.wait_indirect_dma semaphore(%run_scoped3A_82 : memref<!tpu.dma_semaphore, #tpu.memory_space<semaphore_mem>>) src(%dma_wait3A_96 : memref<80x128xf32, #tpu.memory_space<vmem>>) dst(%dma_wait3A_102 : memref<10112x128xf32, #tpu.memory_space<vmem_shared>>)
        tpu.yield
      }) : () -> ()
      %add3A_75 = arith.constant 2 : i32
      %add3A_76 = arith.addi %scan3A_52, %add3A_75 : i32
      %lt3A_77 = arith.constant 125 : i32
      %lt3A_78 = arith.cmpi slt, %add3A_76, %lt3A_77 : i32
      %convert_element_type3A_79 = arith.extui %lt3A_78 : i1 to i32
      %cond3A_80 = arith.constant 0 : i32
      %cond3A_81 = arith.cmpi ne, %convert_element_type3A_79, %cond3A_80 : i32
      scf.if %cond3A_81 {
        %add3A_82 = arith.constant 2 : i32
        %add3A_83 = arith.addi %scan3A_52, %add3A_82 : i32
        %dma_start3A_84 = arith.constant 0 : i32
        %dma_start3A_85 = arith.constant 0 : i32
        %dma_start3A_86 = tpu.memref_slice %arg6[%rem3A_53, %dma_start3A_84, %dma_start3A_85] : memref<2x2x80xi32, #tpu.memory_space<vmem>> -> memref<1x2x80xi32, #tpu.memory_space<vmem>>
        %dma_start3A_87 = tpu.memref_squeeze %dma_start3A_86 : memref<1x2x80xi32, #tpu.memory_space<vmem>> -> memref<2x80xi32, #tpu.memory_space<vmem>>
        %dma_start3A_88 = arith.constant 0 : i32
        %dma_start3A_89 = arith.constant 0 : i32
        %dma_start3A_90 = tpu.memref_slice %arg3[%add3A, %add3A_83, %dma_start3A_88, %dma_start3A_89] : memref<32x125x2x80xi32, #tpu.memory_space<hbm>> -> memref<1x1x2x80xi32, #tpu.memory_space<hbm>>
        %dma_start3A_91 = tpu.memref_squeeze %dma_start3A_90 : memref<1x1x2x80xi32, #tpu.memory_space<hbm>> -> memref<2x80xi32, #tpu.memory_space<hbm>>
        %dma_start3A_92 = tpu.memref_slice %arg9[%rem3A_53] : memref<2x!tpu.dma_semaphore, #tpu.memory_space<semaphore_mem>> -> memref<1x!tpu.dma_semaphore, #tpu.memory_space<semaphore_mem>>
        %dma_start3A_93 = tpu.memref_squeeze %dma_start3A_92 : memref<1x!tpu.dma_semaphore, #tpu.memory_space<semaphore_mem>> -> memref<!tpu.dma_semaphore, #tpu.memory_space<semaphore_mem>>
        %dma_start3A_94 = arith.constant 0 : i32
        %dma_start3A_95 = arith.constant 0 : i32
        %dma_start3A_96 = tpu.memref_slice %arg6[%rem3A_53, %dma_start3A_94, %dma_start3A_95] : memref<2x2x80xi32, #tpu.memory_space<vmem>> -> memref<1x2x80xi32, #tpu.memory_space<vmem>>
        %dma_start3A_97 = tpu.memref_squeeze %dma_start3A_96 : memref<1x2x80xi32, #tpu.memory_space<vmem>> -> memref<2x80xi32, #tpu.memory_space<vmem>>
        %dma_start3A_98 = arith.constant 0 : i32
        %dma_start3A_99 = arith.constant 0 : i32
        %dma_start3A_100 = tpu.memref_slice %arg3[%add3A, %add3A_83, %dma_start3A_98, %dma_start3A_99] : memref<32x125x2x80xi32, #tpu.memory_space<hbm>> -> memref<1x1x2x80xi32, #tpu.memory_space<hbm>>
        %dma_start3A_101 = tpu.memref_squeeze %dma_start3A_100 : memref<1x1x2x80xi32, #tpu.memory_space<hbm>> -> memref<2x80xi32, #tpu.memory_space<hbm>>
        tpu.enqueue_dma source(%dma_start3A_101 : memref<2x80xi32, #tpu.memory_space<hbm>>) target(%dma_start3A_97 : memref<2x80xi32, #tpu.memory_space<vmem>>) target_semaphore(%dma_start3A_93 : memref<!tpu.dma_semaphore, #tpu.memory_space<semaphore_mem>>)
      } else {
      }
    }
    %scan3A_46 = arith.constant 125 : i32
    %barrier3A_47 = arith.constant 0 : index
    tpu.barrier barrier_id(%barrier3A_47)
    %mul3A_48 = arith.constant 632 : i32
    %mul3A_49 = arith.muli %arg1, %mul3A_48 : i32
    %mul3A_50 = arith.constant 632 : i32
    %mul3A_51 = arith.muli %arg1, %mul3A_50 : i32
    "tpu.region"() ({
      %run_scoped3A_52 = tpu.sem_alloc : memref<!tpu.dma_semaphore, #tpu.memory_space<semaphore_mem>>
      %dma_start3A_53 = arith.constant 0 : i32
      %dma_start3A_54 = tpu.memref_slice %arg5[%arg0, %mul3A_51, %dma_start3A_53] : memref<2x10112x128xf32, #tpu.memory_space<hbm>> -> memref<1x632x128xf32, #tpu.memory_space<hbm>>
      %dma_start3A_55 = tpu.memref_squeeze %dma_start3A_54 : memref<1x632x128xf32, #tpu.memory_space<hbm>> -> memref<632x128xf32, #tpu.memory_space<hbm>>
      %dma_start3A_56 = arith.constant 0 : i32
      %dma_start3A_57 = tpu.memref_slice %arg8[%mul3A_49, %dma_start3A_56] : memref<10112x128xf32, #tpu.memory_space<vmem_shared>> -> memref<632x128xf32, #tpu.memory_space<vmem_shared>>
      tpu.enqueue_dma source(%dma_start3A_57 : memref<632x128xf32, #tpu.memory_space<vmem_shared>>) target(%dma_start3A_55 : memref<632x128xf32, #tpu.memory_space<hbm>>) target_semaphore(%run_scoped3A_52 : memref<!tpu.dma_semaphore, #tpu.memory_space<semaphore_mem>>)
      %dma_wait3A = arith.constant 0 : i32
      %dma_wait3A_58 = tpu.memref_slice %arg5[%arg0, %mul3A_51, %dma_wait3A] : memref<2x10112x128xf32, #tpu.memory_space<hbm>> -> memref<1x632x128xf32, #tpu.memory_space<hbm>>
      %dma_wait3A_59 = tpu.memref_squeeze %dma_wait3A_58 : memref<1x632x128xf32, #tpu.memory_space<hbm>> -> memref<632x128xf32, #tpu.memory_space<hbm>>
      %dma_wait3A_60 = arith.constant 0 : i32
      %dma_wait3A_61 = tpu.memref_slice %arg8[%mul3A_49, %dma_wait3A_60] : memref<10112x128xf32, #tpu.memory_space<vmem_shared>> -> memref<632x128xf32, #tpu.memory_space<vmem_shared>>
      tpu.wait_dma2 semaphore(%run_scoped3A_52 : memref<!tpu.dma_semaphore, #tpu.memory_space<semaphore_mem>>) src(%dma_wait3A_61 : memref<632x128xf32, #tpu.memory_space<vmem_shared>>) dst(%dma_wait3A_59 : memref<632x128xf32, #tpu.memory_space<hbm>>)
      tpu.yield
    }) : () -> ()
    return
  }
}

module attributes {stable_mosaic.version = 14 : i64} {
  func.func @body(%arg0: memref<2x10000xf32, #tpu.memory_space<vmem>>, %arg1: memref<10000x1xf32, #tpu.memory_space<vmem>>) attributes {dimension_semantics = [], scalar_prefetch = 0 : i64, scratch_operands = 0 : i64, tpu.core_type = #tpu.core_type<tc>} {
    %broadcast_in_dim3A = arith.constant 1.000000e+00 : f32
    %broadcast_in_dim3A_0 = vector.broadcast %broadcast_in_dim3A : f32 to vector<2x1xf32>
    %get3A = arith.constant 0 : index
    %get3A_1 = arith.constant 0 : index
    %get3A_2 = vector.load %arg0[%get3A, %get3A_1] : memref<2x10000xf32, #tpu.memory_space<vmem>>, vector<2x10000xf32>
    %dot_general3A = arith.constant dense<0.000000e+00> : vector<10000x1xf32>
    %dot_general3A_3 = tpu.matmul %get3A_2, %broadcast_in_dim3A_0, %dot_general3A {dimension_numbers = #tpu.dot_dimension_numbers<[0], [0], [1], [1], [0, 1, 1, 1], [], []>, transpose_lhs_hint = false} : vector<2x10000xf32>, vector<2x1xf32>, vector<10000x1xf32> -> vector<10000x1xf32>
    %add3A = arith.constant 1.000000e+00 : f32
    %add3A_4 = vector.broadcast %add3A : f32 to vector<10000x1xf32>
    %add3A_5 = arith.addf %dot_general3A_3, %add3A_4 : vector<10000x1xf32>
    %rsqrt3A = math.rsqrt %add3A_5 : vector<10000x1xf32>
    %swap3A = arith.constant 0 : index
    %swap3A_6 = arith.constant 0 : index
    %swap3A_7 = vector.load %arg1[%swap3A, %swap3A_6] : memref<10000x1xf32, #tpu.memory_space<vmem>>, vector<10000x1xf32>
    tpu.vector_store %arg1[%swap3A, %swap3A_6], %rsqrt3A {strides = array<i32>} : memref<10000x1xf32, #tpu.memory_space<vmem>>, vector<10000x1xf32>,
    return
  }
}

module attributes {stable_mosaic.version = 14 : i64} {
  func.func @body(%arg0: i32, %arg1: memref<1000x128xf32, #tpu.memory_space<vmem>>, %arg2: memref<128x128xf32, #tpu.memory_space<vmem>>, %arg3: memref<1000x1xf32, #tpu.memory_space<vmem>>, %arg4: memref<1000x128xf32, #tpu.memory_space<vmem>>) attributes {dimension_semantics = [#tpu.dimension_semantics<arbitrary>], iteration_bounds = array<i64: 10>, scalar_prefetch = 0 : i64, scratch_operands = 0 : i64, tpu.core_type = #tpu.core_type<tc>, window_params = [{transform_indices = @transform_0, window_bounds = array<i64: 1000, 128>}, {pipeline_mode = #tpu.pipeline_mode<synchronous>, transform_indices = @transform_1, window_bounds = array<i64: 128, 128>}, {transform_indices = @transform_2, window_bounds = array<i64: 1000, 1>}, {transform_indices = @transform_3, window_bounds = array<i64: 1000, 128>}]} {
    %get3A = arith.constant 0 : index
    %get3A_0 = arith.constant 0 : index
    %get3A_1 = vector.load %arg1[%get3A, %get3A_0] : memref<1000x128xf32, #tpu.memory_space<vmem>>, vector<1000x128xf32>
    %get3A_2 = arith.constant 0 : index
    %get3A_3 = arith.constant 0 : index
    %get3A_4 = vector.load %arg2[%get3A_2, %get3A_3] : memref<128x128xf32, #tpu.memory_space<vmem>>, vector<128x128xf32>
    %dot_general3A = arith.constant dense<0.000000e+00> : vector<1000x128xf32>
    %dot_general3A_5 = tpu.matmul %get3A_1, %get3A_4, %dot_general3A {dimension_numbers = #tpu.dot_dimension_numbers<[1], [0], [0], [1], [0, 0, 1, 1], [], []>, transpose_lhs_hint = false} : vector<1000x128xf32>, vector<128x128xf32>, vector<1000x128xf32> -> vector<1000x128xf32>
    %get3A_6 = arith.constant 0 : index
    %get3A_7 = arith.constant 0 : index
    %get3A_8 = vector.load %arg3[%get3A_6, %get3A_7] : memref<1000x1xf32, #tpu.memory_space<vmem>>, vector<1000x1xf32>
    %mul3A = vector.broadcast %get3A_8 : vector<1000x1xf32> to vector<1000x128xf32>
    %mul3A_9 = arith.mulf %dot_general3A_5, %mul3A : vector<1000x128xf32>
    %swap3A = arith.constant 0 : index
    %swap3A_10 = arith.constant 0 : index
    %swap3A_11 = vector.load %arg4[%swap3A, %swap3A_10] : memref<1000x128xf32, #tpu.memory_space<vmem>>, vector<1000x128xf32>
    tpu.vector_store %arg4[%swap3A, %swap3A_10], %mul3A_9 {strides = array<i32>} : memref<1000x128xf32, #tpu.memory_space<vmem>>, vector<1000x128xf32>,
    return
  }
  func.func @transform_0(%arg0: i32) -> (i32, i32) {
    %c0_i32 = arith.constant 0 : i32
    %c0_i32_0 = arith.constant 0 : i32
    return %arg0, %c0_i32 : i32, i32
  }
  func.func @transform_1(%arg0: i32) -> (i32, i32) {
    %c0_i32 = arith.constant 0 : i32
    %c0_i32_0 = arith.constant 0 : i32
    %c0_i32_1 = arith.constant 0 : i32
    return %c0_i32, %c0_i32_0 : i32, i32
  }
  func.func @transform_2(%arg0: i32) -> (i32, i32) {
    %c0_i32 = arith.constant 0 : i32
    %c0_i32_0 = arith.constant 0 : i32
    return %arg0, %c0_i32 : i32, i32
  }
  func.func @transform_3(%arg0: i32) -> (i32, i32) {
    %c0_i32 = arith.constant 0 : i32
    %c0_i32_0 = arith.constant 0 : i32
    return %arg0, %c0_i32 : i32, i32
  }
}

module attributes {stable_mosaic.version = 14 : i64} {
  func.func @body(%arg0: i32, %arg1: memref<2x1000x128xf32, #tpu.memory_space<vmem>>, %arg2: memref<1000x128xf32, #tpu.memory_space<vmem>>, %arg3: memref<1000x1xf32, #tpu.memory_space<vmem>>, %arg4: memref<1x128xf32, #tpu.memory_space<vmem>>, %arg5: memref<128x128xf32, #tpu.memory_space<vmem>>, %arg6: memref<1000x128xf32, #tpu.memory_space<vmem>>) attributes {dimension_semantics = [#tpu.dimension_semantics<arbitrary>], iteration_bounds = array<i64: 10>, scalar_prefetch = 0 : i64, scratch_operands = 0 : i64, tpu.core_type = #tpu.core_type<tc>, window_params = [{transform_indices = @transform_0, window_bounds = array<i64: 2, 1000, 128>}, {transform_indices = @transform_1, window_bounds = array<i64: 1000, 128>}, {transform_indices = @transform_2, window_bounds = array<i64: 1000, 1>}, {pipeline_mode = #tpu.pipeline_mode<synchronous>, transform_indices = @transform_3, window_bounds = array<i64: 1, 128>}, {pipeline_mode = #tpu.pipeline_mode<synchronous>, transform_indices = @transform_4, window_bounds = array<i64: 128, 128>}, {transform_indices = @transform_5, window_bounds = array<i64: 1000, 128>}]} {
    %get3A = arith.constant 0 : index
    %get3A_0 = arith.constant 0 : index
    %get3A_1 = vector.load %arg3[%get3A, %get3A_0] : memref<1000x1xf32, #tpu.memory_space<vmem>>, vector<1000x1xf32>
    %get3A_2 = arith.constant 0 : index
    %get3A_3 = arith.constant 0 : index
    %get3A_4 = arith.constant 0 : index
    %get3A_5 = vector.load %arg1[%get3A_2, %get3A_3, %get3A_4] : memref<2x1000x128xf32, #tpu.memory_space<vmem>>, vector<2x1000x128xf32>
    %reduce_sum3A = arith.constant dense<0.000000e+00> : vector<1000x128xf32>
    %reduce_sum3A_6 = vector.multi_reduction <add>, %get3A_5, %reduce_sum3A [0] : vector<2x1000x128xf32> to vector<1000x128xf32>
    %get3A_7 = arith.constant 0 : index
    %get3A_8 = arith.constant 0 : index
    %get3A_9 = vector.load %arg2[%get3A_7, %get3A_8] : memref<1000x128xf32, #tpu.memory_space<vmem>>, vector<1000x128xf32>
    %add3A = arith.addf %reduce_sum3A_6, %get3A_9 : vector<1000x128xf32>
    %mul3A = vector.broadcast %get3A_1 : vector<1000x1xf32> to vector<1000x128xf32>
    %mul3A_10 = arith.mulf %add3A, %mul3A : vector<1000x128xf32>
    %get3A_11 = arith.constant 0 : index
    %get3A_12 = arith.constant 0 : index
    %get3A_13 = vector.load %arg4[%get3A_11, %get3A_12] : memref<1x128xf32, #tpu.memory_space<vmem>>, vector<1x128xf32>
    %add3A_14 = vector.broadcast %get3A_13 : vector<1x128xf32> to vector<1000x128xf32>
    %add3A_15 = arith.addf %mul3A_10, %add3A_14 : vector<1000x128xf32>
    %max3A = arith.constant 0.000000e+00 : f32
    %max3A_16 = vector.broadcast %max3A : f32 to vector<1000x128xf32>
    %max3A_17 = arith.maximumf %add3A_15, %max3A_16 : vector<1000x128xf32>
    %get3A_18 = arith.constant 0 : index
    %get3A_19 = arith.constant 0 : index
    %get3A_20 = vector.load %arg5[%get3A_18, %get3A_19] : memref<128x128xf32, #tpu.memory_space<vmem>>, vector<128x128xf32>
    %dot_general3A = arith.constant dense<0.000000e+00> : vector<1000x128xf32>
    %dot_general3A_21 = tpu.matmul %max3A_17, %get3A_20, %dot_general3A {dimension_numbers = #tpu.dot_dimension_numbers<[1], [0], [0], [1], [0, 0, 1, 1], [], []>, transpose_lhs_hint = false} : vector<1000x128xf32>, vector<128x128xf32>, vector<1000x128xf32> -> vector<1000x128xf32>
    %mul3A_22 = vector.broadcast %get3A_1 : vector<1000x1xf32> to vector<1000x128xf32>
    %mul3A_23 = arith.mulf %dot_general3A_21, %mul3A_22 : vector<1000x128xf32>
    %swap3A = arith.constant 0 : index
    %swap3A_24 = arith.constant 0 : index
    %swap3A_25 = vector.load %arg6[%swap3A, %swap3A_24] : memref<1000x128xf32, #tpu.memory_space<vmem>>, vector<1000x128xf32>
    tpu.vector_store %arg6[%swap3A, %swap3A_24], %mul3A_23 {strides = array<i32>} : memref<1000x128xf32, #tpu.memory_space<vmem>>, vector<1000x128xf32>,
    return
  }
  func.func @transform_0(%arg0: i32) -> (i32, i32, i32) {
    %c0_i32 = arith.constant 0 : i32
    %c0_i32_0 = arith.constant 0 : i32
    %c0_i32_1 = arith.constant 0 : i32
    return %c0_i32, %arg0, %c0_i32_0 : i32, i32, i32
  }
  func.func @transform_1(%arg0: i32) -> (i32, i32) {
    %c0_i32 = arith.constant 0 : i32
    %c0_i32_0 = arith.constant 0 : i32
    return %arg0, %c0_i32 : i32, i32
  }
  func.func @transform_2(%arg0: i32) -> (i32, i32) {
    %c0_i32 = arith.constant 0 : i32
    %c0_i32_0 = arith.constant 0 : i32
    return %arg0, %c0_i32 : i32, i32
  }
  func.func @transform_3(%arg0: i32) -> (i32, i32) {
    %c0_i32 = arith.constant 0 : i32
    %c0_i32_0 = arith.constant 0 : i32
    %c0_i32_1 = arith.constant 0 : i32
    return %c0_i32, %c0_i32_0 : i32, i32
  }
  func.func @transform_4(%arg0: i32) -> (i32, i32) {
    %c0_i32 = arith.constant 0 : i32
    %c0_i32_0 = arith.constant 0 : i32
    %c0_i32_1 = arith.constant 0 : i32
    return %c0_i32, %c0_i32_0 : i32, i32
  }
  func.func @transform_5(%arg0: i32) -> (i32, i32) {
    %c0_i32 = arith.constant 0 : i32
    %c0_i32_0 = arith.constant 0 : i32
    return %arg0, %c0_i32 : i32, i32
  }
}

module attributes {stable_mosaic.version = 14 : i64} {
  func.func @body(%arg0: i32, %arg1: memref<2x1000x128xf32, #tpu.memory_space<vmem>>, %arg2: memref<1000x128xf32, #tpu.memory_space<vmem>>, %arg3: memref<1000x1xf32, #tpu.memory_space<vmem>>, %arg4: memref<1x128xf32, #tpu.memory_space<vmem>>, %arg5: memref<1000x128xf32, #tpu.memory_space<vmem>>) attributes {dimension_semantics = [#tpu.dimension_semantics<arbitrary>], iteration_bounds = array<i64: 10>, scalar_prefetch = 0 : i64, scratch_operands = 0 : i64, tpu.core_type = #tpu.core_type<tc>, window_params = [{transform_indices = @transform_0, window_bounds = array<i64: 2, 1000, 128>}, {transform_indices = @transform_1, window_bounds = array<i64: 1000, 128>}, {transform_indices = @transform_2, window_bounds = array<i64: 1000, 1>}, {pipeline_mode = #tpu.pipeline_mode<synchronous>, transform_indices = @transform_3, window_bounds = array<i64: 1, 128>}, {transform_indices = @transform_4, window_bounds = array<i64: 1000, 128>}]} {
    %get3A = arith.constant 0 : index
    %get3A_0 = arith.constant 0 : index
    %get3A_1 = arith.constant 0 : index
    %get3A_2 = vector.load %arg1[%get3A, %get3A_0, %get3A_1] : memref<2x1000x128xf32, #tpu.memory_space<vmem>>, vector<2x1000x128xf32>
    %reduce_sum3A = arith.constant dense<0.000000e+00> : vector<1000x128xf32>
    %reduce_sum3A_3 = vector.multi_reduction <add>, %get3A_2, %reduce_sum3A [0] : vector<2x1000x128xf32> to vector<1000x128xf32>
    %get3A_4 = arith.constant 0 : index
    %get3A_5 = arith.constant 0 : index
    %get3A_6 = vector.load %arg2[%get3A_4, %get3A_5] : memref<1000x128xf32, #tpu.memory_space<vmem>>, vector<1000x128xf32>
    %add3A = arith.addf %reduce_sum3A_3, %get3A_6 : vector<1000x128xf32>
    %get3A_7 = arith.constant 0 : index
    %get3A_8 = arith.constant 0 : index
    %get3A_9 = vector.load %arg3[%get3A_7, %get3A_8] : memref<1000x1xf32, #tpu.memory_space<vmem>>, vector<1000x1xf32>
    %mul3A = vector.broadcast %get3A_9 : vector<1000x1xf32> to vector<1000x128xf32>
    %mul3A_10 = arith.mulf %add3A, %mul3A : vector<1000x128xf32>
    %get3A_11 = arith.constant 0 : index
    %get3A_12 = arith.constant 0 : index
    %get3A_13 = vector.load %arg4[%get3A_11, %get3A_12] : memref<1x128xf32, #tpu.memory_space<vmem>>, vector<1x128xf32>
    %add3A_14 = vector.broadcast %get3A_13 : vector<1x128xf32> to vector<1000x128xf32>
    %add3A_15 = arith.addf %mul3A_10, %add3A_14 : vector<1000x128xf32>
    %swap3A = arith.constant 0 : index
    %swap3A_16 = arith.constant 0 : index
    %swap3A_17 = vector.load %arg5[%swap3A, %swap3A_16] : memref<1000x128xf32, #tpu.memory_space<vmem>>, vector<1000x128xf32>
    tpu.vector_store %arg5[%swap3A, %swap3A_16], %add3A_15 {strides = array<i32>} : memref<1000x128xf32, #tpu.memory_space<vmem>>, vector<1000x128xf32>,
    return
  }
  func.func @transform_0(%arg0: i32) -> (i32, i32, i32) {
    %c0_i32 = arith.constant 0 : i32
    %c0_i32_0 = arith.constant 0 : i32
    %c0_i32_1 = arith.constant 0 : i32
    return %c0_i32, %arg0, %c0_i32_0 : i32, i32, i32
  }
  func.func @transform_1(%arg0: i32) -> (i32, i32) {
    %c0_i32 = arith.constant 0 : i32
    %c0_i32_0 = arith.constant 0 : i32
    return %arg0, %c0_i32 : i32, i32
  }
  func.func @transform_2(%arg0: i32) -> (i32, i32) {
    %c0_i32 = arith.constant 0 : i32
    %c0_i32_0 = arith.constant 0 : i32
    return %arg0, %c0_i32 : i32, i32
  }
  func.func @transform_3(%arg0: i32) -> (i32, i32) {
    %c0_i32 = arith.constant 0 : i32
    %c0_i32_0 = arith.constant 0 : i32
    %c0_i32_1 = arith.constant 0 : i32
    return %c0_i32, %c0_i32_0 : i32, i32
  }
  func.func @transform_4(%arg0: i32) -> (i32, i32) {
    %c0_i32 = arith.constant 0 : i32
    %c0_i32_0 = arith.constant 0 : i32
    return %arg0, %c0_i32 : i32, i32
  }
}

</mosaic_0001>

<sc_bundles>
// kernel: kernel.13.cloned.1.call-start
scs
__scs_entry_jumppad:
0x0: {  	(pc) =	sbr.rel $0x88, $3  }
0x1: {  	(tag) =	ssettag $0x0;
	lr =	simm.s32 $0x1  }
0x2: {  	[smem:$0x3F97] =	sst lr;
	_ =	strace $0xD0000000  }
0x3: {  	_ = 	snop  }
0x4: {  	_ = 	snop  }
0x5: {  	_ = 	snop  }
0x6: {  	_ = 	snop  }
0x7: {  	_ = 	snop  }
__scs_overlays_trampoline_lowered:
0x8: {  	[smem:$0x3FA6] =	sst s0  }
0x9: {  	[smem:$0x3FA7] =	sst s1  }
0xa: {  	[smem:$0x3FA8] =	sst s2  }
0xb: {  	[smem:$0x3FA9] =	sst s3  }
0xc: {  	[smem:$0x3FAA] =	sst s4  }
0xd: {  	[smem:$0x3FAB] =	sst s5  }
0xe: {  	[smem:$0x3FAC] =	sst s6  }
0xf: {  	[smem:$0x3FAD] =	sst s7  }
0x10: {  	[smem:$0x3FAE] =	sst s8  }
0x11: {  	[smem:$0x3FAF] =	sst s9;
	s0 =	simm.s32 @!p0 $0x0  }
0x12: {  	s1 =	sld [smem:$0x3F95];
	s0 =	simm.s32 @p0 $0x1  }
0x13: {  	[smem:$0x3FB0] =	sst s0;
	s0 =	simm.s32 @!p1 $0x0  }
0x14: {  	s2 =	sld [smem:$0x3F94];
	s0 =	simm.s32 @p1 $0x1  }
0x15: {  	[smem:$0x3FB1] =	sst s0;
	s0 =	simm.s32 @!p2 $0x0  }
0x16: {  	s3 =	sld [smem:$0x3FDB];
	s0 =	simm.s32 @p2 $0x1  }
0x17: {  	s4 =	simm.s32 $0x1BF5;
	[smem:$0x3FB3] =	sst s0  }
0x18: {  	s0 =	sld [smem:$0x3F96];
	_ =	swait.ge [sflag:s4], $0x0  }
0x19: {  	s7 =	sld [smem:$0x3F97]  }
0x1a: {  	s8 =	sadd.s32 $0xFFFFE003, lr  }
0x1b: {  	s9 =	sadd.s32 $0xFFFFFEF7, lr;
	s5 =	simm.s32 $0xFFFFFFFF;
	p2 =	slt.u32 s8, $0xFFFFF086  }
0x1c: {  	p1 =	slt.u32 s9, $0xF7A;
	s5 =	simm.s32 @!p2 $0x0  }
0x1d: {  	s5 =	simm.s32 @p1 $0x1;
	p0 =	seq.s32 s7, s2  }
0x1e: {  	s7 =	smul.u32 @!p0 $0xF7A, s2;
	p2 =	seq.s32 @!p0 s5, $0x0  }
0x1f: {  	s9 =	smul.u32 $0xF7A, s1;
	s8 =	simm.s32 @!p0 $0x1BF5;
	p2 =	por !p2, p0  }
0x20: {  	[sflag:s8] =	ssyncset.s32 @!p0 $0xFFFFF086;
	s6 =	sadd.s32 @!p0 s3, s7;
	s7 =	simm.s32 @!p0 $0x108  }
0x21: {  	s3 =	sadd.s32 s3, s9;
	s6 =	sadd.s32 @!p0 $0x88, s6;
	s7 =	simm.s32 @p2 $0x1082  }
0x22: {  	[simem:s7], [sflag:s8] =	dma.local @!p0 [hbm:s6], $0xF7A  }
0x23: {  	s9 =	sor.u32 $0xD0000000, s2;
	s6 =	simm.s32 $0x108;
	_ =	swait.ge @!p0 [sflag:s8], $0x0  }
0x24: {  	s3 =	sadd.s32 $0x88, s3;
	s6 =	simm.s32 @!p1 $0x1082;
	[sflag:s4] =	ssyncset.s32 $0xFFFFF086  }
0x25: {  	[simem:s6], [sflag:s4] =	dma.local [hbm:s3], $0xF7A  }
0x26: {  	[smem:$0x3F97] =	sst s1;
	(tag) =	ssettag s2;
	_ =	strace s9  }
0x27: {  	s1 =	sld [smem:$0x3FA7]  }
0x28: {  	s2 =	sld [smem:$0x3FA8]  }
0x29: {  	s4 =	sld [smem:$0x3FAA]  }
0x2a: {  	p0 =	seq.s32 s5, $0x0;
	s5 =	sld [smem:$0x3FAB]  }
0x2b: {  	s6 =	sld [smem:$0x3FAC]  }
0x2c: {  	s7 =	sld [smem:$0x3FAD]  }
0x2d: {  	s3 =	simm.s32 $0x108;
	s8 =	sld [smem:$0x3FAE]  }
0x2e: {  	s3 =	simm.s32 @!p0 $0x1082;
	s9 =	sld [smem:$0x3FAF]  }
0x2f: {  	lr =	sadd.s32 s0, s3;
	s0 =	sld [smem:$0x3FA6]  }
0x30: {  	s3 =	sld [smem:$0x3FA9]  }
0x31: {  	[smem:$0x3FB2] =	sst s10  }
0x32: {  	s10 =	sld [smem:$0x3FB0];
	_ =	sdelay $0x3  }
0x33: {  	p0 =	seq.s32 s10, $0x1;
	s10 =	sld [smem:$0x3FB2];
	_ =	sdelay $0x3  }
0x34: {  	[smem:$0x3FB2] =	sst s10  }
0x35: {  	s10 =	sld [smem:$0x3FB1];
	_ =	sdelay $0x3  }
0x36: {  	p1 =	seq.s32 s10, $0x1;
	s10 =	sld [smem:$0x3FB2];
	_ =	sdelay $0x3  }
0x37: {  	[smem:$0x3FB2] =	sst s10  }
0x38: {  	s10 =	sld [smem:$0x3FB3]  }
0x39: {  	_ = 	snop;
	(pc) =	sbr.ind lr, $3  }
0x3a: {  	_ = 	snop  }
0x3b: {  	_ = 	snop  }
0x3c: {  	p2 =	seq.s32 s10, $0x1;
	s10 =	sld [smem:$0x3FB2]  }
0x3d: {  	_ =	shalt  }
0x3e: {  	_ =	shalt  }
0x3f: {  	_ =	shalt  }
0x40: {  	_ =	shalt  }
0x41: {  	_ =	shalt  }
0x42: {  	_ =	shalt  }
0x43: {  	_ =	shalt  }
0x44: {  	_ =	shalt  }
0x45: {  	_ =	shalt  }
0x46: {  	_ =	shalt  }
0x47: {  	_ =	shalt  }
0x48: {  	_ =	shalt  }
0x49: {  	_ =	shalt  }
0x4a: {  	_ =	shalt  }
0x4b: {  	_ =	shalt  }
0x4c: {  	_ =	shalt  }
0x4d: {  	_ =	shalt  }
0x4e: {  	_ =	shalt  }
0x4f: {  	_ =	shalt  }
0x50: {  	_ =	shalt  }
0x51: {  	_ =	shalt  }
0x52: {  	_ =	shalt  }
0x53: {  	_ =	shalt  }
0x54: {  	_ =	shalt  }
0x55: {  	_ =	shalt  }
0x56: {  	_ =	shalt  }
0x57: {  	_ =	shalt  }
0x58: {  	_ =	shalt  }
0x59: {  	_ =	shalt  }
0x5a: {  	_ =	shalt  }
0x5b: {  	_ =	shalt  }
0x5c: {  	_ =	shalt  }
0x5d: {  	_ =	shalt  }
0x5e: {  	_ =	shalt  }
0x5f: {  	_ =	shalt  }
0x60: {  	_ =	shalt  }
0x61: {  	_ =	shalt  }
0x62: {  	_ =	shalt  }
0x63: {  	_ =	shalt  }
0x64: {  	_ =	shalt  }
0x65: {  	_ =	shalt  }
0x66: {  	_ =	shalt  }
0x67: {  	_ =	shalt  }
0x68: {  	_ =	shalt  }
0x69: {  	_ =	shalt  }
0x6a: {  	_ =	shalt  }
0x6b: {  	_ =	shalt  }
0x6c: {  	_ =	shalt  }
0x6d: {  	_ =	shalt  }
0x6e: {  	_ =	shalt  }
0x6f: {  	_ =	shalt  }
0x70: {  	_ =	shalt  }
0x71: {  	_ =	shalt  }
0x72: {  	_ =	shalt  }
0x73: {  	_ =	shalt  }
0x74: {  	_ =	shalt  }
0x75: {  	_ =	shalt  }
0x76: {  	_ =	shalt  }
0x77: {  	_ =	shalt  }
0x78: {  	_ =	shalt  }
0x79: {  	_ =	shalt  }
0x7a: {  	_ =	shalt  }
0x7b: {  	_ =	shalt  }
0x7c: {  	_ =	shalt  }
0x7d: {  	_ =	shalt  }
0x7e: {  	_ =	shalt  }
0x7f: {  	_ =	shalt  }
0x80: {  	_ =	shalt  }
0x81: {  	_ =	shalt  }
0x82: {  	_ =	shalt  }
0x83: {  	_ =	shalt  }
0x84: {  	_ =	shalt  }
0x85: {  	_ =	shalt  }
0x86: {  	_ =	shalt  }
0x87: {  	_ =	shalt  }
.Lfunc_end0:
.L_simem_size_0:
called_computation_lowered:
.L_overlay_start_0:
0x88: {  	s2 =	sld [smem:$0x3FD9]  }
0x89: {  	s3 =	sld [smem:$0x3FFE];
	_ =	sdelay $0x1  }
0x8a: {  	s1 =	srdreg.scid  }
0x8b: {  	s0 =	sand.u32 $0x1, s1  }
0x8c: {  	s17 =	sshll.u32 s0, $0xA;
	s2 =	sadd.s32 s3, s2  }
0x8d: {  	s2 =	sadd.s32 s2, s17  }
0x8e: {  	[smem:$0x3FBE] =	sst s2  }
0x8f: {  	_ = 	snop  }
0x90: {  	s2 =	sld [smem:$0x3FD0];
	(tm) =	ssettm $0x1  }
0x91: {  	s18 =	sld [smem:$0x3FFB];
	_ =	sdelay $0x3  }
0x92: {  	_ =	strace s18  }
0x93: {  	s3 =	sld [smem:$0x3FFC];
	_ =	sdelay $0x3  }
0x94: {  	_ =	strace s3  }
0x95: {  	s3 =	sld [smem:$0x3FFD];
	_ =	sdelay $0x3  }
0x96: {  	_ =	strace s3  }
0x97: {  	_ =	strace $0x8FFFFFFF  }
0x98: {  	s19 =	sld [smem:$0x3FDB];
	_ =	sdelay $0x1  }
0x99: {  	s4 =	simm.s32 $_scs_section_size  }
0x9a: {  	s5 =	simm.s32 $_size__tile_overlayer_lowered;
	s6 =	simm.s32 $_tile_overlayer_lowered  }
0x9b: {  	s22 =	simm.s32 $0x1BFF;
	s21 =	sshll.u32 s6, $0x1;
	s3 =	sadd.s32 s4, s19  }
0x9c: {  	s7 =	simm.s32 $0x0;
	s20 =	sshll.u32 s5, $0x1;
	s5 =	sadd.s32 s21, s3  }
0x9d: {  	[timem:s7], [sflag:s22] =	dma.local [hbm:s5], s20  }
0x9e: {  	_ =	swait.ge [sflag:s22], s20  }
0x9f: {  	s4 =	ssub.s32 $0x0, s20;
	[sflag:s22] =	ssyncset.done $0x0  }
0xa0: {  	[sflag:s22] =	ssyncadd.s32 s4;
	_ =	sdelay $0x1  }
0xa1: {  	s23 =	simm.s32 $0x1B8B  }
0xa2: {  	_ =	swait.ge [sflag:s23], $0x1  }
0xa3: {  	[sflag:s23] =	ssyncset.done $0x0  }
0xa4: {  	s25 =	simm.s32 $0x1B8E;
	s24 =	sld [smem:$0x3FFE];
	[sflag:s23] =	ssyncadd.s32 $0xFFFFFFFF  }
0xa5: {  	s26 =	simm.s32 $execute0_lowered;
	[smem:$0x3FD2] =	sst s25  }
0xa6: {  	s5 =	sshll.u32 s26, $0x1;
	_ =	strace $0x80000046;
	[dreg:$0x1] =	wrdreg $0xFFFFFFFF  }
0xa7: {  	s28 =	simm.s32 $_size_execute0_lowered;
	s3 =	sadd.s32 s3, s5;
	[dreg:$0x0] =	wrdreg $0x0  }
0xa8: {  	s5 =	sshll.u32 s28, $0x1;
	[dreg:$0x2] =	wrdreg s3  }
0xa9: {  	[dreg:$0x3] =	wrdreg s5  }
0xaa: {  	[dreg:$0x4] =	wrdreg $0xC0  }
0xab: {  	_ =	task [dreg:s7], $0x5FFFF  }
0xac: {  	[dreg:$0x1] =	wrdreg $0xFFFFFFFF  }
0xad: {  	[dreg:$0x0] =	wrdreg $0x60  }
0xae: {  	[dreg:$0x2] =	wrdreg s2  }
0xaf: {  	[dreg:$0x3] =	wrdreg s24  }
0xb0: {  	[dreg:$0x4] =	wrdreg $0x1000  }
0xb1: {  	[dreg:$0x5] =	wrdreg $0x9  }
0xb2: {  	_ =	task.clear_ibuf [dreg:s7], $0x6FFFF;
	_ =	strace $0x90000046  }
0xb3: {  	s29 =	simm.s32 $0x9;
	_ =	strace $0x80000048  }
0xb4: {  	_ =	swait.ge [sflag:s29], $0x1  }
0xb5: {  	[sflag:s29] =	ssyncadd.s32 $0xFFFFFFFF  }
0xb6: {  	_ =	strace $0x90000048  }
0xb7: {  	_ =	sfence  }
0xb8: {  	s30 =	sld [smem:$0x0];
	_ =	sdelay $0x2  }
0xb9: {  	s31 =	sshll.u32 s1, $0xD;
	s1 =	sshrl.u32 s1, $0x2  }
0xba: {  	s3 =	sand.u32 $0x4000, s31;
	s1 =	sadd.s32 s1, s30  }
0xbb: {  	s0 =	sor.u32 s3, s0;
	s1 =	sshll.u32 s1, $0x11  }
0xbc: {  	s0 =	sor.u32 s1, s0  }
0xbd: {  	s0 =	sadd.s32 $0x8F2B, s0  }
0xbe: {  	[sflag:s0] =	ssyncadd.remote.s32 $0x1  }
0xbf: {  	_ =	sfence.sel $0xFFFF  }
0xc0: {  	[dreg:$0x0] =	wrdreg $0xFFFFFFFF;
	(pc) =	sbr.abs _section_cstart, $3  }
0xc1: {  	[dreg:$0x1] =	wrdreg $0xFFFFFFFF  }
0xc2: {  	_ =	task.clear_ibuf [dreg:s7], $0x2FFFF;
	_ =	strace $0x9FFFFFFF  }
0xc3: {  	(tm) =	ssettm $0x7FFFFFFF  }
tec
execute0_lowered:
.L_overlay_start_1:
0x0: {  	(tag) =	ssettag $0x1  }
0x1: {  	s6 =	rddreg [dreg:$0x0]  }
0x2: {  	s4 =	rddreg [dreg:$0x1]  }
0x3: {  	s1 =	rddreg [dreg:$0x2]  }
0x4: {  	s0 =	rddreg [dreg:$0x3];
	s2 =	simm.s32 $0x0  }
0x5: {  	s3 =	srdreg.scid;
	s7 =	stileid.u32;
	s11 =	simm.s32 $0x0  }
0x6: {  	[smem:$0x7FF] =	sst s2;
	s3 =	sand.u32 $0x1, s3;
	s10 =	smul.u32 $0x2710, s7  }
0x7: {  	p0 =	sne.s32 s7, $0x0;
	_ =	strace $0x80000047;
	s5 =	smul.u32 $0x27100, s3  }
0x8: {  	s8 =	sshll.u32 s3, $0x4;
	s9 =	ssub.s32 $0x2, s3;
	s3 =	sadd.s32 $0x3A00, s4  }
0x9: {  	s7 =	sshrl.u32 @!p0 s1, $0x3;
	s4 =	sadd.s32 s8, s4;
	s29 =	sshrl.u32 s9, $0x1  }
0xa: {  	s8 =	ssub.s32 s9, s29;
	s4 =	sadd.s32 $0x4000, s4;
	s30 =	sadd.s32 s10, s5  }
0xb: {  	s9 =	simm.s32 $0x50;
	s10 =	simm.s32 $0x80;
	s31 =	sshrl.u32 s30, $0x3  }
0xc: {  	v0 =	vimm.f32 $1.000000000e+00;
	s5 =	smax.u32 s8, $0x1;
	s8 =	simm.s32 $0x1;
	s6 =	sadd.s32 s31, s6  }
.LBB2_1:
0xd: {  	[tilespmem:$0x80] =	vst v0  }
0xe: {  	[tilespmem:$0x90] =	vst v0  }
0xf: {  	[tilespmem:$0xA0] =	vst v0  }
0x10: {  	[tilespmem:$0xB0] =	vst v0  }
0x11: {  	[tilespmem:$0xC0] =	vst v0;
	s12 =	simm.s32 @!p0 $0x1C01  }
0x12: {  	[spmem:s7], [sflag:s12] =	dma.local @!p0 [hbm:s3], $0x4F0  }
0x13: {  	s12 =	simm.s32 @!p0 $0x1  }
0x14: {  	_ =	swait.ge @!p0 [sflag:s12], $0x4F0  }
0x15: {  	[sflag:s12] =	ssyncset.done @!p0 $0x0  }
0x16: {  	[sflag:s12] =	ssyncadd.s32 @!p0 $0xFFFFFB10  }
0x17: {  	s31 =	sadd.s32 $0x0, s6;
	[bflag:$0x0] =	sbarrier.arrive $0xFFFF  }
0x18: {  	[tilespmem:s2], [sflag:$0x1] =	stream.linear.gather [hbm4b:s31+s2], $0x50, $0x38;
	[tilespmem:$0x378] =	vst v63  }
0x19: {  	_ =	swait.ge [sflag:s8], $0x50  }
0x1a: {  	[sflag:s8] =	ssyncset.done $0x0  }
0x1b: {  	[sflag:s8] =	ssyncadd.s32 $0xFFFFFFB0  }
0x1c: {  	[spmem:s1] =	stream.indirect.scatter.add.f32 [tilespmem:s10], [sflag:$0x1], $0x1, s2, s9, $0xb8;
	[tilespmem:$0x378] =	vst v63  }
0x1d: {  	_ =	swait.ge [sflag:s8], $0x50  }
0x1e: {  	s13 =	simm.s32 $0x14;
	s12 =	simm.s32 $0xA;
	[sflag:s8] =	ssyncset.done $0x0  }
.LBB2_2:
0x1f: {  	s14 =	sadd.s32 s12, s6  }
0x20: {  	[sflag:s8] =	ssyncadd.s32 $0xFFFFFFB0;
	s12 =	smov.u32 s13;
	s15 =	sadd.s32 $0xA, s13  }
0x21: {  	[tilespmem:s2], [sflag:$0x1] =	stream.linear.gather [hbm4b:s14+s2], $0x50, $0x38;
	[tilespmem:$0x378] =	vst v63  }
0x22: {  	p1 =	sne.s32 s13, $0x4D8;
	_ =	swait.ge [sflag:s8], $0x50  }
.Ltmp0:
0x23: {  	[sflag:s8] =	ssyncset.done $0x0;
	(pc) =	sbr.rel @p1 .LBB2_2-.Ltmp0, $4  }
0x24: {  	[sflag:s8] =	ssyncadd.s32 $0xFFFFFFB0  }
0x25: {  	[spmem:s1] =	stream.indirect.scatter.add.f32 [tilespmem:s10], [sflag:$0x1], $0x1, s2, s9, $0xb8;
	[tilespmem:$0x378] =	vst v63  }
0x26: {  	_ =	swait.ge [sflag:s8], $0x50  }
0x27: {  	s13 =	smov.u32 s15;
	[sflag:s8] =	ssyncset.done $0x0  }
0x28: {  	s12 =	sadd.s32 s12, s6;
	[sflag:s8] =	ssyncadd.s32 $0xFFFFFFB0  }
0x29: {  	[tilespmem:s2], [sflag:$0x1] =	stream.linear.gather [hbm4b:s12+s2], $0x50, $0x38;
	[tilespmem:$0x378] =	vst v63  }
0x2a: {  	_ =	swait.ge [sflag:s8], $0x50  }
0x2b: {  	[sflag:s8] =	ssyncset.done $0x0  }
0x2c: {  	[sflag:s8] =	ssyncadd.s32 $0xFFFFFFB0  }
0x2d: {  	[spmem:s1] =	stream.indirect.scatter.add.f32 [tilespmem:s10], [sflag:$0x1], $0x1, s2, s9, $0xb8;
	[tilespmem:$0x378] =	vst v63  }
0x2e: {  	s13 =	simm.s32 @!p0 $0x20;
	_ =	swait.ge [sflag:s8], $0x50  }
0x2f: {  	s14 =	simm.s32 @!p0 $0x10;
	s11 =	sadd.s32 $0x1, s11;
	[sflag:s8] =	ssyncset.done $0x0  }
0x30: {  	s15 =	simm.s32 @!p0 $0x1C01;
	p1 =	sne.s32 s11, s5;
	[sflag:s8] =	ssyncadd.s32 $0xFFFFFFB0  }
.Ltmp1:
0x31: {  	s12 =	simm.s32 @!p0 $0x1;
	[bflag:$0x0] =	sbarrier.arrive $0xFFFF;
	(pc) =	sbr.rel @p1 .LBB2_1-.Ltmp1, $4  }
0x32: {  	[hbm:s4@s13], [sflag:s15] =	dma.strided @!p0 [spmem:s7@s14], $0x4F0, s12, $0x10   }
0x33: {  	_ =	swait.ge @!p0 [sflag:s12], $0x4F0  }
0x34: {  	[sflag:s12] =	ssyncset.done @!p0 $0x0  }
0x35: {  	[sflag:s12] =	ssyncadd.s32 @!p0 $0xFFFFFB10  }
0x36: {  	_ =	sfence.sel $0x180000  }
0x37: {  	[bflag:$0x0] =	sbarrier.arrive $0xFFFF  }
0x38: {  	_ =	strace $0x90000047  }
0x39: {  	s0 =	sadd.s32 @!p0 $0x100000, s0;
	[bflag:$0x2] =	sbarrier.arrive $0xFFFF  }
0x3a: {  	[sflag:s0] =	ssyncadd.tile.s32 @!p0 $0x1;
	_ =	shalt  }
.Lfunc_end2:
_tile_overlayer_lowered:
.L_overlay_start_2:
0x3b: {  	(tag) =	ssettag $0x2  }
0x3c: {  	s0 =	rddreg [dreg:$0x0];
	s2 =	stileid.u32  }
0x3d: {  	s1 =	rddreg [dreg:$0x1];
	p0 =	sne.s32 s2, $0x0  }
0x3e: {  	s3 =	rddreg [dreg:$0x2];
	[bflag:$0x3] =	sbarrier.arrive $0xFFFF;
	s2 =	simm.s32 @!p0 $0x1C01  }
0x3f: {  	[timem:s3], [sflag:s2] =	dma.local @!p0 [hbm:s0], s1  }
0x40: {  	s0 =	simm.s32 @!p0 $0x1  }
0x41: {  	_ =	swait.ge @!p0 [sflag:s0], s1  }
0x42: {  	s1 =	ssub.s32 @!p0 $0x0, s1;
	[sflag:s0] =	ssyncset.done @!p0 $0x0  }
0x43: {  	[sflag:s0] =	ssyncadd.s32 @!p0 s1  }
0x44: {  	[bflag:$0x3] =	sbarrier.arrive $0xFFFF  }
0x45: {  	_ =	shalt  }

// kernel: kernel.16.cloned.1.call-start
scs
__scs_entry_jumppad:
0x0: {  	(pc) =	sbr.rel $0x88, $3  }
0x1: {  	(tag) =	ssettag $0x0;
	lr =	simm.s32 $0x1  }
0x2: {  	[smem:$0x3F97] =	sst lr;
	_ =	strace $0xD0000000  }
0x3: {  	_ = 	snop  }
0x4: {  	_ = 	snop  }
0x5: {  	_ = 	snop  }
0x6: {  	_ = 	snop  }
0x7: {  	_ = 	snop  }
__scs_overlays_trampoline_lowered:
0x8: {  	[smem:$0x3FA6] =	sst s0  }
0x9: {  	[smem:$0x3FA7] =	sst s1  }
0xa: {  	[smem:$0x3FA8] =	sst s2  }
0xb: {  	[smem:$0x3FA9] =	sst s3  }
0xc: {  	[smem:$0x3FAA] =	sst s4  }
0xd: {  	[smem:$0x3FAB] =	sst s5  }
0xe: {  	[smem:$0x3FAC] =	sst s6  }
0xf: {  	[smem:$0x3FAD] =	sst s7  }
0x10: {  	[smem:$0x3FAE] =	sst s8  }
0x11: {  	[smem:$0x3FAF] =	sst s9;
	s0 =	simm.s32 @!p0 $0x0  }
0x12: {  	s1 =	sld [smem:$0x3F95];
	s0 =	simm.s32 @p0 $0x1  }
0x13: {  	[smem:$0x3FB0] =	sst s0;
	s0 =	simm.s32 @!p1 $0x0  }
0x14: {  	s2 =	sld [smem:$0x3F94];
	s0 =	simm.s32 @p1 $0x1  }
0x15: {  	[smem:$0x3FB1] =	sst s0;
	s0 =	simm.s32 @!p2 $0x0  }
0x16: {  	s3 =	sld [smem:$0x3FDB];
	s0 =	simm.s32 @p2 $0x1  }
0x17: {  	s4 =	simm.s32 $0x1BF5;
	[smem:$0x3FB3] =	sst s0  }
0x18: {  	s0 =	sld [smem:$0x3F96];
	_ =	swait.ge [sflag:s4], $0x0  }
0x19: {  	s7 =	sld [smem:$0x3F97]  }
0x1a: {  	s8 =	sadd.s32 $0xFFFFE003, lr  }
0x1b: {  	s9 =	sadd.s32 $0xFFFFFEF7, lr;
	s5 =	simm.s32 $0xFFFFFFFF;
	p2 =	slt.u32 s8, $0xFFFFF086  }
0x1c: {  	p1 =	slt.u32 s9, $0xF7A;
	s5 =	simm.s32 @!p2 $0x0  }
0x1d: {  	s5 =	simm.s32 @p1 $0x1;
	p0 =	seq.s32 s7, s2  }
0x1e: {  	s7 =	smul.u32 @!p0 $0xF7A, s2;
	p2 =	seq.s32 @!p0 s5, $0x0  }
0x1f: {  	s9 =	smul.u32 $0xF7A, s1;
	s8 =	simm.s32 @!p0 $0x1BF5;
	p2 =	por !p2, p0  }
0x20: {  	[sflag:s8] =	ssyncset.s32 @!p0 $0xFFFFF086;
	s6 =	sadd.s32 @!p0 s3, s7;
	s7 =	simm.s32 @!p0 $0x108  }
0x21: {  	s3 =	sadd.s32 s3, s9;
	s6 =	sadd.s32 @!p0 $0x88, s6;
	s7 =	simm.s32 @p2 $0x1082  }
0x22: {  	[simem:s7], [sflag:s8] =	dma.local @!p0 [hbm:s6], $0xF7A  }
0x23: {  	s9 =	sor.u32 $0xD0000000, s2;
	s6 =	simm.s32 $0x108;
	_ =	swait.ge @!p0 [sflag:s8], $0x0  }
0x24: {  	s3 =	sadd.s32 $0x88, s3;
	s6 =	simm.s32 @!p1 $0x1082;
	[sflag:s4] =	ssyncset.s32 $0xFFFFF086  }
0x25: {  	[simem:s6], [sflag:s4] =	dma.local [hbm:s3], $0xF7A  }
0x26: {  	[smem:$0x3F97] =	sst s1;
	(tag) =	ssettag s2;
	_ =	strace s9  }
0x27: {  	s1 =	sld [smem:$0x3FA7]  }
0x28: {  	s2 =	sld [smem:$0x3FA8]  }
0x29: {  	s4 =	sld [smem:$0x3FAA]  }
0x2a: {  	p0 =	seq.s32 s5, $0x0;
	s5 =	sld [smem:$0x3FAB]  }
0x2b: {  	s6 =	sld [smem:$0x3FAC]  }
0x2c: {  	s7 =	sld [smem:$0x3FAD]  }
0x2d: {  	s3 =	simm.s32 $0x108;
	s8 =	sld [smem:$0x3FAE]  }
0x2e: {  	s3 =	simm.s32 @!p0 $0x1082;
	s9 =	sld [smem:$0x3FAF]  }
0x2f: {  	lr =	sadd.s32 s0, s3;
	s0 =	sld [smem:$0x3FA6]  }
0x30: {  	s3 =	sld [smem:$0x3FA9]  }
0x31: {  	[smem:$0x3FB2] =	sst s10  }
0x32: {  	s10 =	sld [smem:$0x3FB0];
	_ =	sdelay $0x3  }
0x33: {  	p0 =	seq.s32 s10, $0x1;
	s10 =	sld [smem:$0x3FB2];
	_ =	sdelay $0x3  }
0x34: {  	[smem:$0x3FB2] =	sst s10  }
0x35: {  	s10 =	sld [smem:$0x3FB1];
	_ =	sdelay $0x3  }
0x36: {  	p1 =	seq.s32 s10, $0x1;
	s10 =	sld [smem:$0x3FB2];
	_ =	sdelay $0x3  }
0x37: {  	[smem:$0x3FB2] =	sst s10  }
0x38: {  	s10 =	sld [smem:$0x3FB3]  }
0x39: {  	_ = 	snop;
	(pc) =	sbr.ind lr, $3  }
0x3a: {  	_ = 	snop  }
0x3b: {  	_ = 	snop  }
0x3c: {  	p2 =	seq.s32 s10, $0x1;
	s10 =	sld [smem:$0x3FB2]  }
0x3d: {  	_ =	shalt  }
0x3e: {  	_ =	shalt  }
0x3f: {  	_ =	shalt  }
0x40: {  	_ =	shalt  }
0x41: {  	_ =	shalt  }
0x42: {  	_ =	shalt  }
0x43: {  	_ =	shalt  }
0x44: {  	_ =	shalt  }
0x45: {  	_ =	shalt  }
0x46: {  	_ =	shalt  }
0x47: {  	_ =	shalt  }
0x48: {  	_ =	shalt  }
0x49: {  	_ =	shalt  }
0x4a: {  	_ =	shalt  }
0x4b: {  	_ =	shalt  }
0x4c: {  	_ =	shalt  }
0x4d: {  	_ =	shalt  }
0x4e: {  	_ =	shalt  }
0x4f: {  	_ =	shalt  }
0x50: {  	_ =	shalt  }
0x51: {  	_ =	shalt  }
0x52: {  	_ =	shalt  }
0x53: {  	_ =	shalt  }
0x54: {  	_ =	shalt  }
0x55: {  	_ =	shalt  }
0x56: {  	_ =	shalt  }
0x57: {  	_ =	shalt  }
0x58: {  	_ =	shalt  }
0x59: {  	_ =	shalt  }
0x5a: {  	_ =	shalt  }
0x5b: {  	_ =	shalt  }
0x5c: {  	_ =	shalt  }
0x5d: {  	_ =	shalt  }
0x5e: {  	_ =	shalt  }
0x5f: {  	_ =	shalt  }
0x60: {  	_ =	shalt  }
0x61: {  	_ =	shalt  }
0x62: {  	_ =	shalt  }
0x63: {  	_ =	shalt  }
0x64: {  	_ =	shalt  }
0x65: {  	_ =	shalt  }
0x66: {  	_ =	shalt  }
0x67: {  	_ =	shalt  }
0x68: {  	_ =	shalt  }
0x69: {  	_ =	shalt  }
0x6a: {  	_ =	shalt  }
0x6b: {  	_ =	shalt  }
0x6c: {  	_ =	shalt  }
0x6d: {  	_ =	shalt  }
0x6e: {  	_ =	shalt  }
0x6f: {  	_ =	shalt  }
0x70: {  	_ =	shalt  }
0x71: {  	_ =	shalt  }
0x72: {  	_ =	shalt  }
0x73: {  	_ =	shalt  }
0x74: {  	_ =	shalt  }
0x75: {  	_ =	shalt  }
0x76: {  	_ =	shalt  }
0x77: {  	_ =	shalt  }
0x78: {  	_ =	shalt  }
0x79: {  	_ =	shalt  }
0x7a: {  	_ =	shalt  }
0x7b: {  	_ =	shalt  }
0x7c: {  	_ =	shalt  }
0x7d: {  	_ =	shalt  }
0x7e: {  	_ =	shalt  }
0x7f: {  	_ =	shalt  }
0x80: {  	_ =	shalt  }
0x81: {  	_ =	shalt  }
0x82: {  	_ =	shalt  }
0x83: {  	_ =	shalt  }
0x84: {  	_ =	shalt  }
0x85: {  	_ =	shalt  }
0x86: {  	_ =	shalt  }
0x87: {  	_ =	shalt  }
.Lfunc_end0:
.L_simem_size_0:
called_computation.1_lowered:
.L_overlay_start_0:
0x88: {  	s2 =	sld [smem:$0x3FD9]  }
0x89: {  	s3 =	sld [smem:$0x3FFE];
	_ =	sdelay $0x1  }
0x8a: {  	s1 =	srdreg.scid  }
0x8b: {  	s0 =	sand.u32 $0x1, s1  }
0x8c: {  	s17 =	sshll.u32 s0, $0xA;
	s2 =	sadd.s32 s3, s2  }
0x8d: {  	s2 =	sadd.s32 s2, s17  }
0x8e: {  	[smem:$0x3FBE] =	sst s2  }
0x8f: {  	_ = 	snop  }
0x90: {  	s2 =	sld [smem:$0x3FD0];
	(tm) =	ssettm $0x1  }
0x91: {  	s18 =	sld [smem:$0x3FFB];
	_ =	sdelay $0x3  }
0x92: {  	_ =	strace s18  }
0x93: {  	s3 =	sld [smem:$0x3FFC];
	_ =	sdelay $0x3  }
0x94: {  	_ =	strace s3  }
0x95: {  	s3 =	sld [smem:$0x3FFD];
	_ =	sdelay $0x3  }
0x96: {  	_ =	strace s3  }
0x97: {  	_ =	strace $0x8FFFFFFF  }
0x98: {  	s19 =	sld [smem:$0x3FDB];
	_ =	sdelay $0x1  }
0x99: {  	s4 =	simm.s32 $_scs_section_size  }
0x9a: {  	s5 =	simm.s32 $_size__tile_overlayer_lowered;
	s6 =	simm.s32 $_tile_overlayer_lowered  }
0x9b: {  	s22 =	simm.s32 $0x1BFF;
	s21 =	sshll.u32 s6, $0x1;
	s3 =	sadd.s32 s4, s19  }
0x9c: {  	s7 =	simm.s32 $0x0;
	s20 =	sshll.u32 s5, $0x1;
	s5 =	sadd.s32 s21, s3  }
0x9d: {  	[timem:s7], [sflag:s22] =	dma.local [hbm:s5], s20  }
0x9e: {  	_ =	swait.ge [sflag:s22], s20  }
0x9f: {  	s4 =	ssub.s32 $0x0, s20;
	[sflag:s22] =	ssyncset.done $0x0  }
0xa0: {  	[sflag:s22] =	ssyncadd.s32 s4;
	_ =	sdelay $0x1  }
0xa1: {  	s23 =	simm.s32 $0x1B8B  }
0xa2: {  	_ =	swait.ge [sflag:s23], $0x1  }
0xa3: {  	[sflag:s23] =	ssyncset.done $0x0  }
0xa4: {  	s25 =	simm.s32 $0x1B8E;
	s24 =	sld [smem:$0x3FFE];
	[sflag:s23] =	ssyncadd.s32 $0xFFFFFFFF  }
0xa5: {  	s26 =	simm.s32 $execute0_lowered;
	[smem:$0x3FD2] =	sst s25  }
0xa6: {  	s5 =	sshll.u32 s26, $0x1;
	_ =	strace $0x80000049;
	[dreg:$0x1] =	wrdreg $0xFFFFFFFF  }
0xa7: {  	s28 =	simm.s32 $_size_execute0_lowered;
	s3 =	sadd.s32 s3, s5;
	[dreg:$0x0] =	wrdreg $0x0  }
0xa8: {  	s5 =	sshll.u32 s28, $0x1;
	[dreg:$0x2] =	wrdreg s3  }
0xa9: {  	[dreg:$0x3] =	wrdreg s5  }
0xaa: {  	[dreg:$0x4] =	wrdreg $0xC0  }
0xab: {  	_ =	task [dreg:s7], $0x5FFFF  }
0xac: {  	[dreg:$0x1] =	wrdreg $0xFFFFFFFF  }
0xad: {  	[dreg:$0x0] =	wrdreg $0x60  }
0xae: {  	[dreg:$0x2] =	wrdreg s2  }
0xaf: {  	[dreg:$0x3] =	wrdreg s24  }
0xb0: {  	[dreg:$0x4] =	wrdreg $0x52000  }
0xb1: {  	[dreg:$0x5] =	wrdreg $0x9  }
0xb2: {  	_ =	task.clear_ibuf [dreg:s7], $0x6FFFF;
	_ =	strace $0x90000049  }
0xb3: {  	s29 =	simm.s32 $0x9;
	_ =	strace $0x8000004B  }
0xb4: {  	_ =	swait.ge [sflag:s29], $0x1  }
0xb5: {  	[sflag:s29] =	ssyncadd.s32 $0xFFFFFFFF  }
0xb6: {  	_ =	strace $0x9000004B  }
0xb7: {  	_ =	sfence  }
0xb8: {  	s30 =	sld [smem:$0x0];
	_ =	sdelay $0x2  }
0xb9: {  	s31 =	sshll.u32 s1, $0xD;
	s1 =	sshrl.u32 s1, $0x2  }
0xba: {  	s3 =	sand.u32 $0x4000, s31;
	s1 =	sadd.s32 s1, s30  }
0xbb: {  	s0 =	sor.u32 s3, s0;
	s1 =	sshll.u32 s1, $0x11  }
0xbc: {  	s0 =	sor.u32 s1, s0  }
0xbd: {  	s0 =	sadd.s32 $0x8F2B, s0  }
0xbe: {  	[sflag:s0] =	ssyncadd.remote.s32 $0x1  }
0xbf: {  	_ =	sfence.sel $0xFFFF  }
0xc0: {  	[dreg:$0x0] =	wrdreg $0xFFFFFFFF;
	(pc) =	sbr.abs _section_cstart, $3  }
0xc1: {  	[dreg:$0x1] =	wrdreg $0xFFFFFFFF  }
0xc2: {  	_ =	task.clear_ibuf [dreg:s7], $0x2FFFF;
	_ =	strace $0x9FFFFFFF  }
0xc3: {  	(tm) =	ssettm $0x7FFFFFFF  }
tec
execute0_lowered:
.L_overlay_start_1:
0x0: {  	(tag) =	ssettag $0x1  }
0x1: {  	s1 =	rddreg [dreg:$0x0]  }
0x2: {  	s5 =	rddreg [dreg:$0x1]  }
0x3: {  	s3 =	rddreg [dreg:$0x2]  }
0x4: {  	s4 =	srdreg.scid;
	s0 =	stileid.u32;
	s17 =	simm.s32 $0x4  }
0x5: {  	s18 =	simm.s32 $0x180;
	s19 =	simm.s32 $0x2A00;
	s20 =	simm.s32 $0x3  }
0x6: {  	s21 =	simm.s32 $0x80;
	s22 =	simm.s32 $0x0;
	s7 =	smul.u32 $0x13C00, s0  }
0x7: {  	s6 =	sand.u32 $0x1, s4;
	s4 =	simm.s32 $0x0;
	s12 =	smul.u32 $0x4F000, s0  }
0x8: {  	s11 =	sadd.s32 $0x4A00, s5;
	s14 =	smul.u32 $0x7D00, s0;
	s31 =	sshll.u32 s0, $0x6  }
0x9: {  	s8 =	sshll.u32 s6, $0x4;
	[smem:$0x7FF] =	sst s4;
	s9 =	smul.u32 $0x13C000, s6  }
0xa: {  	s24 =	ssub.s32 $0x2, s6;
	s6 =	smul.u32 $0x7D000, s6;
	s8 =	sor.u32 s0, s8  }
0xb: {  	_ =	strace $0x8000004A;
	s10 =	sshrl.u32 s7, $0x3;
	s13 =	sshrl.u32 s24, $0x1  }
0xc: {  	s26 =	sshrl.u32 s12, $0x2;
	s12 =	simm.s32 $0x100;
	s8 =	smul.u32 $0x7D00, s8  }
0xd: {  	s10 =	sadd.s32 s10, s5;
	s7 =	sadd.s32 s7, s9;
	s9 =	ssub.s32 s24, s13  }
0xe: {  	s28 =	sadd.s32 s14, s6;
	s16 =	sadd.s32 s26, s3;
	s13 =	simm.s32 $0x50  }
0xf: {  	s14 =	simm.s32 $0x200;
	s7 =	sshrl.u32 s7, $0x3;
	s29 =	sadd.s32 $0x200, s28  }
0x10: {  	s9 =	smax.u32 s9, $0x1;
	s16 =	sshrl.u32 s16, $0x3;
	s15 =	sadd.s32 s7, s5  }
0x11: {  	s25 =	sshrl.u32 s8, $0x3;
	s7 =	sadd.s32 $0x23E00, s10;
	s30 =	sshrl.u32 s29, $0x3  }
0x12: {  	s5 =	sadd.s32 s11, s25;
	s8 =	sadd.s32 $0x4B600, s15;
	s10 =	sadd.s32 s30, s11  }
0x13: {  	s11 =	simm.s32 $0x5;
	s15 =	sor.u32 $0x1C05, s31;
	s6 =	sadd.s32 $0x20, s5  }
.LBB2_1:
0x14: {  	[tilespmem:s4], [sflag:$0x5] =	stream.linear.gather [hbm4b:s5+s4], $0x100, $0x38;
	[tilespmem:$0x18E00] =	vst v63  }
0x15: {  	_ =	swait.ge [sflag:s11], $0x100  }
0x16: {  	[sflag:s11] =	ssyncset.done $0x0  }
0x17: {  	[sflag:s11] =	ssyncadd.s32 $0xFFFFFF00  }
0x18: {  	[tilespmem:s12], [sflag:$0x2] =	stream.linear.gather [hbm4b:s6+s4], $0x100, $0x38;
	[tilespmem:$0x18E00] =	vst v63  }
0x19: {  	_ = 	snop  }
0x1a: {  	[tilespmem:s14], [sflag:$0x3] =	stream.indirect.gather [hbm4b:s1+s13], $0x80, s4, s13, $0xb8;
	[tilespmem:$0x18E00] =	vst v63  }
0x1b: {  	[spmem:s16], [sflag:s15] =	dma.local [hbm:s7], $0x2780  }
0x1c: {  	_ =	swait.ge [sflag:s11], $0x2780  }
0x1d: {  	s23 =	simm.s32 $0x1;
	[sflag:s11] =	ssyncset.done $0x0  }
0x1e: {  	s28 =	simm.s32 $0x0;
	s23 =	sand.u32 $0x1, s23;
	[sflag:s11] =	ssyncadd.s32 $0xFFFFD880  }
0x1f: {  	s24 =	sadd.s32 $0x1, s23;
	s25 =	smul.u32 $0xA000, s23;
	[bflag:$0x0] =	sbarrier.arrive $0xFFFF  }
0x20: {  	s28 =	sand.u32 $0x1, s28;
	_ =	swait.ge [sflag:s24], $0x100  }
0x21: {  	s26 =	sadd.s32 $0x3, s23;
	s25 =	sshrl.u32 s25, $0x2;
	[sflag:s24] =	ssyncset.done $0x0  }
0x22: {  	s23 =	sshll.u32 s23, $0x8;
	s25 =	sor.u32 $0x200, s25;
	[sflag:s24] =	ssyncadd.s32 $0xFFFFFF00  }
0x23: {  	[tilespmem:s25], [sflag:s26] =	stream.indirect.gather [hbm4b:s1+s13], $0x80, s23, s13, $0xb8;
	[tilespmem:$0x18E00] =	vst v63  }
0x24: {  	s30 =	smul.u32 $0xA000, s28;
	s26 =	sadd.s32 $0x3, s28  }
0x25: {  	_ =	swait.ge [sflag:s26], $0x2800  }
0x26: {  	s24 =	sshll.u32 s28, $0x8;
	s25 =	sshrl.u32 s30, $0x2;
	[sflag:s26] =	ssyncset.done $0x0  }
0x27: {  	s31 =	sor.u32 $0x80, s24;
	s25 =	sor.u32 $0x200, s25;
	[sflag:s26] =	ssyncadd.s32 $0xFFFFD800  }
0x28: {  	[spmem:s3] =	stream.indirect.scatter.add.f32 [tilespmem:s25], [sflag:$0x5], $0x80, s31, s13, $0xb8;
	[tilespmem:$0x18E00] =	vst v63  }
0x29: {  	s29 =	sadd.s32 $0x1, s28;
	s23 =	sadd.s32 $0x20, s10;
	_ =	swait.ge [sflag:s11], $0x2800  }
0x2a: {  	s28 =	smov.u32 s10;
	s25 =	simm.s32 $0x2;
	[sflag:s11] =	ssyncset.done $0x0  }
.LBB2_2:
0x2b: {  	s26 =	sand.u32 $0x1, s25;
	[sflag:s11] =	ssyncadd.s32 $0xFFFFD800  }
0x2c: {  	s30 =	smov.u32 s25;
	s31 =	sadd.s32 $0x1, s25;
	p0 =	sne.s32 s25, $0x7B  }
0x2d: {  	[tilespmem:s24], [sflag:s29] =	stream.linear.gather [hbm4b:s28+s4], $0x100, $0x38;
	[tilespmem:$0x18E00] =	vst v63  }
0x2e: {  	s24 =	sadd.s32 $0x1, s26;
	s28 =	smul.u32 $0xA000, s26;
	s29 =	sadd.s32 $0x3, s26  }
0x2f: {  	s30 =	sadd.s32 $0xFFFFFFFF, s30;
	s0 =	sshll.u32 s26, $0x8;
	_ =	swait.ge [sflag:s24], $0x100  }
0x30: {  	s2 =	sand.u32 $0x1, s30;
	s26 =	sshrl.u32 s28, $0x2;
	[sflag:s24] =	ssyncset.done $0x0  }
0x31: {  	[sflag:s24] =	ssyncadd.s32 $0xFFFFFF00;
	s24 =	sor.u32 $0x200, s26;
	s26 =	sadd.s32 $0x3, s2  }
0x32: {  	[tilespmem:s24], [sflag:s29] =	stream.indirect.gather [hbm4b:s1+s13], $0x80, s0, s13, $0xb8;
	[tilespmem:$0x18E00] =	vst v63  }
0x33: {  	s0 =	smul.u32 $0xA000, s2;
	s24 =	sshll.u32 s2, $0x8;
	_ =	swait.ge [sflag:s26], $0x2800  }
0x34: {  	s28 =	smov.u32 s23;
	s25 =	sor.u32 $0x80, s24;
	[sflag:s26] =	ssyncset.done $0x0  }
.Ltmp0:
0x35: {  	s0 =	sshrl.u32 s0, $0x2;
	[sflag:s26] =	ssyncadd.s32 $0xFFFFD800;
	(pc) =	sbr.rel @p0 .LBB2_2-.Ltmp0, $4  }
0x36: {  	s30 =	sor.u32 $0x200, s0  }
0x37: {  	[spmem:s3] =	stream.indirect.scatter.add.f32 [tilespmem:s30], [sflag:$0x5], $0x80, s25, s13, $0xb8;
	[tilespmem:$0x18E00] =	vst v63  }
0x38: {  	s23 =	sadd.s32 $0x20, s23;
	_ =	swait.ge [sflag:s11], $0x2800  }
0x39: {  	s29 =	sadd.s32 $0x1, s2;
	s25 =	smov.u32 s31;
	[sflag:s11] =	ssyncset.done $0x0  }
0x3a: {  	[sflag:s11] =	ssyncadd.s32 $0xFFFFD800  }
0x3b: {  	[tilespmem:s24], [sflag:s29] =	stream.linear.gather [hbm4b:s28+s4], $0x100, $0x38;
	[tilespmem:$0x18E00] =	vst v63  }
0x3c: {  	_ =	swait.ge [sflag:s29], $0x100  }
0x3d: {  	[sflag:s29] =	ssyncset.done $0x0  }
0x3e: {  	[sflag:s29] =	ssyncadd.s32 $0xFFFFFF00  }
0x3f: {  	[tilespmem:s30], [sflag:s26] =	stream.indirect.gather [hbm4b:s1+s13], $0x80, s24, s13, $0xb8;
	[tilespmem:$0x18E00] =	vst v63  }
0x40: {  	_ =	swait.ge [sflag:s17], $0x2800  }
0x41: {  	[sflag:s17] =	ssyncset.done $0x0  }
0x42: {  	[sflag:s17] =	ssyncadd.s32 $0xFFFFD800  }
0x43: {  	[spmem:s3] =	stream.indirect.scatter.add.f32 [tilespmem:s19], [sflag:$0x5], $0x80, s18, s13, $0xb8;
	[tilespmem:$0x18E00] =	vst v63  }
0x44: {  	_ =	swait.ge [sflag:s11], $0x2800  }
0x45: {  	[sflag:s11] =	ssyncset.done $0x0  }
0x46: {  	[sflag:s11] =	ssyncadd.s32 $0xFFFFD800  }
0x47: {  	_ =	swait.ge [sflag:s20], $0x2800  }
0x48: {  	[sflag:s20] =	ssyncset.done $0x0  }
0x49: {  	[sflag:s20] =	ssyncadd.s32 $0xFFFFD800  }
0x4a: {  	[spmem:s3] =	stream.indirect.scatter.add.f32 [tilespmem:s14], [sflag:$0x5], $0x80, s21, s13, $0xb8;
	[tilespmem:$0x18E00] =	vst v63  }
0x4b: {  	_ =	swait.ge [sflag:s11], $0x2800  }
0x4c: {  	s22 =	sadd.s32 $0x1, s22;
	[sflag:s11] =	ssyncset.done $0x0  }
0x4d: {  	p0 =	sne.s32 s22, s9;
	[sflag:s11] =	ssyncadd.s32 $0xFFFFD800  }
.Ltmp1:
0x4e: {  	[bflag:$0x0] =	sbarrier.arrive $0xFFFF;
	(pc) =	sbr.rel @p0 .LBB2_1-.Ltmp1, $4  }
0x4f: {  	[hbm:s8], [sflag:s15] =	dma.local [spmem:s16], $0x2780  }
0x50: {  	_ =	swait.ge [sflag:s11], $0x2780  }
0x51: {  	[sflag:s11] =	ssyncset.done $0x0  }
0x52: {  	[sflag:s11] =	ssyncadd.s32 $0xFFFFD880  }
0x53: {  	_ =	sfence.sel $0x180000  }
0x54: {  	[bflag:$0x0] =	sbarrier.arrive $0xFFFF  }
0x55: {  	_ =	strace $0x9000004A  }
0x56: {  	s0 =	stileid.u32;
	[bflag:$0x2] =	sbarrier.arrive $0xFFFF  }
0x57: {  	p0 =	sne.s32 s0, $0x0;
	s0 =	rddreg [dreg:$0x3]  }
0x58: {  	s0 =	sadd.s32 @!p0 $0x100000, s0  }
0x59: {  	[sflag:s0] =	ssyncadd.tile.s32 @!p0 $0x1;
	_ =	shalt  }
.Lfunc_end2:
_tile_overlayer_lowered:
.L_overlay_start_2:
0x5a: {  	(tag) =	ssettag $0x2  }
0x5b: {  	s0 =	rddreg [dreg:$0x0];
	s2 =	stileid.u32  }
0x5c: {  	s1 =	rddreg [dreg:$0x1];
	p0 =	sne.s32 s2, $0x0  }
0x5d: {  	s3 =	rddreg [dreg:$0x2];
	[bflag:$0x3] =	sbarrier.arrive $0xFFFF;
	s2 =	simm.s32 @!p0 $0x1C05  }
0x5e: {  	[timem:s3], [sflag:s2] =	dma.local @!p0 [hbm:s0], s1  }
0x5f: {  	s0 =	simm.s32 @!p0 $0x5  }
0x60: {  	_ =	swait.ge @!p0 [sflag:s0], s1  }
0x61: {  	s1 =	ssub.s32 @!p0 $0x0, s1;
	[sflag:s0] =	ssyncset.done @!p0 $0x0  }
0x62: {  	[sflag:s0] =	ssyncadd.s32 @!p0 s1  }
0x63: {  	[bflag:$0x3] =	sbarrier.arrive $0xFFFF  }
0x64: {  	_ =	shalt  }

// kernel: kernel.19.cloned.1.call-start
scs
__scs_entry_jumppad:
0x0: {  	(pc) =	sbr.rel $0x88, $3  }
0x1: {  	(tag) =	ssettag $0x0;
	lr =	simm.s32 $0x1  }
0x2: {  	[smem:$0x3F97] =	sst lr;
	_ =	strace $0xD0000000  }
0x3: {  	_ = 	snop  }
0x4: {  	_ = 	snop  }
0x5: {  	_ = 	snop  }
0x6: {  	_ = 	snop  }
0x7: {  	_ = 	snop  }
__scs_overlays_trampoline_lowered:
0x8: {  	[smem:$0x3FA6] =	sst s0  }
0x9: {  	[smem:$0x3FA7] =	sst s1  }
0xa: {  	[smem:$0x3FA8] =	sst s2  }
0xb: {  	[smem:$0x3FA9] =	sst s3  }
0xc: {  	[smem:$0x3FAA] =	sst s4  }
0xd: {  	[smem:$0x3FAB] =	sst s5  }
0xe: {  	[smem:$0x3FAC] =	sst s6  }
0xf: {  	[smem:$0x3FAD] =	sst s7  }
0x10: {  	[smem:$0x3FAE] =	sst s8  }
0x11: {  	[smem:$0x3FAF] =	sst s9;
	s0 =	simm.s32 @!p0 $0x0  }
0x12: {  	s1 =	sld [smem:$0x3F95];
	s0 =	simm.s32 @p0 $0x1  }
0x13: {  	[smem:$0x3FB0] =	sst s0;
	s0 =	simm.s32 @!p1 $0x0  }
0x14: {  	s2 =	sld [smem:$0x3F94];
	s0 =	simm.s32 @p1 $0x1  }
0x15: {  	[smem:$0x3FB1] =	sst s0;
	s0 =	simm.s32 @!p2 $0x0  }
0x16: {  	s3 =	sld [smem:$0x3FDB];
	s0 =	simm.s32 @p2 $0x1  }
0x17: {  	s4 =	simm.s32 $0x1BF5;
	[smem:$0x3FB3] =	sst s0  }
0x18: {  	s0 =	sld [smem:$0x3F96];
	_ =	swait.ge [sflag:s4], $0x0  }
0x19: {  	s7 =	sld [smem:$0x3F97]  }
0x1a: {  	s8 =	sadd.s32 $0xFFFFE003, lr  }
0x1b: {  	s9 =	sadd.s32 $0xFFFFFEF7, lr;
	s5 =	simm.s32 $0xFFFFFFFF;
	p2 =	slt.u32 s8, $0xFFFFF086  }
0x1c: {  	p1 =	slt.u32 s9, $0xF7A;
	s5 =	simm.s32 @!p2 $0x0  }
0x1d: {  	s5 =	simm.s32 @p1 $0x1;
	p0 =	seq.s32 s7, s2  }
0x1e: {  	s7 =	smul.u32 @!p0 $0xF7A, s2;
	p2 =	seq.s32 @!p0 s5, $0x0  }
0x1f: {  	s9 =	smul.u32 $0xF7A, s1;
	s8 =	simm.s32 @!p0 $0x1BF5;
	p2 =	por !p2, p0  }
0x20: {  	[sflag:s8] =	ssyncset.s32 @!p0 $0xFFFFF086;
	s6 =	sadd.s32 @!p0 s3, s7;
	s7 =	simm.s32 @!p0 $0x108  }
0x21: {  	s3 =	sadd.s32 s3, s9;
	s6 =	sadd.s32 @!p0 $0x88, s6;
	s7 =	simm.s32 @p2 $0x1082  }
0x22: {  	[simem:s7], [sflag:s8] =	dma.local @!p0 [hbm:s6], $0xF7A  }
0x23: {  	s9 =	sor.u32 $0xD0000000, s2;
	s6 =	simm.s32 $0x108;
	_ =	swait.ge @!p0 [sflag:s8], $0x0  }
0x24: {  	s3 =	sadd.s32 $0x88, s3;
	s6 =	simm.s32 @!p1 $0x1082;
	[sflag:s4] =	ssyncset.s32 $0xFFFFF086  }
0x25: {  	[simem:s6], [sflag:s4] =	dma.local [hbm:s3], $0xF7A  }
0x26: {  	[smem:$0x3F97] =	sst s1;
	(tag) =	ssettag s2;
	_ =	strace s9  }
0x27: {  	s1 =	sld [smem:$0x3FA7]  }
0x28: {  	s2 =	sld [smem:$0x3FA8]  }
0x29: {  	s4 =	sld [smem:$0x3FAA]  }
0x2a: {  	p0 =	seq.s32 s5, $0x0;
	s5 =	sld [smem:$0x3FAB]  }
0x2b: {  	s6 =	sld [smem:$0x3FAC]  }
0x2c: {  	s7 =	sld [smem:$0x3FAD]  }
0x2d: {  	s3 =	simm.s32 $0x108;
	s8 =	sld [smem:$0x3FAE]  }
0x2e: {  	s3 =	simm.s32 @!p0 $0x1082;
	s9 =	sld [smem:$0x3FAF]  }
0x2f: {  	lr =	sadd.s32 s0, s3;
	s0 =	sld [smem:$0x3FA6]  }
0x30: {  	s3 =	sld [smem:$0x3FA9]  }
0x31: {  	[smem:$0x3FB2] =	sst s10  }
0x32: {  	s10 =	sld [smem:$0x3FB0];
	_ =	sdelay $0x3  }
0x33: {  	p0 =	seq.s32 s10, $0x1;
	s10 =	sld [smem:$0x3FB2];
	_ =	sdelay $0x3  }
0x34: {  	[smem:$0x3FB2] =	sst s10  }
0x35: {  	s10 =	sld [smem:$0x3FB1];
	_ =	sdelay $0x3  }
0x36: {  	p1 =	seq.s32 s10, $0x1;
	s10 =	sld [smem:$0x3FB2];
	_ =	sdelay $0x3  }
0x37: {  	[smem:$0x3FB2] =	sst s10  }
0x38: {  	s10 =	sld [smem:$0x3FB3]  }
0x39: {  	_ = 	snop;
	(pc) =	sbr.ind lr, $3  }
0x3a: {  	_ = 	snop  }
0x3b: {  	_ = 	snop  }
0x3c: {  	p2 =	seq.s32 s10, $0x1;
	s10 =	sld [smem:$0x3FB2]  }
0x3d: {  	_ =	shalt  }
0x3e: {  	_ =	shalt  }
0x3f: {  	_ =	shalt  }
0x40: {  	_ =	shalt  }
0x41: {  	_ =	shalt  }
0x42: {  	_ =	shalt  }
0x43: {  	_ =	shalt  }
0x44: {  	_ =	shalt  }
0x45: {  	_ =	shalt  }
0x46: {  	_ =	shalt  }
0x47: {  	_ =	shalt  }
0x48: {  	_ =	shalt  }
0x49: {  	_ =	shalt  }
0x4a: {  	_ =	shalt  }
0x4b: {  	_ =	shalt  }
0x4c: {  	_ =	shalt  }
0x4d: {  	_ =	shalt  }
0x4e: {  	_ =	shalt  }
0x4f: {  	_ =	shalt  }
0x50: {  	_ =	shalt  }
0x51: {  	_ =	shalt  }
0x52: {  	_ =	shalt  }
0x53: {  	_ =	shalt  }
0x54: {  	_ =	shalt  }
0x55: {  	_ =	shalt  }
0x56: {  	_ =	shalt  }
0x57: {  	_ =	shalt  }
0x58: {  	_ =	shalt  }
0x59: {  	_ =	shalt  }
0x5a: {  	_ =	shalt  }
0x5b: {  	_ =	shalt  }
0x5c: {  	_ =	shalt  }
0x5d: {  	_ =	shalt  }
0x5e: {  	_ =	shalt  }
0x5f: {  	_ =	shalt  }
0x60: {  	_ =	shalt  }
0x61: {  	_ =	shalt  }
0x62: {  	_ =	shalt  }
0x63: {  	_ =	shalt  }
0x64: {  	_ =	shalt  }
0x65: {  	_ =	shalt  }
0x66: {  	_ =	shalt  }
0x67: {  	_ =	shalt  }
0x68: {  	_ =	shalt  }
0x69: {  	_ =	shalt  }
0x6a: {  	_ =	shalt  }
0x6b: {  	_ =	shalt  }
0x6c: {  	_ =	shalt  }
0x6d: {  	_ =	shalt  }
0x6e: {  	_ =	shalt  }
0x6f: {  	_ =	shalt  }
0x70: {  	_ =	shalt  }
0x71: {  	_ =	shalt  }
0x72: {  	_ =	shalt  }
0x73: {  	_ =	shalt  }
0x74: {  	_ =	shalt  }
0x75: {  	_ =	shalt  }
0x76: {  	_ =	shalt  }
0x77: {  	_ =	shalt  }
0x78: {  	_ =	shalt  }
0x79: {  	_ =	shalt  }
0x7a: {  	_ =	shalt  }
0x7b: {  	_ =	shalt  }
0x7c: {  	_ =	shalt  }
0x7d: {  	_ =	shalt  }
0x7e: {  	_ =	shalt  }
0x7f: {  	_ =	shalt  }
0x80: {  	_ =	shalt  }
0x81: {  	_ =	shalt  }
0x82: {  	_ =	shalt  }
0x83: {  	_ =	shalt  }
0x84: {  	_ =	shalt  }
0x85: {  	_ =	shalt  }
0x86: {  	_ =	shalt  }
0x87: {  	_ =	shalt  }
.Lfunc_end0:
.L_simem_size_0:
called_computation.2_lowered:
.L_overlay_start_0:
0x88: {  	s2 =	sld [smem:$0x3FD9]  }
0x89: {  	s3 =	sld [smem:$0x3FFE];
	_ =	sdelay $0x1  }
0x8a: {  	s1 =	srdreg.scid  }
0x8b: {  	s0 =	sand.u32 $0x1, s1  }
0x8c: {  	s17 =	sshll.u32 s0, $0xA;
	s2 =	sadd.s32 s3, s2  }
0x8d: {  	s2 =	sadd.s32 s2, s17  }
0x8e: {  	[smem:$0x3FBE] =	sst s2  }
0x8f: {  	_ = 	snop  }
0x90: {  	s2 =	sld [smem:$0x3FD0];
	(tm) =	ssettm $0x1  }
0x91: {  	s18 =	sld [smem:$0x3FFB];
	_ =	sdelay $0x3  }
0x92: {  	_ =	strace s18  }
0x93: {  	s3 =	sld [smem:$0x3FFC];
	_ =	sdelay $0x3  }
0x94: {  	_ =	strace s3  }
0x95: {  	s3 =	sld [smem:$0x3FFD];
	_ =	sdelay $0x3  }
0x96: {  	_ =	strace s3  }
0x97: {  	_ =	strace $0x8FFFFFFF  }
0x98: {  	s19 =	sld [smem:$0x3FDB];
	_ =	sdelay $0x1  }
0x99: {  	s4 =	simm.s32 $_scs_section_size  }
0x9a: {  	s5 =	simm.s32 $_size__tile_overlayer_lowered;
	s6 =	simm.s32 $_tile_overlayer_lowered  }
0x9b: {  	s22 =	simm.s32 $0x1BFF;
	s21 =	sshll.u32 s6, $0x1;
	s3 =	sadd.s32 s4, s19  }
0x9c: {  	s7 =	simm.s32 $0x0;
	s20 =	sshll.u32 s5, $0x1;
	s5 =	sadd.s32 s21, s3  }
0x9d: {  	[timem:s7], [sflag:s22] =	dma.local [hbm:s5], s20  }
0x9e: {  	_ =	swait.ge [sflag:s22], s20  }
0x9f: {  	s4 =	ssub.s32 $0x0, s20;
	[sflag:s22] =	ssyncset.done $0x0  }
0xa0: {  	[sflag:s22] =	ssyncadd.s32 s4;
	_ =	sdelay $0x1  }
0xa1: {  	s23 =	simm.s32 $0x1B8B  }
0xa2: {  	_ =	swait.ge [sflag:s23], $0x1  }
0xa3: {  	[sflag:s23] =	ssyncset.done $0x0  }
0xa4: {  	s25 =	simm.s32 $0x1B8E;
	s24 =	sld [smem:$0x3FFE];
	[sflag:s23] =	ssyncadd.s32 $0xFFFFFFFF  }
0xa5: {  	s26 =	simm.s32 $execute0_lowered;
	[smem:$0x3FD2] =	sst s25  }
0xa6: {  	s5 =	sshll.u32 s26, $0x1;
	_ =	strace $0x8000004C;
	[dreg:$0x1] =	wrdreg $0xFFFFFFFF  }
0xa7: {  	s28 =	simm.s32 $_size_execute0_lowered;
	s3 =	sadd.s32 s3, s5;
	[dreg:$0x0] =	wrdreg $0x0  }
0xa8: {  	s5 =	sshll.u32 s28, $0x1;
	[dreg:$0x2] =	wrdreg s3  }
0xa9: {  	[dreg:$0x3] =	wrdreg s5  }
0xaa: {  	[dreg:$0x4] =	wrdreg $0xC0  }
0xab: {  	_ =	task [dreg:s7], $0x5FFFF  }
0xac: {  	[dreg:$0x1] =	wrdreg $0xFFFFFFFF  }
0xad: {  	[dreg:$0x0] =	wrdreg $0x60  }
0xae: {  	[dreg:$0x2] =	wrdreg s2  }
0xaf: {  	[dreg:$0x3] =	wrdreg s24  }
0xb0: {  	[dreg:$0x4] =	wrdreg $0x52000  }
0xb1: {  	[dreg:$0x5] =	wrdreg $0x9  }
0xb2: {  	_ =	task.clear_ibuf [dreg:s7], $0x6FFFF;
	_ =	strace $0x9000004C  }
0xb3: {  	s29 =	simm.s32 $0x9;
	_ =	strace $0x8000004E  }
0xb4: {  	_ =	swait.ge [sflag:s29], $0x1  }
0xb5: {  	[sflag:s29] =	ssyncadd.s32 $0xFFFFFFFF  }
0xb6: {  	_ =	strace $0x9000004E  }
0xb7: {  	_ =	sfence  }
0xb8: {  	s30 =	sld [smem:$0x0];
	_ =	sdelay $0x2  }
0xb9: {  	s31 =	sshll.u32 s1, $0xD;
	s1 =	sshrl.u32 s1, $0x2  }
0xba: {  	s3 =	sand.u32 $0x4000, s31;
	s1 =	sadd.s32 s1, s30  }
0xbb: {  	s0 =	sor.u32 s3, s0;
	s1 =	sshll.u32 s1, $0x11  }
0xbc: {  	s0 =	sor.u32 s1, s0  }
0xbd: {  	s0 =	sadd.s32 $0x8F2B, s0  }
0xbe: {  	[sflag:s0] =	ssyncadd.remote.s32 $0x1  }
0xbf: {  	_ =	sfence.sel $0xFFFF  }
0xc0: {  	[dreg:$0x0] =	wrdreg $0xFFFFFFFF;
	(pc) =	sbr.abs _section_cstart, $3  }
0xc1: {  	[dreg:$0x1] =	wrdreg $0xFFFFFFFF  }
0xc2: {  	_ =	task.clear_ibuf [dreg:s7], $0x2FFFF;
	_ =	strace $0x9FFFFFFF  }
0xc3: {  	(tm) =	ssettm $0x7FFFFFFF  }
tec
execute0_lowered:
.L_overlay_start_1:
0x0: {  	(tag) =	ssettag $0x1  }
0x1: {  	s1 =	rddreg [dreg:$0x0]  }
0x2: {  	s5 =	rddreg [dreg:$0x1]  }
0x3: {  	s3 =	rddreg [dreg:$0x2]  }
0x4: {  	s4 =	srdreg.scid;
	s0 =	stileid.u32;
	s17 =	simm.s32 $0x4  }
0x5: {  	s18 =	simm.s32 $0x180;
	s19 =	simm.s32 $0x2A00;
	s20 =	simm.s32 $0x3  }
0x6: {  	s21 =	simm.s32 $0x80;
	s22 =	simm.s32 $0x0;
	s7 =	smul.u32 $0x13C00, s0  }
0x7: {  	s6 =	sand.u32 $0x1, s4;
	s4 =	simm.s32 $0x0;
	s12 =	smul.u32 $0x4F000, s0  }
0x8: {  	s11 =	sadd.s32 $0x4A00, s5;
	s14 =	smul.u32 $0x7D00, s0;
	s31 =	sshll.u32 s0, $0x6  }
0x9: {  	s8 =	sshll.u32 s6, $0x4;
	[smem:$0x7FF] =	sst s4;
	s9 =	smul.u32 $0x13C000, s6  }
0xa: {  	s24 =	ssub.s32 $0x2, s6;
	s6 =	smul.u32 $0x7D000, s6;
	s8 =	sor.u32 s0, s8  }
0xb: {  	_ =	strace $0x8000004D;
	s10 =	sshrl.u32 s7, $0x3;
	s13 =	sshrl.u32 s24, $0x1  }
0xc: {  	s26 =	sshrl.u32 s12, $0x2;
	s12 =	simm.s32 $0x100;
	s8 =	smul.u32 $0x7D00, s8  }
0xd: {  	s10 =	sadd.s32 s10, s5;
	s7 =	sadd.s32 s7, s9;
	s9 =	ssub.s32 s24, s13  }
0xe: {  	s28 =	sadd.s32 s14, s6;
	s16 =	sadd.s32 s26, s3;
	s13 =	simm.s32 $0x50  }
0xf: {  	s14 =	simm.s32 $0x200;
	s7 =	sshrl.u32 s7, $0x3;
	s29 =	sadd.s32 $0x200, s28  }
0x10: {  	s9 =	smax.u32 s9, $0x1;
	s16 =	sshrl.u32 s16, $0x3;
	s15 =	sadd.s32 s7, s5  }
0x11: {  	s25 =	sshrl.u32 s8, $0x3;
	s7 =	sadd.s32 $0x23E00, s10;
	s30 =	sshrl.u32 s29, $0x3  }
0x12: {  	s5 =	sadd.s32 s11, s25;
	s8 =	sadd.s32 $0x4B600, s15;
	s10 =	sadd.s32 s30, s11  }
0x13: {  	s11 =	simm.s32 $0x5;
	s15 =	sor.u32 $0x1C05, s31;
	s6 =	sadd.s32 $0x20, s5  }
.LBB2_1:
0x14: {  	[tilespmem:s4], [sflag:$0x5] =	stream.linear.gather [hbm4b:s5+s4], $0x100, $0x38;
	[tilespmem:$0x18E00] =	vst v63  }
0x15: {  	_ =	swait.ge [sflag:s11], $0x100  }
0x16: {  	[sflag:s11] =	ssyncset.done $0x0  }
0x17: {  	[sflag:s11] =	ssyncadd.s32 $0xFFFFFF00  }
0x18: {  	[tilespmem:s12], [sflag:$0x2] =	stream.linear.gather [hbm4b:s6+s4], $0x100, $0x38;
	[tilespmem:$0x18E00] =	vst v63  }
0x19: {  	_ = 	snop  }
0x1a: {  	[tilespmem:s14], [sflag:$0x3] =	stream.indirect.gather [hbm4b:s1+s13], $0x80, s4, s13, $0xb8;
	[tilespmem:$0x18E00] =	vst v63  }
0x1b: {  	[spmem:s16], [sflag:s15] =	dma.local [hbm:s7], $0x2780  }
0x1c: {  	_ =	swait.ge [sflag:s11], $0x2780  }
0x1d: {  	s23 =	simm.s32 $0x1;
	[sflag:s11] =	ssyncset.done $0x0  }
0x1e: {  	s28 =	simm.s32 $0x0;
	s23 =	sand.u32 $0x1, s23;
	[sflag:s11] =	ssyncadd.s32 $0xFFFFD880  }
0x1f: {  	s24 =	sadd.s32 $0x1, s23;
	s25 =	smul.u32 $0xA000, s23;
	[bflag:$0x0] =	sbarrier.arrive $0xFFFF  }
0x20: {  	s28 =	sand.u32 $0x1, s28;
	_ =	swait.ge [sflag:s24], $0x100  }
0x21: {  	s26 =	sadd.s32 $0x3, s23;
	s25 =	sshrl.u32 s25, $0x2;
	[sflag:s24] =	ssyncset.done $0x0  }
0x22: {  	s23 =	sshll.u32 s23, $0x8;
	s25 =	sor.u32 $0x200, s25;
	[sflag:s24] =	ssyncadd.s32 $0xFFFFFF00  }
0x23: {  	[tilespmem:s25], [sflag:s26] =	stream.indirect.gather [hbm4b:s1+s13], $0x80, s23, s13, $0xb8;
	[tilespmem:$0x18E00] =	vst v63  }
0x24: {  	s30 =	smul.u32 $0xA000, s28;
	s26 =	sadd.s32 $0x3, s28  }
0x25: {  	_ =	swait.ge [sflag:s26], $0x2800  }
0x26: {  	s24 =	sshll.u32 s28, $0x8;
	s25 =	sshrl.u32 s30, $0x2;
	[sflag:s26] =	ssyncset.done $0x0  }
0x27: {  	s31 =	sor.u32 $0x80, s24;
	s25 =	sor.u32 $0x200, s25;
	[sflag:s26] =	ssyncadd.s32 $0xFFFFD800  }
0x28: {  	[spmem:s3] =	stream.indirect.scatter.add.f32 [tilespmem:s25], [sflag:$0x5], $0x80, s31, s13, $0xb8;
	[tilespmem:$0x18E00] =	vst v63  }
0x29: {  	s29 =	sadd.s32 $0x1, s28;
	s23 =	sadd.s32 $0x20, s10;
	_ =	swait.ge [sflag:s11], $0x2800  }
0x2a: {  	s28 =	smov.u32 s10;
	s25 =	simm.s32 $0x2;
	[sflag:s11] =	ssyncset.done $0x0  }
.LBB2_2:
0x2b: {  	s26 =	sand.u32 $0x1, s25;
	[sflag:s11] =	ssyncadd.s32 $0xFFFFD800  }
0x2c: {  	s30 =	smov.u32 s25;
	s31 =	sadd.s32 $0x1, s25;
	p0 =	sne.s32 s25, $0x7B  }
0x2d: {  	[tilespmem:s24], [sflag:s29] =	stream.linear.gather [hbm4b:s28+s4], $0x100, $0x38;
	[tilespmem:$0x18E00] =	vst v63  }
0x2e: {  	s24 =	sadd.s32 $0x1, s26;
	s28 =	smul.u32 $0xA000, s26;
	s29 =	sadd.s32 $0x3, s26  }
0x2f: {  	s30 =	sadd.s32 $0xFFFFFFFF, s30;
	s0 =	sshll.u32 s26, $0x8;
	_ =	swait.ge [sflag:s24], $0x100  }
0x30: {  	s2 =	sand.u32 $0x1, s30;
	s26 =	sshrl.u32 s28, $0x2;
	[sflag:s24] =	ssyncset.done $0x0  }
0x31: {  	[sflag:s24] =	ssyncadd.s32 $0xFFFFFF00;
	s24 =	sor.u32 $0x200, s26;
	s26 =	sadd.s32 $0x3, s2  }
0x32: {  	[tilespmem:s24], [sflag:s29] =	stream.indirect.gather [hbm4b:s1+s13], $0x80, s0, s13, $0xb8;
	[tilespmem:$0x18E00] =	vst v63  }
0x33: {  	s0 =	smul.u32 $0xA000, s2;
	s24 =	sshll.u32 s2, $0x8;
	_ =	swait.ge [sflag:s26], $0x2800  }
0x34: {  	s28 =	smov.u32 s23;
	s25 =	sor.u32 $0x80, s24;
	[sflag:s26] =	ssyncset.done $0x0  }
.Ltmp0:
0x35: {  	s0 =	sshrl.u32 s0, $0x2;
	[sflag:s26] =	ssyncadd.s32 $0xFFFFD800;
	(pc) =	sbr.rel @p0 .LBB2_2-.Ltmp0, $4  }
0x36: {  	s30 =	sor.u32 $0x200, s0  }
0x37: {  	[spmem:s3] =	stream.indirect.scatter.add.f32 [tilespmem:s30], [sflag:$0x5], $0x80, s25, s13, $0xb8;
	[tilespmem:$0x18E00] =	vst v63  }
0x38: {  	s23 =	sadd.s32 $0x20, s23;
	_ =	swait.ge [sflag:s11], $0x2800  }
0x39: {  	s29 =	sadd.s32 $0x1, s2;
	s25 =	smov.u32 s31;
	[sflag:s11] =	ssyncset.done $0x0  }
0x3a: {  	[sflag:s11] =	ssyncadd.s32 $0xFFFFD800  }
0x3b: {  	[tilespmem:s24], [sflag:s29] =	stream.linear.gather [hbm4b:s28+s4], $0x100, $0x38;
	[tilespmem:$0x18E00] =	vst v63  }
0x3c: {  	_ =	swait.ge [sflag:s29], $0x100  }
0x3d: {  	[sflag:s29] =	ssyncset.done $0x0  }
0x3e: {  	[sflag:s29] =	ssyncadd.s32 $0xFFFFFF00  }
0x3f: {  	[tilespmem:s30], [sflag:s26] =	stream.indirect.gather [hbm4b:s1+s13], $0x80, s24, s13, $0xb8;
	[tilespmem:$0x18E00] =	vst v63  }
0x40: {  	_ =	swait.ge [sflag:s17], $0x2800  }
0x41: {  	[sflag:s17] =	ssyncset.done $0x0  }
0x42: {  	[sflag:s17] =	ssyncadd.s32 $0xFFFFD800  }
0x43: {  	[spmem:s3] =	stream.indirect.scatter.add.f32 [tilespmem:s19], [sflag:$0x5], $0x80, s18, s13, $0xb8;
	[tilespmem:$0x18E00] =	vst v63  }
0x44: {  	_ =	swait.ge [sflag:s11], $0x2800  }
0x45: {  	[sflag:s11] =	ssyncset.done $0x0  }
0x46: {  	[sflag:s11] =	ssyncadd.s32 $0xFFFFD800  }
0x47: {  	_ =	swait.ge [sflag:s20], $0x2800  }
0x48: {  	[sflag:s20] =	ssyncset.done $0x0  }
0x49: {  	[sflag:s20] =	ssyncadd.s32 $0xFFFFD800  }
0x4a: {  	[spmem:s3] =	stream.indirect.scatter.add.f32 [tilespmem:s14], [sflag:$0x5], $0x80, s21, s13, $0xb8;
	[tilespmem:$0x18E00] =	vst v63  }
0x4b: {  	_ =	swait.ge [sflag:s11], $0x2800  }
0x4c: {  	s22 =	sadd.s32 $0x1, s22;
	[sflag:s11] =	ssyncset.done $0x0  }
0x4d: {  	p0 =	sne.s32 s22, s9;
	[sflag:s11] =	ssyncadd.s32 $0xFFFFD800  }
.Ltmp1:
0x4e: {  	[bflag:$0x0] =	sbarrier.arrive $0xFFFF;
	(pc) =	sbr.rel @p0 .LBB2_1-.Ltmp1, $4  }
0x4f: {  	[hbm:s8], [sflag:s15] =	dma.local [spmem:s16], $0x2780  }
0x50: {  	_ =	swait.ge [sflag:s11], $0x2780  }
0x51: {  	[sflag:s11] =	ssyncset.done $0x0  }
0x52: {  	[sflag:s11] =	ssyncadd.s32 $0xFFFFD880  }
0x53: {  	_ =	sfence.sel $0x180000  }
0x54: {  	[bflag:$0x0] =	sbarrier.arrive $0xFFFF  }
0x55: {  	_ =	strace $0x9000004D  }
0x56: {  	s0 =	stileid.u32;
	[bflag:$0x2] =	sbarrier.arrive $0xFFFF  }
0x57: {  	p0 =	sne.s32 s0, $0x0;
	s0 =	rddreg [dreg:$0x3]  }
0x58: {  	s0 =	sadd.s32 @!p0 $0x100000, s0  }
0x59: {  	[sflag:s0] =	ssyncadd.tile.s32 @!p0 $0x1;
	_ =	shalt  }
.Lfunc_end2:
_tile_overlayer_lowered:
.L_overlay_start_2:
0x5a: {  	(tag) =	ssettag $0x2  }
0x5b: {  	s0 =	rddreg [dreg:$0x0];
	s2 =	stileid.u32  }
0x5c: {  	s1 =	rddreg [dreg:$0x1];
	p0 =	sne.s32 s2, $0x0  }
0x5d: {  	s3 =	rddreg [dreg:$0x2];
	[bflag:$0x3] =	sbarrier.arrive $0xFFFF;
	s2 =	simm.s32 @!p0 $0x1C05  }
0x5e: {  	[timem:s3], [sflag:s2] =	dma.local @!p0 [hbm:s0], s1  }
0x5f: {  	s0 =	simm.s32 @!p0 $0x5  }
0x60: {  	_ =	swait.ge @!p0 [sflag:s0], s1  }
0x61: {  	s1 =	ssub.s32 @!p0 $0x0, s1;
	[sflag:s0] =	ssyncset.done @!p0 $0x0  }
0x62: {  	[sflag:s0] =	ssyncadd.s32 @!p0 s1  }
0x63: {  	[bflag:$0x3] =	sbarrier.arrive $0xFFFF  }
0x64: {  	_ =	shalt  }

// kernel: kernel.22.cloned.1.call-start
scs
__scs_entry_jumppad:
0x0: {  	(pc) =	sbr.rel $0x88, $3  }
0x1: {  	(tag) =	ssettag $0x0;
	lr =	simm.s32 $0x1  }
0x2: {  	[smem:$0x3F97] =	sst lr;
	_ =	strace $0xD0000000  }
0x3: {  	_ = 	snop  }
0x4: {  	_ = 	snop  }
0x5: {  	_ = 	snop  }
0x6: {  	_ = 	snop  }
0x7: {  	_ = 	snop  }
__scs_overlays_trampoline_lowered:
0x8: {  	[smem:$0x3FA6] =	sst s0  }
0x9: {  	[smem:$0x3FA7] =	sst s1  }
0xa: {  	[smem:$0x3FA8] =	sst s2  }
0xb: {  	[smem:$0x3FA9] =	sst s3  }
0xc: {  	[smem:$0x3FAA] =	sst s4  }
0xd: {  	[smem:$0x3FAB] =	sst s5  }
0xe: {  	[smem:$0x3FAC] =	sst s6  }
0xf: {  	[smem:$0x3FAD] =	sst s7  }
0x10: {  	[smem:$0x3FAE] =	sst s8  }
0x11: {  	[smem:$0x3FAF] =	sst s9;
	s0 =	simm.s32 @!p0 $0x0  }
0x12: {  	s1 =	sld [smem:$0x3F95];
	s0 =	simm.s32 @p0 $0x1  }
0x13: {  	[smem:$0x3FB0] =	sst s0;
	s0 =	simm.s32 @!p1 $0x0  }
0x14: {  	s2 =	sld [smem:$0x3F94];
	s0 =	simm.s32 @p1 $0x1  }
0x15: {  	[smem:$0x3FB1] =	sst s0;
	s0 =	simm.s32 @!p2 $0x0  }
0x16: {  	s3 =	sld [smem:$0x3FDB];
	s0 =	simm.s32 @p2 $0x1  }
0x17: {  	s4 =	simm.s32 $0x1BF5;
	[smem:$0x3FB3] =	sst s0  }
0x18: {  	s0 =	sld [smem:$0x3F96];
	_ =	swait.ge [sflag:s4], $0x0  }
0x19: {  	s7 =	sld [smem:$0x3F97]  }
0x1a: {  	s8 =	sadd.s32 $0xFFFFE003, lr  }
0x1b: {  	s9 =	sadd.s32 $0xFFFFFEF7, lr;
	s5 =	simm.s32 $0xFFFFFFFF;
	p2 =	slt.u32 s8, $0xFFFFF086  }
0x1c: {  	p1 =	slt.u32 s9, $0xF7A;
	s5 =	simm.s32 @!p2 $0x0  }
0x1d: {  	s5 =	simm.s32 @p1 $0x1;
	p0 =	seq.s32 s7, s2  }
0x1e: {  	s7 =	smul.u32 @!p0 $0xF7A, s2;
	p2 =	seq.s32 @!p0 s5, $0x0  }
0x1f: {  	s9 =	smul.u32 $0xF7A, s1;
	s8 =	simm.s32 @!p0 $0x1BF5;
	p2 =	por !p2, p0  }
0x20: {  	[sflag:s8] =	ssyncset.s32 @!p0 $0xFFFFF086;
	s6 =	sadd.s32 @!p0 s3, s7;
	s7 =	simm.s32 @!p0 $0x108  }
0x21: {  	s3 =	sadd.s32 s3, s9;
	s6 =	sadd.s32 @!p0 $0x88, s6;
	s7 =	simm.s32 @p2 $0x1082  }
0x22: {  	[simem:s7], [sflag:s8] =	dma.local @!p0 [hbm:s6], $0xF7A  }
0x23: {  	s9 =	sor.u32 $0xD0000000, s2;
	s6 =	simm.s32 $0x108;
	_ =	swait.ge @!p0 [sflag:s8], $0x0  }
0x24: {  	s3 =	sadd.s32 $0x88, s3;
	s6 =	simm.s32 @!p1 $0x1082;
	[sflag:s4] =	ssyncset.s32 $0xFFFFF086  }
0x25: {  	[simem:s6], [sflag:s4] =	dma.local [hbm:s3], $0xF7A  }
0x26: {  	[smem:$0x3F97] =	sst s1;
	(tag) =	ssettag s2;
	_ =	strace s9  }
0x27: {  	s1 =	sld [smem:$0x3FA7]  }
0x28: {  	s2 =	sld [smem:$0x3FA8]  }
0x29: {  	s4 =	sld [smem:$0x3FAA]  }
0x2a: {  	p0 =	seq.s32 s5, $0x0;
	s5 =	sld [smem:$0x3FAB]  }
0x2b: {  	s6 =	sld [smem:$0x3FAC]  }
0x2c: {  	s7 =	sld [smem:$0x3FAD]  }
0x2d: {  	s3 =	simm.s32 $0x108;
	s8 =	sld [smem:$0x3FAE]  }
0x2e: {  	s3 =	simm.s32 @!p0 $0x1082;
	s9 =	sld [smem:$0x3FAF]  }
0x2f: {  	lr =	sadd.s32 s0, s3;
	s0 =	sld [smem:$0x3FA6]  }
0x30: {  	s3 =	sld [smem:$0x3FA9]  }
0x31: {  	[smem:$0x3FB2] =	sst s10  }
0x32: {  	s10 =	sld [smem:$0x3FB0];
	_ =	sdelay $0x3  }
0x33: {  	p0 =	seq.s32 s10, $0x1;
	s10 =	sld [smem:$0x3FB2];
	_ =	sdelay $0x3  }
0x34: {  	[smem:$0x3FB2] =	sst s10  }
0x35: {  	s10 =	sld [smem:$0x3FB1];
	_ =	sdelay $0x3  }
0x36: {  	p1 =	seq.s32 s10, $0x1;
	s10 =	sld [smem:$0x3FB2];
	_ =	sdelay $0x3  }
0x37: {  	[smem:$0x3FB2] =	sst s10  }
0x38: {  	s10 =	sld [smem:$0x3FB3]  }
0x39: {  	_ = 	snop;
	(pc) =	sbr.ind lr, $3  }
0x3a: {  	_ = 	snop  }
0x3b: {  	_ = 	snop  }
0x3c: {  	p2 =	seq.s32 s10, $0x1;
	s10 =	sld [smem:$0x3FB2]  }
0x3d: {  	_ =	shalt  }
0x3e: {  	_ =	shalt  }
0x3f: {  	_ =	shalt  }
0x40: {  	_ =	shalt  }
0x41: {  	_ =	shalt  }
0x42: {  	_ =	shalt  }
0x43: {  	_ =	shalt  }
0x44: {  	_ =	shalt  }
0x45: {  	_ =	shalt  }
0x46: {  	_ =	shalt  }
0x47: {  	_ =	shalt  }
0x48: {  	_ =	shalt  }
0x49: {  	_ =	shalt  }
0x4a: {  	_ =	shalt  }
0x4b: {  	_ =	shalt  }
0x4c: {  	_ =	shalt  }
0x4d: {  	_ =	shalt  }
0x4e: {  	_ =	shalt  }
0x4f: {  	_ =	shalt  }
0x50: {  	_ =	shalt  }
0x51: {  	_ =	shalt  }
0x52: {  	_ =	shalt  }
0x53: {  	_ =	shalt  }
0x54: {  	_ =	shalt  }
0x55: {  	_ =	shalt  }
0x56: {  	_ =	shalt  }
0x57: {  	_ =	shalt  }
0x58: {  	_ =	shalt  }
0x59: {  	_ =	shalt  }
0x5a: {  	_ =	shalt  }
0x5b: {  	_ =	shalt  }
0x5c: {  	_ =	shalt  }
0x5d: {  	_ =	shalt  }
0x5e: {  	_ =	shalt  }
0x5f: {  	_ =	shalt  }
0x60: {  	_ =	shalt  }
0x61: {  	_ =	shalt  }
0x62: {  	_ =	shalt  }
0x63: {  	_ =	shalt  }
0x64: {  	_ =	shalt  }
0x65: {  	_ =	shalt  }
0x66: {  	_ =	shalt  }
0x67: {  	_ =	shalt  }
0x68: {  	_ =	shalt  }
0x69: {  	_ =	shalt  }
0x6a: {  	_ =	shalt  }
0x6b: {  	_ =	shalt  }
0x6c: {  	_ =	shalt  }
0x6d: {  	_ =	shalt  }
0x6e: {  	_ =	shalt  }
0x6f: {  	_ =	shalt  }
0x70: {  	_ =	shalt  }
0x71: {  	_ =	shalt  }
0x72: {  	_ =	shalt  }
0x73: {  	_ =	shalt  }
0x74: {  	_ =	shalt  }
0x75: {  	_ =	shalt  }
0x76: {  	_ =	shalt  }
0x77: {  	_ =	shalt  }
0x78: {  	_ =	shalt  }
0x79: {  	_ =	shalt  }
0x7a: {  	_ =	shalt  }
0x7b: {  	_ =	shalt  }
0x7c: {  	_ =	shalt  }
0x7d: {  	_ =	shalt  }
0x7e: {  	_ =	shalt  }
0x7f: {  	_ =	shalt  }
0x80: {  	_ =	shalt  }
0x81: {  	_ =	shalt  }
0x82: {  	_ =	shalt  }
0x83: {  	_ =	shalt  }
0x84: {  	_ =	shalt  }
0x85: {  	_ =	shalt  }
0x86: {  	_ =	shalt  }
0x87: {  	_ =	shalt  }
.Lfunc_end0:
.L_simem_size_0:
called_computation.3_lowered:
.L_overlay_start_0:
0x88: {  	s2 =	sld [smem:$0x3FD9]  }
0x89: {  	s3 =	sld [smem:$0x3FFE];
	_ =	sdelay $0x1  }
0x8a: {  	s1 =	srdreg.scid  }
0x8b: {  	s0 =	sand.u32 $0x1, s1  }
0x8c: {  	s17 =	sshll.u32 s0, $0xA;
	s2 =	sadd.s32 s3, s2  }
0x8d: {  	s2 =	sadd.s32 s2, s17  }
0x8e: {  	[smem:$0x3FBE] =	sst s2  }
0x8f: {  	_ = 	snop  }
0x90: {  	s2 =	sld [smem:$0x3FD0];
	(tm) =	ssettm $0x1  }
0x91: {  	s18 =	sld [smem:$0x3FFB];
	_ =	sdelay $0x3  }
0x92: {  	_ =	strace s18  }
0x93: {  	s3 =	sld [smem:$0x3FFC];
	_ =	sdelay $0x3  }
0x94: {  	_ =	strace s3  }
0x95: {  	s3 =	sld [smem:$0x3FFD];
	_ =	sdelay $0x3  }
0x96: {  	_ =	strace s3  }
0x97: {  	_ =	strace $0x8FFFFFFF  }
0x98: {  	s19 =	sld [smem:$0x3FDB];
	_ =	sdelay $0x1  }
0x99: {  	s4 =	simm.s32 $_scs_section_size  }
0x9a: {  	s5 =	simm.s32 $_size__tile_overlayer_lowered;
	s6 =	simm.s32 $_tile_overlayer_lowered  }
0x9b: {  	s22 =	simm.s32 $0x1BFF;
	s21 =	sshll.u32 s6, $0x1;
	s3 =	sadd.s32 s4, s19  }
0x9c: {  	s7 =	simm.s32 $0x0;
	s20 =	sshll.u32 s5, $0x1;
	s5 =	sadd.s32 s21, s3  }
0x9d: {  	[timem:s7], [sflag:s22] =	dma.local [hbm:s5], s20  }
0x9e: {  	_ =	swait.ge [sflag:s22], s20  }
0x9f: {  	s4 =	ssub.s32 $0x0, s20;
	[sflag:s22] =	ssyncset.done $0x0  }
0xa0: {  	[sflag:s22] =	ssyncadd.s32 s4;
	_ =	sdelay $0x1  }
0xa1: {  	s23 =	simm.s32 $0x1B8B  }
0xa2: {  	_ =	swait.ge [sflag:s23], $0x1  }
0xa3: {  	[sflag:s23] =	ssyncset.done $0x0  }
0xa4: {  	s25 =	simm.s32 $0x1B8E;
	s24 =	sld [smem:$0x3FFE];
	[sflag:s23] =	ssyncadd.s32 $0xFFFFFFFF  }
0xa5: {  	s26 =	simm.s32 $execute0_lowered;
	[smem:$0x3FD2] =	sst s25  }
0xa6: {  	s5 =	sshll.u32 s26, $0x1;
	_ =	strace $0x8000004F;
	[dreg:$0x1] =	wrdreg $0xFFFFFFFF  }
0xa7: {  	s28 =	simm.s32 $_size_execute0_lowered;
	s3 =	sadd.s32 s3, s5;
	[dreg:$0x0] =	wrdreg $0x0  }
0xa8: {  	s5 =	sshll.u32 s28, $0x1;
	[dreg:$0x2] =	wrdreg s3  }
0xa9: {  	[dreg:$0x3] =	wrdreg s5  }
0xaa: {  	[dreg:$0x4] =	wrdreg $0xC0  }
0xab: {  	_ =	task [dreg:s7], $0x5FFFF  }
0xac: {  	[dreg:$0x1] =	wrdreg $0xFFFFFFFF  }
0xad: {  	[dreg:$0x0] =	wrdreg $0x60  }
0xae: {  	[dreg:$0x2] =	wrdreg s2  }
0xaf: {  	[dreg:$0x3] =	wrdreg s24  }
0xb0: {  	[dreg:$0x4] =	wrdreg $0x52000  }
0xb1: {  	[dreg:$0x5] =	wrdreg $0x9  }
0xb2: {  	_ =	task.clear_ibuf [dreg:s7], $0x6FFFF;
	_ =	strace $0x9000004F  }
0xb3: {  	s29 =	simm.s32 $0x9;
	_ =	strace $0x80000051  }
0xb4: {  	_ =	swait.ge [sflag:s29], $0x1  }
0xb5: {  	[sflag:s29] =	ssyncadd.s32 $0xFFFFFFFF  }
0xb6: {  	_ =	strace $0x90000051  }
0xb7: {  	_ =	sfence  }
0xb8: {  	s30 =	sld [smem:$0x0];
	_ =	sdelay $0x2  }
0xb9: {  	s31 =	sshll.u32 s1, $0xD;
	s1 =	sshrl.u32 s1, $0x2  }
0xba: {  	s3 =	sand.u32 $0x4000, s31;
	s1 =	sadd.s32 s1, s30  }
0xbb: {  	s0 =	sor.u32 s3, s0;
	s1 =	sshll.u32 s1, $0x11  }
0xbc: {  	s0 =	sor.u32 s1, s0  }
0xbd: {  	s0 =	sadd.s32 $0x8F2B, s0  }
0xbe: {  	[sflag:s0] =	ssyncadd.remote.s32 $0x1  }
0xbf: {  	_ =	sfence.sel $0xFFFF  }
0xc0: {  	[dreg:$0x0] =	wrdreg $0xFFFFFFFF;
	(pc) =	sbr.abs _section_cstart, $3  }
0xc1: {  	[dreg:$0x1] =	wrdreg $0xFFFFFFFF  }
0xc2: {  	_ =	task.clear_ibuf [dreg:s7], $0x2FFFF;
	_ =	strace $0x9FFFFFFF  }
0xc3: {  	(tm) =	ssettm $0x7FFFFFFF  }
tec
execute0_lowered:
.L_overlay_start_1:
0x0: {  	(tag) =	ssettag $0x1  }
0x1: {  	s1 =	rddreg [dreg:$0x0]  }
0x2: {  	s5 =	rddreg [dreg:$0x1]  }
0x3: {  	s3 =	rddreg [dreg:$0x2]  }
0x4: {  	s4 =	srdreg.scid;
	s0 =	stileid.u32;
	s17 =	simm.s32 $0x4  }
0x5: {  	s18 =	simm.s32 $0x180;
	s19 =	simm.s32 $0x2A00;
	s20 =	simm.s32 $0x3  }
0x6: {  	s21 =	simm.s32 $0x80;
	s22 =	simm.s32 $0x0;
	s7 =	smul.u32 $0x13C00, s0  }
0x7: {  	s6 =	sand.u32 $0x1, s4;
	s4 =	simm.s32 $0x0;
	s12 =	smul.u32 $0x4F000, s0  }
0x8: {  	s11 =	sadd.s32 $0x4A00, s5;
	s14 =	smul.u32 $0x7D00, s0;
	s31 =	sshll.u32 s0, $0x6  }
0x9: {  	s8 =	sshll.u32 s6, $0x4;
	[smem:$0x7FF] =	sst s4;
	s9 =	smul.u32 $0x13C000, s6  }
0xa: {  	s24 =	ssub.s32 $0x2, s6;
	s6 =	smul.u32 $0x7D000, s6;
	s8 =	sor.u32 s0, s8  }
0xb: {  	_ =	strace $0x80000050;
	s10 =	sshrl.u32 s7, $0x3;
	s13 =	sshrl.u32 s24, $0x1  }
0xc: {  	s26 =	sshrl.u32 s12, $0x2;
	s12 =	simm.s32 $0x100;
	s8 =	smul.u32 $0x7D00, s8  }
0xd: {  	s10 =	sadd.s32 s10, s5;
	s7 =	sadd.s32 s7, s9;
	s9 =	ssub.s32 s24, s13  }
0xe: {  	s28 =	sadd.s32 s14, s6;
	s16 =	sadd.s32 s26, s3;
	s13 =	simm.s32 $0x50  }
0xf: {  	s14 =	simm.s32 $0x200;
	s7 =	sshrl.u32 s7, $0x3;
	s29 =	sadd.s32 $0x200, s28  }
0x10: {  	s9 =	smax.u32 s9, $0x1;
	s16 =	sshrl.u32 s16, $0x3;
	s15 =	sadd.s32 s7, s5  }
0x11: {  	s25 =	sshrl.u32 s8, $0x3;
	s7 =	sadd.s32 $0x23E00, s10;
	s30 =	sshrl.u32 s29, $0x3  }
0x12: {  	s5 =	sadd.s32 s11, s25;
	s8 =	sadd.s32 $0x4B600, s15;
	s10 =	sadd.s32 s30, s11  }
0x13: {  	s11 =	simm.s32 $0x5;
	s15 =	sor.u32 $0x1C05, s31;
	s6 =	sadd.s32 $0x20, s5  }
.LBB2_1:
0x14: {  	[tilespmem:s4], [sflag:$0x5] =	stream.linear.gather [hbm4b:s5+s4], $0x100, $0x38;
	[tilespmem:$0x18E00] =	vst v63  }
0x15: {  	_ =	swait.ge [sflag:s11], $0x100  }
0x16: {  	[sflag:s11] =	ssyncset.done $0x0  }
0x17: {  	[sflag:s11] =	ssyncadd.s32 $0xFFFFFF00  }
0x18: {  	[tilespmem:s12], [sflag:$0x2] =	stream.linear.gather [hbm4b:s6+s4], $0x100, $0x38;
	[tilespmem:$0x18E00] =	vst v63  }
0x19: {  	_ = 	snop  }
0x1a: {  	[tilespmem:s14], [sflag:$0x3] =	stream.indirect.gather [hbm4b:s1+s13], $0x80, s4, s13, $0xb8;
	[tilespmem:$0x18E00] =	vst v63  }
0x1b: {  	[spmem:s16], [sflag:s15] =	dma.local [hbm:s7], $0x2780  }
0x1c: {  	_ =	swait.ge [sflag:s11], $0x2780  }
0x1d: {  	s23 =	simm.s32 $0x1;
	[sflag:s11] =	ssyncset.done $0x0  }
0x1e: {  	s28 =	simm.s32 $0x0;
	s23 =	sand.u32 $0x1, s23;
	[sflag:s11] =	ssyncadd.s32 $0xFFFFD880  }
0x1f: {  	s24 =	sadd.s32 $0x1, s23;
	s25 =	smul.u32 $0xA000, s23;
	[bflag:$0x0] =	sbarrier.arrive $0xFFFF  }
0x20: {  	s28 =	sand.u32 $0x1, s28;
	_ =	swait.ge [sflag:s24], $0x100  }
0x21: {  	s26 =	sadd.s32 $0x3, s23;
	s25 =	sshrl.u32 s25, $0x2;
	[sflag:s24] =	ssyncset.done $0x0  }
0x22: {  	s23 =	sshll.u32 s23, $0x8;
	s25 =	sor.u32 $0x200, s25;
	[sflag:s24] =	ssyncadd.s32 $0xFFFFFF00  }
0x23: {  	[tilespmem:s25], [sflag:s26] =	stream.indirect.gather [hbm4b:s1+s13], $0x80, s23, s13, $0xb8;
	[tilespmem:$0x18E00] =	vst v63  }
0x24: {  	s30 =	smul.u32 $0xA000, s28;
	s26 =	sadd.s32 $0x3, s28  }
0x25: {  	_ =	swait.ge [sflag:s26], $0x2800  }
0x26: {  	s24 =	sshll.u32 s28, $0x8;
	s25 =	sshrl.u32 s30, $0x2;
	[sflag:s26] =	ssyncset.done $0x0  }
0x27: {  	s31 =	sor.u32 $0x80, s24;
	s25 =	sor.u32 $0x200, s25;
	[sflag:s26] =	ssyncadd.s32 $0xFFFFD800  }
0x28: {  	[spmem:s3] =	stream.indirect.scatter.add.f32 [tilespmem:s25], [sflag:$0x5], $0x80, s31, s13, $0xb8;
	[tilespmem:$0x18E00] =	vst v63  }
0x29: {  	s29 =	sadd.s32 $0x1, s28;
	s23 =	sadd.s32 $0x20, s10;
	_ =	swait.ge [sflag:s11], $0x2800  }
0x2a: {  	s28 =	smov.u32 s10;
	s25 =	simm.s32 $0x2;
	[sflag:s11] =	ssyncset.done $0x0  }
.LBB2_2:
0x2b: {  	s26 =	sand.u32 $0x1, s25;
	[sflag:s11] =	ssyncadd.s32 $0xFFFFD800  }
0x2c: {  	s30 =	smov.u32 s25;
	s31 =	sadd.s32 $0x1, s25;
	p0 =	sne.s32 s25, $0x7B  }
0x2d: {  	[tilespmem:s24], [sflag:s29] =	stream.linear.gather [hbm4b:s28+s4], $0x100, $0x38;
	[tilespmem:$0x18E00] =	vst v63  }
0x2e: {  	s24 =	sadd.s32 $0x1, s26;
	s28 =	smul.u32 $0xA000, s26;
	s29 =	sadd.s32 $0x3, s26  }
0x2f: {  	s30 =	sadd.s32 $0xFFFFFFFF, s30;
	s0 =	sshll.u32 s26, $0x8;
	_ =	swait.ge [sflag:s24], $0x100  }
0x30: {  	s2 =	sand.u32 $0x1, s30;
	s26 =	sshrl.u32 s28, $0x2;
	[sflag:s24] =	ssyncset.done $0x0  }
0x31: {  	[sflag:s24] =	ssyncadd.s32 $0xFFFFFF00;
	s24 =	sor.u32 $0x200, s26;
	s26 =	sadd.s32 $0x3, s2  }
0x32: {  	[tilespmem:s24], [sflag:s29] =	stream.indirect.gather [hbm4b:s1+s13], $0x80, s0, s13, $0xb8;
	[tilespmem:$0x18E00] =	vst v63  }
0x33: {  	s0 =	smul.u32 $0xA000, s2;
	s24 =	sshll.u32 s2, $0x8;
	_ =	swait.ge [sflag:s26], $0x2800  }
0x34: {  	s28 =	smov.u32 s23;
	s25 =	sor.u32 $0x80, s24;
	[sflag:s26] =	ssyncset.done $0x0  }
.Ltmp0:
0x35: {  	s0 =	sshrl.u32 s0, $0x2;
	[sflag:s26] =	ssyncadd.s32 $0xFFFFD800;
	(pc) =	sbr.rel @p0 .LBB2_2-.Ltmp0, $4  }
0x36: {  	s30 =	sor.u32 $0x200, s0  }
0x37: {  	[spmem:s3] =	stream.indirect.scatter.add.f32 [tilespmem:s30], [sflag:$0x5], $0x80, s25, s13, $0xb8;
	[tilespmem:$0x18E00] =	vst v63  }
0x38: {  	s23 =	sadd.s32 $0x20, s23;
	_ =	swait.ge [sflag:s11], $0x2800  }
0x39: {  	s29 =	sadd.s32 $0x1, s2;
	s25 =	smov.u32 s31;
	[sflag:s11] =	ssyncset.done $0x0  }
0x3a: {  	[sflag:s11] =	ssyncadd.s32 $0xFFFFD800  }
0x3b: {  	[tilespmem:s24], [sflag:s29] =	stream.linear.gather [hbm4b:s28+s4], $0x100, $0x38;
	[tilespmem:$0x18E00] =	vst v63  }
0x3c: {  	_ =	swait.ge [sflag:s29], $0x100  }
0x3d: {  	[sflag:s29] =	ssyncset.done $0x0  }
0x3e: {  	[sflag:s29] =	ssyncadd.s32 $0xFFFFFF00  }
0x3f: {  	[tilespmem:s30], [sflag:s26] =	stream.indirect.gather [hbm4b:s1+s13], $0x80, s24, s13, $0xb8;
	[tilespmem:$0x18E00] =	vst v63  }
0x40: {  	_ =	swait.ge [sflag:s17], $0x2800  }
0x41: {  	[sflag:s17] =	ssyncset.done $0x0  }
0x42: {  	[sflag:s17] =	ssyncadd.s32 $0xFFFFD800  }
0x43: {  	[spmem:s3] =	stream.indirect.scatter.add.f32 [tilespmem:s19], [sflag:$0x5], $0x80, s18, s13, $0xb8;
	[tilespmem:$0x18E00] =	vst v63  }
0x44: {  	_ =	swait.ge [sflag:s11], $0x2800  }
0x45: {  	[sflag:s11] =	ssyncset.done $0x0  }
0x46: {  	[sflag:s11] =	ssyncadd.s32 $0xFFFFD800  }
0x47: {  	_ =	swait.ge [sflag:s20], $0x2800  }
0x48: {  	[sflag:s20] =	ssyncset.done $0x0  }
0x49: {  	[sflag:s20] =	ssyncadd.s32 $0xFFFFD800  }
0x4a: {  	[spmem:s3] =	stream.indirect.scatter.add.f32 [tilespmem:s14], [sflag:$0x5], $0x80, s21, s13, $0xb8;
	[tilespmem:$0x18E00] =	vst v63  }
0x4b: {  	_ =	swait.ge [sflag:s11], $0x2800  }
0x4c: {  	s22 =	sadd.s32 $0x1, s22;
	[sflag:s11] =	ssyncset.done $0x0  }
0x4d: {  	p0 =	sne.s32 s22, s9;
	[sflag:s11] =	ssyncadd.s32 $0xFFFFD800  }
.Ltmp1:
0x4e: {  	[bflag:$0x0] =	sbarrier.arrive $0xFFFF;
	(pc) =	sbr.rel @p0 .LBB2_1-.Ltmp1, $4  }
0x4f: {  	[hbm:s8], [sflag:s15] =	dma.local [spmem:s16], $0x2780  }
0x50: {  	_ =	swait.ge [sflag:s11], $0x2780  }
0x51: {  	[sflag:s11] =	ssyncset.done $0x0  }
0x52: {  	[sflag:s11] =	ssyncadd.s32 $0xFFFFD880  }
0x53: {  	_ =	sfence.sel $0x180000  }
0x54: {  	[bflag:$0x0] =	sbarrier.arrive $0xFFFF  }
0x55: {  	_ =	strace $0x90000050  }
0x56: {  	s0 =	stileid.u32;
	[bflag:$0x2] =	sbarrier.arrive $0xFFFF  }
0x57: {  	p0 =	sne.s32 s0, $0x0;
	s0 =	rddreg [dreg:$0x3]  }
0x58: {  	s0 =	sadd.s32 @!p0 $0x100000, s0  }
0x59: {  	[sflag:s0] =	ssyncadd.tile.s32 @!p0 $0x1;
	_ =	shalt  }
.Lfunc_end2:
_tile_overlayer_lowered:
.L_overlay_start_2:
0x5a: {  	(tag) =	ssettag $0x2  }
0x5b: {  	s0 =	rddreg [dreg:$0x0];
	s2 =	stileid.u32  }
0x5c: {  	s1 =	rddreg [dreg:$0x1];
	p0 =	sne.s32 s2, $0x0  }
0x5d: {  	s3 =	rddreg [dreg:$0x2];
	[bflag:$0x3] =	sbarrier.arrive $0xFFFF;
	s2 =	simm.s32 @!p0 $0x1C05  }
0x5e: {  	[timem:s3], [sflag:s2] =	dma.local @!p0 [hbm:s0], s1  }
0x5f: {  	s0 =	simm.s32 @!p0 $0x5  }
0x60: {  	_ =	swait.ge @!p0 [sflag:s0], s1  }
0x61: {  	s1 =	ssub.s32 @!p0 $0x0, s1;
	[sflag:s0] =	ssyncset.done @!p0 $0x0  }
0x62: {  	[sflag:s0] =	ssyncadd.s32 @!p0 s1  }
0x63: {  	[bflag:$0x3] =	sbarrier.arrive $0xFFFF  }
0x64: {  	_ =	shalt  }

// kernel: kernel.25.cloned.1.call-start
scs
__scs_entry_jumppad:
0x0: {  	(pc) =	sbr.rel $0x88, $3  }
0x1: {  	(tag) =	ssettag $0x0;
	lr =	simm.s32 $0x1  }
0x2: {  	[smem:$0x3F97] =	sst lr;
	_ =	strace $0xD0000000  }
0x3: {  	_ = 	snop  }
0x4: {  	_ = 	snop  }
0x5: {  	_ = 	snop  }
0x6: {  	_ = 	snop  }
0x7: {  	_ = 	snop  }
__scs_overlays_trampoline_lowered:
0x8: {  	[smem:$0x3FA6] =	sst s0  }
0x9: {  	[smem:$0x3FA7] =	sst s1  }
0xa: {  	[smem:$0x3FA8] =	sst s2  }
0xb: {  	[smem:$0x3FA9] =	sst s3  }
0xc: {  	[smem:$0x3FAA] =	sst s4  }
0xd: {  	[smem:$0x3FAB] =	sst s5  }
0xe: {  	[smem:$0x3FAC] =	sst s6  }
0xf: {  	[smem:$0x3FAD] =	sst s7  }
0x10: {  	[smem:$0x3FAE] =	sst s8  }
0x11: {  	[smem:$0x3FAF] =	sst s9;
	s0 =	simm.s32 @!p0 $0x0  }
0x12: {  	s1 =	sld [smem:$0x3F95];
	s0 =	simm.s32 @p0 $0x1  }
0x13: {  	[smem:$0x3FB0] =	sst s0;
	s0 =	simm.s32 @!p1 $0x0  }
0x14: {  	s2 =	sld [smem:$0x3F94];
	s0 =	simm.s32 @p1 $0x1  }
0x15: {  	[smem:$0x3FB1] =	sst s0;
	s0 =	simm.s32 @!p2 $0x0  }
0x16: {  	s3 =	sld [smem:$0x3FDB];
	s0 =	simm.s32 @p2 $0x1  }
0x17: {  	s4 =	simm.s32 $0x1BF5;
	[smem:$0x3FB3] =	sst s0  }
0x18: {  	s0 =	sld [smem:$0x3F96];
	_ =	swait.ge [sflag:s4], $0x0  }
0x19: {  	s7 =	sld [smem:$0x3F97]  }
0x1a: {  	s8 =	sadd.s32 $0xFFFFE003, lr  }
0x1b: {  	s9 =	sadd.s32 $0xFFFFFEF7, lr;
	s5 =	simm.s32 $0xFFFFFFFF;
	p2 =	slt.u32 s8, $0xFFFFF086  }
0x1c: {  	p1 =	slt.u32 s9, $0xF7A;
	s5 =	simm.s32 @!p2 $0x0  }
0x1d: {  	s5 =	simm.s32 @p1 $0x1;
	p0 =	seq.s32 s7, s2  }
0x1e: {  	s7 =	smul.u32 @!p0 $0xF7A, s2;
	p2 =	seq.s32 @!p0 s5, $0x0  }
0x1f: {  	s9 =	smul.u32 $0xF7A, s1;
	s8 =	simm.s32 @!p0 $0x1BF5;
	p2 =	por !p2, p0  }
0x20: {  	[sflag:s8] =	ssyncset.s32 @!p0 $0xFFFFF086;
	s6 =	sadd.s32 @!p0 s3, s7;
	s7 =	simm.s32 @!p0 $0x108  }
0x21: {  	s3 =	sadd.s32 s3, s9;
	s6 =	sadd.s32 @!p0 $0x88, s6;
	s7 =	simm.s32 @p2 $0x1082  }
0x22: {  	[simem:s7], [sflag:s8] =	dma.local @!p0 [hbm:s6], $0xF7A  }
0x23: {  	s9 =	sor.u32 $0xD0000000, s2;
	s6 =	simm.s32 $0x108;
	_ =	swait.ge @!p0 [sflag:s8], $0x0  }
0x24: {  	s3 =	sadd.s32 $0x88, s3;
	s6 =	simm.s32 @!p1 $0x1082;
	[sflag:s4] =	ssyncset.s32 $0xFFFFF086  }
0x25: {  	[simem:s6], [sflag:s4] =	dma.local [hbm:s3], $0xF7A  }
0x26: {  	[smem:$0x3F97] =	sst s1;
	(tag) =	ssettag s2;
	_ =	strace s9  }
0x27: {  	s1 =	sld [smem:$0x3FA7]  }
0x28: {  	s2 =	sld [smem:$0x3FA8]  }
0x29: {  	s4 =	sld [smem:$0x3FAA]  }
0x2a: {  	p0 =	seq.s32 s5, $0x0;
	s5 =	sld [smem:$0x3FAB]  }
0x2b: {  	s6 =	sld [smem:$0x3FAC]  }
0x2c: {  	s7 =	sld [smem:$0x3FAD]  }
0x2d: {  	s3 =	simm.s32 $0x108;
	s8 =	sld [smem:$0x3FAE]  }
0x2e: {  	s3 =	simm.s32 @!p0 $0x1082;
	s9 =	sld [smem:$0x3FAF]  }
0x2f: {  	lr =	sadd.s32 s0, s3;
	s0 =	sld [smem:$0x3FA6]  }
0x30: {  	s3 =	sld [smem:$0x3FA9]  }
0x31: {  	[smem:$0x3FB2] =	sst s10  }
0x32: {  	s10 =	sld [smem:$0x3FB0];
	_ =	sdelay $0x3  }
0x33: {  	p0 =	seq.s32 s10, $0x1;
	s10 =	sld [smem:$0x3FB2];
	_ =	sdelay $0x3  }
0x34: {  	[smem:$0x3FB2] =	sst s10  }
0x35: {  	s10 =	sld [smem:$0x3FB1];
	_ =	sdelay $0x3  }
0x36: {  	p1 =	seq.s32 s10, $0x1;
	s10 =	sld [smem:$0x3FB2];
	_ =	sdelay $0x3  }
0x37: {  	[smem:$0x3FB2] =	sst s10  }
0x38: {  	s10 =	sld [smem:$0x3FB3]  }
0x39: {  	_ = 	snop;
	(pc) =	sbr.ind lr, $3  }
0x3a: {  	_ = 	snop  }
0x3b: {  	_ = 	snop  }
0x3c: {  	p2 =	seq.s32 s10, $0x1;
	s10 =	sld [smem:$0x3FB2]  }
0x3d: {  	_ =	shalt  }
0x3e: {  	_ =	shalt  }
0x3f: {  	_ =	shalt  }
0x40: {  	_ =	shalt  }
0x41: {  	_ =	shalt  }
0x42: {  	_ =	shalt  }
0x43: {  	_ =	shalt  }
0x44: {  	_ =	shalt  }
0x45: {  	_ =	shalt  }
0x46: {  	_ =	shalt  }
0x47: {  	_ =	shalt  }
0x48: {  	_ =	shalt  }
0x49: {  	_ =	shalt  }
0x4a: {  	_ =	shalt  }
0x4b: {  	_ =	shalt  }
0x4c: {  	_ =	shalt  }
0x4d: {  	_ =	shalt  }
0x4e: {  	_ =	shalt  }
0x4f: {  	_ =	shalt  }
0x50: {  	_ =	shalt  }
0x51: {  	_ =	shalt  }
0x52: {  	_ =	shalt  }
0x53: {  	_ =	shalt  }
0x54: {  	_ =	shalt  }
0x55: {  	_ =	shalt  }
0x56: {  	_ =	shalt  }
0x57: {  	_ =	shalt  }
0x58: {  	_ =	shalt  }
0x59: {  	_ =	shalt  }
0x5a: {  	_ =	shalt  }
0x5b: {  	_ =	shalt  }
0x5c: {  	_ =	shalt  }
0x5d: {  	_ =	shalt  }
0x5e: {  	_ =	shalt  }
0x5f: {  	_ =	shalt  }
0x60: {  	_ =	shalt  }
0x61: {  	_ =	shalt  }
0x62: {  	_ =	shalt  }
0x63: {  	_ =	shalt  }
0x64: {  	_ =	shalt  }
0x65: {  	_ =	shalt  }
0x66: {  	_ =	shalt  }
0x67: {  	_ =	shalt  }
0x68: {  	_ =	shalt  }
0x69: {  	_ =	shalt  }
0x6a: {  	_ =	shalt  }
0x6b: {  	_ =	shalt  }
0x6c: {  	_ =	shalt  }
0x6d: {  	_ =	shalt  }
0x6e: {  	_ =	shalt  }
0x6f: {  	_ =	shalt  }
0x70: {  	_ =	shalt  }
0x71: {  	_ =	shalt  }
0x72: {  	_ =	shalt  }
0x73: {  	_ =	shalt  }
0x74: {  	_ =	shalt  }
0x75: {  	_ =	shalt  }
0x76: {  	_ =	shalt  }
0x77: {  	_ =	shalt  }
0x78: {  	_ =	shalt  }
0x79: {  	_ =	shalt  }
0x7a: {  	_ =	shalt  }
0x7b: {  	_ =	shalt  }
0x7c: {  	_ =	shalt  }
0x7d: {  	_ =	shalt  }
0x7e: {  	_ =	shalt  }
0x7f: {  	_ =	shalt  }
0x80: {  	_ =	shalt  }
0x81: {  	_ =	shalt  }
0x82: {  	_ =	shalt  }
0x83: {  	_ =	shalt  }
0x84: {  	_ =	shalt  }
0x85: {  	_ =	shalt  }
0x86: {  	_ =	shalt  }
0x87: {  	_ =	shalt  }
.Lfunc_end0:
.L_simem_size_0:
called_computation.4_lowered:
.L_overlay_start_0:
0x88: {  	s2 =	sld [smem:$0x3FD9]  }
0x89: {  	s3 =	sld [smem:$0x3FFE];
	_ =	sdelay $0x1  }
0x8a: {  	s1 =	srdreg.scid  }
0x8b: {  	s0 =	sand.u32 $0x1, s1  }
0x8c: {  	s17 =	sshll.u32 s0, $0xA;
	s2 =	sadd.s32 s3, s2  }
0x8d: {  	s2 =	sadd.s32 s2, s17  }
0x8e: {  	[smem:$0x3FBE] =	sst s2  }
0x8f: {  	_ = 	snop  }
0x90: {  	s2 =	sld [smem:$0x3FD0];
	(tm) =	ssettm $0x1  }
0x91: {  	s18 =	sld [smem:$0x3FFB];
	_ =	sdelay $0x3  }
0x92: {  	_ =	strace s18  }
0x93: {  	s3 =	sld [smem:$0x3FFC];
	_ =	sdelay $0x3  }
0x94: {  	_ =	strace s3  }
0x95: {  	s3 =	sld [smem:$0x3FFD];
	_ =	sdelay $0x3  }
0x96: {  	_ =	strace s3  }
0x97: {  	_ =	strace $0x8FFFFFFF  }
0x98: {  	s19 =	sld [smem:$0x3FDB];
	_ =	sdelay $0x1  }
0x99: {  	s4 =	simm.s32 $_scs_section_size  }
0x9a: {  	s5 =	simm.s32 $_size__tile_overlayer_lowered;
	s6 =	simm.s32 $_tile_overlayer_lowered  }
0x9b: {  	s22 =	simm.s32 $0x1BFF;
	s21 =	sshll.u32 s6, $0x1;
	s3 =	sadd.s32 s4, s19  }
0x9c: {  	s7 =	simm.s32 $0x0;
	s20 =	sshll.u32 s5, $0x1;
	s5 =	sadd.s32 s21, s3  }
0x9d: {  	[timem:s7], [sflag:s22] =	dma.local [hbm:s5], s20  }
0x9e: {  	_ =	swait.ge [sflag:s22], s20  }
0x9f: {  	s4 =	ssub.s32 $0x0, s20;
	[sflag:s22] =	ssyncset.done $0x0  }
0xa0: {  	[sflag:s22] =	ssyncadd.s32 s4;
	_ =	sdelay $0x1  }
0xa1: {  	s23 =	simm.s32 $0x1B8B  }
0xa2: {  	_ =	swait.ge [sflag:s23], $0x1  }
0xa3: {  	[sflag:s23] =	ssyncset.done $0x0  }
0xa4: {  	s25 =	simm.s32 $0x1B8E;
	s24 =	sld [smem:$0x3FFE];
	[sflag:s23] =	ssyncadd.s32 $0xFFFFFFFF  }
0xa5: {  	s26 =	simm.s32 $execute0_lowered;
	[smem:$0x3FD2] =	sst s25  }
0xa6: {  	s5 =	sshll.u32 s26, $0x1;
	_ =	strace $0x80000052;
	[dreg:$0x1] =	wrdreg $0xFFFFFFFF  }
0xa7: {  	s28 =	simm.s32 $_size_execute0_lowered;
	s3 =	sadd.s32 s3, s5;
	[dreg:$0x0] =	wrdreg $0x0  }
0xa8: {  	s5 =	sshll.u32 s28, $0x1;
	[dreg:$0x2] =	wrdreg s3  }
0xa9: {  	[dreg:$0x3] =	wrdreg s5  }
0xaa: {  	[dreg:$0x4] =	wrdreg $0xC0  }
0xab: {  	_ =	task [dreg:s7], $0x5FFFF  }
0xac: {  	[dreg:$0x1] =	wrdreg $0xFFFFFFFF  }
0xad: {  	[dreg:$0x0] =	wrdreg $0x60  }
0xae: {  	[dreg:$0x2] =	wrdreg s2  }
0xaf: {  	[dreg:$0x3] =	wrdreg s24  }
0xb0: {  	[dreg:$0x4] =	wrdreg $0x52000  }
0xb1: {  	[dreg:$0x5] =	wrdreg $0x9  }
0xb2: {  	_ =	task.clear_ibuf [dreg:s7], $0x6FFFF;
	_ =	strace $0x90000052  }
0xb3: {  	s29 =	simm.s32 $0x9;
	_ =	strace $0x80000054  }
0xb4: {  	_ =	swait.ge [sflag:s29], $0x1  }
0xb5: {  	[sflag:s29] =	ssyncadd.s32 $0xFFFFFFFF  }
0xb6: {  	_ =	strace $0x90000054  }
0xb7: {  	_ =	sfence  }
0xb8: {  	s30 =	sld [smem:$0x0];
	_ =	sdelay $0x2  }
0xb9: {  	s31 =	sshll.u32 s1, $0xD;
	s1 =	sshrl.u32 s1, $0x2  }
0xba: {  	s3 =	sand.u32 $0x4000, s31;
	s1 =	sadd.s32 s1, s30  }
0xbb: {  	s0 =	sor.u32 s3, s0;
	s1 =	sshll.u32 s1, $0x11  }
0xbc: {  	s0 =	sor.u32 s1, s0  }
0xbd: {  	s0 =	sadd.s32 $0x8F2B, s0  }
0xbe: {  	[sflag:s0] =	ssyncadd.remote.s32 $0x1  }
0xbf: {  	_ =	sfence.sel $0xFFFF  }
0xc0: {  	[dreg:$0x0] =	wrdreg $0xFFFFFFFF;
	(pc) =	sbr.abs _section_cstart, $3  }
0xc1: {  	[dreg:$0x1] =	wrdreg $0xFFFFFFFF  }
0xc2: {  	_ =	task.clear_ibuf [dreg:s7], $0x2FFFF;
	_ =	strace $0x9FFFFFFF  }
0xc3: {  	(tm) =	ssettm $0x7FFFFFFF  }
tec
execute0_lowered:
.L_overlay_start_1:
0x0: {  	(tag) =	ssettag $0x1  }
0x1: {  	s1 =	rddreg [dreg:$0x0]  }
0x2: {  	s5 =	rddreg [dreg:$0x1]  }
0x3: {  	s3 =	rddreg [dreg:$0x2]  }
0x4: {  	s4 =	srdreg.scid;
	s0 =	stileid.u32;
	s17 =	simm.s32 $0x4  }
0x5: {  	s18 =	simm.s32 $0x180;
	s19 =	simm.s32 $0x2A00;
	s20 =	simm.s32 $0x3  }
0x6: {  	s21 =	simm.s32 $0x80;
	s22 =	simm.s32 $0x0;
	s7 =	smul.u32 $0x13C00, s0  }
0x7: {  	s6 =	sand.u32 $0x1, s4;
	s4 =	simm.s32 $0x0;
	s12 =	smul.u32 $0x4F000, s0  }
0x8: {  	s11 =	sadd.s32 $0x4A00, s5;
	s14 =	smul.u32 $0x7D00, s0;
	s31 =	sshll.u32 s0, $0x6  }
0x9: {  	s8 =	sshll.u32 s6, $0x4;
	[smem:$0x7FF] =	sst s4;
	s9 =	smul.u32 $0x13C000, s6  }
0xa: {  	s24 =	ssub.s32 $0x2, s6;
	s6 =	smul.u32 $0x7D000, s6;
	s8 =	sor.u32 s0, s8  }
0xb: {  	_ =	strace $0x80000053;
	s10 =	sshrl.u32 s7, $0x3;
	s13 =	sshrl.u32 s24, $0x1  }
0xc: {  	s26 =	sshrl.u32 s12, $0x2;
	s12 =	simm.s32 $0x100;
	s8 =	smul.u32 $0x7D00, s8  }
0xd: {  	s10 =	sadd.s32 s10, s5;
	s7 =	sadd.s32 s7, s9;
	s9 =	ssub.s32 s24, s13  }
0xe: {  	s28 =	sadd.s32 s14, s6;
	s16 =	sadd.s32 s26, s3;
	s13 =	simm.s32 $0x50  }
0xf: {  	s14 =	simm.s32 $0x200;
	s7 =	sshrl.u32 s7, $0x3;
	s29 =	sadd.s32 $0x200, s28  }
0x10: {  	s9 =	smax.u32 s9, $0x1;
	s16 =	sshrl.u32 s16, $0x3;
	s15 =	sadd.s32 s7, s5  }
0x11: {  	s25 =	sshrl.u32 s8, $0x3;
	s7 =	sadd.s32 $0x23E00, s10;
	s30 =	sshrl.u32 s29, $0x3  }
0x12: {  	s5 =	sadd.s32 s11, s25;
	s8 =	sadd.s32 $0x4B600, s15;
	s10 =	sadd.s32 s30, s11  }
0x13: {  	s11 =	simm.s32 $0x5;
	s15 =	sor.u32 $0x1C05, s31;
	s6 =	sadd.s32 $0x20, s5  }
.LBB2_1:
0x14: {  	[tilespmem:s4], [sflag:$0x5] =	stream.linear.gather [hbm4b:s5+s4], $0x100, $0x38;
	[tilespmem:$0x18E00] =	vst v63  }
0x15: {  	_ =	swait.ge [sflag:s11], $0x100  }
0x16: {  	[sflag:s11] =	ssyncset.done $0x0  }
0x17: {  	[sflag:s11] =	ssyncadd.s32 $0xFFFFFF00  }
0x18: {  	[tilespmem:s12], [sflag:$0x2] =	stream.linear.gather [hbm4b:s6+s4], $0x100, $0x38;
	[tilespmem:$0x18E00] =	vst v63  }
0x19: {  	_ = 	snop  }
0x1a: {  	[tilespmem:s14], [sflag:$0x3] =	stream.indirect.gather [hbm4b:s1+s13], $0x80, s4, s13, $0xb8;
	[tilespmem:$0x18E00] =	vst v63  }
0x1b: {  	[spmem:s16], [sflag:s15] =	dma.local [hbm:s7], $0x2780  }
0x1c: {  	_ =	swait.ge [sflag:s11], $0x2780  }
0x1d: {  	s23 =	simm.s32 $0x1;
	[sflag:s11] =	ssyncset.done $0x0  }
0x1e: {  	s28 =	simm.s32 $0x0;
	s23 =	sand.u32 $0x1, s23;
	[sflag:s11] =	ssyncadd.s32 $0xFFFFD880  }
0x1f: {  	s24 =	sadd.s32 $0x1, s23;
	s25 =	smul.u32 $0xA000, s23;
	[bflag:$0x0] =	sbarrier.arrive $0xFFFF  }
0x20: {  	s28 =	sand.u32 $0x1, s28;
	_ =	swait.ge [sflag:s24], $0x100  }
0x21: {  	s26 =	sadd.s32 $0x3, s23;
	s25 =	sshrl.u32 s25, $0x2;
	[sflag:s24] =	ssyncset.done $0x0  }
0x22: {  	s23 =	sshll.u32 s23, $0x8;
	s25 =	sor.u32 $0x200, s25;
	[sflag:s24] =	ssyncadd.s32 $0xFFFFFF00  }
0x23: {  	[tilespmem:s25], [sflag:s26] =	stream.indirect.gather [hbm4b:s1+s13], $0x80, s23, s13, $0xb8;
	[tilespmem:$0x18E00] =	vst v63  }
0x24: {  	s30 =	smul.u32 $0xA000, s28;
	s26 =	sadd.s32 $0x3, s28  }
0x25: {  	_ =	swait.ge [sflag:s26], $0x2800  }
0x26: {  	s24 =	sshll.u32 s28, $0x8;
	s25 =	sshrl.u32 s30, $0x2;
	[sflag:s26] =	ssyncset.done $0x0  }
0x27: {  	s31 =	sor.u32 $0x80, s24;
	s25 =	sor.u32 $0x200, s25;
	[sflag:s26] =	ssyncadd.s32 $0xFFFFD800  }
0x28: {  	[spmem:s3] =	stream.indirect.scatter.add.f32 [tilespmem:s25], [sflag:$0x5], $0x80, s31, s13, $0xb8;
	[tilespmem:$0x18E00] =	vst v63  }
0x29: {  	s29 =	sadd.s32 $0x1, s28;
	s23 =	sadd.s32 $0x20, s10;
	_ =	swait.ge [sflag:s11], $0x2800  }
0x2a: {  	s28 =	smov.u32 s10;
	s25 =	simm.s32 $0x2;
	[sflag:s11] =	ssyncset.done $0x0  }
.LBB2_2:
0x2b: {  	s26 =	sand.u32 $0x1, s25;
	[sflag:s11] =	ssyncadd.s32 $0xFFFFD800  }
0x2c: {  	s30 =	smov.u32 s25;
	s31 =	sadd.s32 $0x1, s25;
	p0 =	sne.s32 s25, $0x7B  }
0x2d: {  	[tilespmem:s24], [sflag:s29] =	stream.linear.gather [hbm4b:s28+s4], $0x100, $0x38;
	[tilespmem:$0x18E00] =	vst v63  }
0x2e: {  	s24 =	sadd.s32 $0x1, s26;
	s28 =	smul.u32 $0xA000, s26;
	s29 =	sadd.s32 $0x3, s26  }
0x2f: {  	s30 =	sadd.s32 $0xFFFFFFFF, s30;
	s0 =	sshll.u32 s26, $0x8;
	_ =	swait.ge [sflag:s24], $0x100  }
0x30: {  	s2 =	sand.u32 $0x1, s30;
	s26 =	sshrl.u32 s28, $0x2;
	[sflag:s24] =	ssyncset.done $0x0  }
0x31: {  	[sflag:s24] =	ssyncadd.s32 $0xFFFFFF00;
	s24 =	sor.u32 $0x200, s26;
	s26 =	sadd.s32 $0x3, s2  }
0x32: {  	[tilespmem:s24], [sflag:s29] =	stream.indirect.gather [hbm4b:s1+s13], $0x80, s0, s13, $0xb8;
	[tilespmem:$0x18E00] =	vst v63  }
0x33: {  	s0 =	smul.u32 $0xA000, s2;
	s24 =	sshll.u32 s2, $0x8;
	_ =	swait.ge [sflag:s26], $0x2800  }
0x34: {  	s28 =	smov.u32 s23;
	s25 =	sor.u32 $0x80, s24;
	[sflag:s26] =	ssyncset.done $0x0  }
.Ltmp0:
0x35: {  	s0 =	sshrl.u32 s0, $0x2;
	[sflag:s26] =	ssyncadd.s32 $0xFFFFD800;
	(pc) =	sbr.rel @p0 .LBB2_2-.Ltmp0, $4  }
0x36: {  	s30 =	sor.u32 $0x200, s0  }
0x37: {  	[spmem:s3] =	stream.indirect.scatter.add.f32 [tilespmem:s30], [sflag:$0x5], $0x80, s25, s13, $0xb8;
	[tilespmem:$0x18E00] =	vst v63  }
0x38: {  	s23 =	sadd.s32 $0x20, s23;
	_ =	swait.ge [sflag:s11], $0x2800  }
0x39: {  	s29 =	sadd.s32 $0x1, s2;
	s25 =	smov.u32 s31;
	[sflag:s11] =	ssyncset.done $0x0  }
0x3a: {  	[sflag:s11] =	ssyncadd.s32 $0xFFFFD800  }
0x3b: {  	[tilespmem:s24], [sflag:s29] =	stream.linear.gather [hbm4b:s28+s4], $0x100, $0x38;
	[tilespmem:$0x18E00] =	vst v63  }
0x3c: {  	_ =	swait.ge [sflag:s29], $0x100  }
0x3d: {  	[sflag:s29] =	ssyncset.done $0x0  }
0x3e: {  	[sflag:s29] =	ssyncadd.s32 $0xFFFFFF00  }
0x3f: {  	[tilespmem:s30], [sflag:s26] =	stream.indirect.gather [hbm4b:s1+s13], $0x80, s24, s13, $0xb8;
	[tilespmem:$0x18E00] =	vst v63  }
0x40: {  	_ =	swait.ge [sflag:s17], $0x2800  }
0x41: {  	[sflag:s17] =	ssyncset.done $0x0  }
0x42: {  	[sflag:s17] =	ssyncadd.s32 $0xFFFFD800  }
0x43: {  	[spmem:s3] =	stream.indirect.scatter.add.f32 [tilespmem:s19], [sflag:$0x5], $0x80, s18, s13, $0xb8;
	[tilespmem:$0x18E00] =	vst v63  }
0x44: {  	_ =	swait.ge [sflag:s11], $0x2800  }
0x45: {  	[sflag:s11] =	ssyncset.done $0x0  }
0x46: {  	[sflag:s11] =	ssyncadd.s32 $0xFFFFD800  }
0x47: {  	_ =	swait.ge [sflag:s20], $0x2800  }
0x48: {  	[sflag:s20] =	ssyncset.done $0x0  }
0x49: {  	[sflag:s20] =	ssyncadd.s32 $0xFFFFD800  }
0x4a: {  	[spmem:s3] =	stream.indirect.scatter.add.f32 [tilespmem:s14], [sflag:$0x5], $0x80, s21, s13, $0xb8;
	[tilespmem:$0x18E00] =	vst v63  }
0x4b: {  	_ =	swait.ge [sflag:s11], $0x2800  }
0x4c: {  	s22 =	sadd.s32 $0x1, s22;
	[sflag:s11] =	ssyncset.done $0x0  }
0x4d: {  	p0 =	sne.s32 s22, s9;
	[sflag:s11] =	ssyncadd.s32 $0xFFFFD800  }
.Ltmp1:
0x4e: {  	[bflag:$0x0] =	sbarrier.arrive $0xFFFF;
	(pc) =	sbr.rel @p0 .LBB2_1-.Ltmp1, $4  }
0x4f: {  	[hbm:s8], [sflag:s15] =	dma.local [spmem:s16], $0x2780  }
0x50: {  	_ =	swait.ge [sflag:s11], $0x2780  }
0x51: {  	[sflag:s11] =	ssyncset.done $0x0  }
0x52: {  	[sflag:s11] =	ssyncadd.s32 $0xFFFFD880  }
0x53: {  	_ =	sfence.sel $0x180000  }
0x54: {  	[bflag:$0x0] =	sbarrier.arrive $0xFFFF  }
0x55: {  	_ =	strace $0x90000053  }
0x56: {  	s0 =	stileid.u32;
	[bflag:$0x2] =	sbarrier.arrive $0xFFFF  }
0x57: {  	p0 =	sne.s32 s0, $0x0;
	s0 =	rddreg [dreg:$0x3]  }
0x58: {  	s0 =	sadd.s32 @!p0 $0x100000, s0  }
0x59: {  	[sflag:s0] =	ssyncadd.tile.s32 @!p0 $0x1;
	_ =	shalt  }
.Lfunc_end2:
_tile_overlayer_lowered:
.L_overlay_start_2:
0x5a: {  	(tag) =	ssettag $0x2  }
0x5b: {  	s0 =	rddreg [dreg:$0x0];
	s2 =	stileid.u32  }
0x5c: {  	s1 =	rddreg [dreg:$0x1];
	p0 =	sne.s32 s2, $0x0  }
0x5d: {  	s3 =	rddreg [dreg:$0x2];
	[bflag:$0x3] =	sbarrier.arrive $0xFFFF;
	s2 =	simm.s32 @!p0 $0x1C05  }
0x5e: {  	[timem:s3], [sflag:s2] =	dma.local @!p0 [hbm:s0], s1  }
0x5f: {  	s0 =	simm.s32 @!p0 $0x5  }
0x60: {  	_ =	swait.ge @!p0 [sflag:s0], s1  }
0x61: {  	s1 =	ssub.s32 @!p0 $0x0, s1;
	[sflag:s0] =	ssyncset.done @!p0 $0x0  }
0x62: {  	[sflag:s0] =	ssyncadd.s32 @!p0 s1  }
0x63: {  	[bflag:$0x3] =	sbarrier.arrive $0xFFFF  }
0x64: {  	_ =	shalt  }

</sc_bundles>
